<compile_context>
chip_gen: v7x
topology: tpu7x:2x2x1
jax: 0.10.2.dev20260603
libtpu: 0.0.44.dev20260713+nightly
codegen_flags: <defaults>
</compile_context>

<pallas_src>
import functools

import jax
import jax.numpy as jnp
from jax import lax
from jax.experimental import pallas as pl
from jax.experimental.pallas import tpu as pltpu
from jax.experimental.pallas import tpu_sc as plsc

N = 10000
E = 160000
D = 256
H = 128
NP = 10240
NS = 16
RH = NP // 2
TR = 64
AR = RH + TR
ZS = AR // NS
DS = RH // NS
SL = NP // NS
K = 80
K2 = 40
RB = 512
NRB = NP // RB
CAP = 44
CAPE = CAP * 128
TCAP = 2 * CAPE

_mesh = plsc.VectorSubcoreMesh(core_axis_name="c", subcore_axis_name="s")



@functools.partial(
    pl.kernel,
    mesh=_mesh,
    out_type=jax.ShapeDtypeStruct((2 * NP,), jnp.float32),
    scratch_types=[
        pltpu.VMEM((K2, 128), jnp.int32),
        pltpu.VMEM((128,), jnp.float32),
        pltpu.VMEM_SHARED((NP,), jnp.float32),
    ],
)
def _deg_kernel(dstd_hbm, zvec_hbm, degp_hbm, idx_v, ones_v, deg_sh):
    c = lax.axis_index("c")
    s = lax.axis_index("s")
    pltpu.sync_copy(dstd_hbm.at[c, s], idx_v)
    for k in range(8):
        ones_v[pl.ds(16 * k, 16)] = jnp.ones((16,), jnp.float32)
    pltpu.sync_copy(zvec_hbm, deg_sh.at[pl.ds(s * SL, SL)])
    plsc.subcore_barrier()

    def body(j, carry):
        pltpu.sync_copy(ones_v, deg_sh.at[idx_v.at[j]], add=True)
        return carry

    lax.fori_loop(0, K2, body, 0)
    plsc.subcore_barrier()
    pltpu.sync_copy(deg_sh.at[pl.ds(s * SL, SL)],
                    degp_hbm.at[pl.ds(c * NP + s * SL, SL)])


@functools.partial(
    pl.kernel,
    mesh=_mesh,
    out_type=[
        jax.ShapeDtypeStruct((2, NS * TCAP), jnp.int32),
        jax.ShapeDtypeStruct((2, NS * TCAP), jnp.int32),
    ],
    scratch_types=[
        pltpu.VMEM((K, 128), jnp.int32),
        pltpu.VMEM((K, 128), jnp.int32),
        pltpu.VMEM((K, 128), jnp.int32),
        pltpu.VMEM((TCAP,), jnp.int32),
        pltpu.VMEM((TCAP,), jnp.int32),
        pltpu.VMEM((128,), jnp.int32),
        pltpu.VMEM((128,), jnp.int32),
        pltpu.VMEM_SHARED((NS * TCAP,), jnp.int32),
        pltpu.VMEM_SHARED((NS * TCAP,), jnp.int32),
    ],
)
def _perm_kernel(srcm_hbm, dstm_hbm, posm_hbm, tsrc_hbm, tdst_hbm,
                 bsrc_hbm, bdst_hbm,
                 src_v, dst_v, pos_v, tsrc_v, tdst_v, stage, pstage,
                 bsrc_sh, bdst_sh):
    c = lax.axis_index("c")
    s = lax.axis_index("s")
    coff = c * NP
    base = s * TCAP
    pltpu.sync_copy(srcm_hbm.at[s], src_v)
    pltpu.sync_copy(dstm_hbm.at[s], dst_v)
    pltpu.sync_copy(posm_hbm.at[s], pos_v)
    pltpu.sync_copy(tsrc_hbm, tsrc_v)
    pltpu.sync_copy(tdst_hbm, tdst_v)

    def addoff(j, carry):
        tsrc_v[pl.ds(j * 16, 16)] = tsrc_v[pl.ds(j * 16, 16)] + coff
        return carry

    lax.fori_loop(0, TCAP // 16, addoff, 0)
    pltpu.sync_copy(tsrc_v, bsrc_sh.at[pl.ds(base, TCAP)])
    pltpu.sync_copy(tdst_v, bdst_sh.at[pl.ds(base, TCAP)])

    def body(j, carry):
        for k in range(8):
            stage[pl.ds(k * 16, 16)] = src_v[j, pl.ds(k * 16, 16)] + coff
            pstage[pl.ds(k * 16, 16)] = pos_v[j, pl.ds(k * 16, 16)] + base
        pltpu.sync_copy(stage, bsrc_sh.at[pstage])
        pltpu.sync_copy(dst_v.at[j], bdst_sh.at[pstage])
        return carry

    lax.fori_loop(0, K, body, 0)
    pltpu.sync_copy(bsrc_sh.at[pl.ds(base, TCAP)],
                    bsrc_hbm.at[c, pl.ds(base, TCAP)])
    pltpu.sync_copy(bdst_sh.at[pl.ds(base, TCAP)],
                    bdst_hbm.at[c, pl.ds(base, TCAP)])


@functools.partial(
    pl.kernel,
    mesh=_mesh,
    out_type=jax.ShapeDtypeStruct((2 * NP, H), jnp.float32),
    scratch_types=[
        pltpu.VMEM((CAP, 128), jnp.int32),
        pltpu.VMEM((CAP, 128), jnp.int32),
        pltpu.VMEM((2, 128, H), jnp.float32),
        pltpu.VMEM_SHARED((AR, H), jnp.float32),
        pltpu.SemaphoreType.DMA,
        pltpu.SemaphoreType.DMA,
    ],
)
def _mp_kernel(g_hbm, bsrc_hbm, bdst_hbm, zrows_hbm, s_hbm,
               src_v, dst_v, buf_v, acc_sh, sem0, sem1):
    c = lax.axis_index("c")
    s = lax.axis_index("s")
    buf0 = buf_v.at[0]
    buf1 = buf_v.at[1]

    for p in range(2):
        pltpu.sync_copy(bsrc_hbm.at[c, s, p], src_v)
        pltpu.sync_copy(bdst_hbm.at[c, s, p], dst_v)
        pltpu.sync_copy(zrows_hbm, acc_sh.at[pl.ds(s * ZS, ZS)])
        plsc.subcore_barrier()

        pltpu.async_copy(g_hbm.at[src_v.at[0]], buf0, sem0)

        def body(i, carry):
            j0 = 2 * i
            j1 = 2 * i + 1
            pltpu.async_copy(g_hbm.at[src_v.at[j1]], buf1, sem1)
            pltpu.make_async_copy(g_hbm.at[src_v.at[j0]], buf0, sem0).wait()
            pltpu.sync_copy(buf0, acc_sh.at[dst_v.at[j0]], add=True)

            @pl.when(i + 1 < CAP // 2)
            def _():
                pltpu.async_copy(g_hbm.at[src_v.at[j1 + 1]], buf0, sem0)

            pltpu.make_async_copy(g_hbm.at[src_v.at[j1]], buf1, sem1).wait()
            pltpu.sync_copy(buf1, acc_sh.at[dst_v.at[j1]], add=True)
            return carry

        lax.fori_loop(0, CAP // 2, body, 0)
        plsc.subcore_barrier()
        pltpu.sync_copy(acc_sh.at[pl.ds(s * DS, DS)],
                        s_hbm.at[pl.ds(c * NP + p * RH + s * DS, DS)])
        plsc.subcore_barrier()



def _tc1_body(emb_ref, dplo_ref, dphi_ref, gamma_ref, beta_ref, w1_ref,
              g_ref, dinv_ref):
    x = emb_ref[...]
    mu = jnp.mean(x, axis=1, keepdims=True)
    var = jnp.mean((x - mu) ** 2, axis=1, keepdims=True)
    xn = (x - mu) * lax.rsqrt(var + 1e-5) * gamma_ref[...][None, :] \
        + beta_ref[...][None, :]
    deg = dplo_ref[...] + dphi_ref[...] + 1.0
    dv = lax.rsqrt(deg)
    h = jnp.dot(xn, w1_ref[0], preferred_element_type=jnp.float32)
    g_ref[...] = dv[:, None] * h
    dinv_ref[...] = dv


def _tc2_body(slo_ref, shi_ref, glo_ref, ghi_ref, dinv_ref, w2_ref, b1_ref,
              gout_ref):
    dv = dinv_ref[...][:, None]
    b1 = b1_ref[...]
    w2 = w2_ref[0]
    x1_lo = dv * (slo_ref[...] + glo_ref[...]) + b1[None, :H]
    x1_hi = dv * (shi_ref[...] + ghi_ref[...]) + b1[None, H:]
    h2 = jnp.dot(x1_lo, w2[:H, :], preferred_element_type=jnp.float32) \
        + jnp.dot(x1_hi, w2[H:, :], preferred_element_type=jnp.float32)
    gout_ref[...] = dv * h2


def _tc3_body(slo_ref, shi_ref, glo_ref, ghi_ref, dinv_ref, b2_ref, out_ref):
    dv = dinv_ref[...][:, None]
    b2 = b2_ref[...]
    out_ref[:, :H] = dv * (slo_ref[...] + glo_ref[...]) + b2[None, :H]
    out_ref[:, H:] = dv * (shi_ref[...] + ghi_ref[...]) + b2[None, H:]


_tc1 = pl.pallas_call(
    _tc1_body,
    grid=(NRB, 2),
    in_specs=[
        pl.BlockSpec((RB, D), lambda i, q: (i, 0)),
        pl.BlockSpec((RB,), lambda i, q: (i,)),
        pl.BlockSpec((RB,), lambda i, q: (i + NRB,)),
        pl.BlockSpec((D,), lambda i, q: (0,)),
        pl.BlockSpec((D,), lambda i, q: (0,)),
        pl.BlockSpec((1, D, H), lambda i, q: (q, 0, 0)),
    ],
    out_specs=[
        pl.BlockSpec((RB, H), lambda i, q: (q * NRB + i, 0)),
        pl.BlockSpec((RB,), lambda i, q: (i,)),
    ],
    out_shape=[
        jax.ShapeDtypeStruct((2 * NP, H), jnp.float32),
        jax.ShapeDtypeStruct((NP,), jnp.float32),
    ],
)

_tc2 = pl.pallas_call(
    _tc2_body,
    grid=(NRB, 2),
    in_specs=[
        pl.BlockSpec((RB, H), lambda i, q: (i, 0)),
        pl.BlockSpec((RB, H), lambda i, q: (i + NRB, 0)),
        pl.BlockSpec((RB, H), lambda i, q: (i, 0)),
        pl.BlockSpec((RB, H), lambda i, q: (i + NRB, 0)),
        pl.BlockSpec((RB,), lambda i, q: (i,)),
        pl.BlockSpec((1, D, H), lambda i, q: (q, 0, 0)),
        pl.BlockSpec((D,), lambda i, q: (0,)),
    ],
    out_specs=pl.BlockSpec((RB, H), lambda i, q: (q * NRB + i, 0)),
    out_shape=jax.ShapeDtypeStruct((2 * NP, H), jnp.float32),
)

_tc3 = pl.pallas_call(
    _tc3_body,
    grid=(NRB,),
    in_specs=[
        pl.BlockSpec((RB, H), lambda i: (i, 0)),
        pl.BlockSpec((RB, H), lambda i: (i + NRB, 0)),
        pl.BlockSpec((RB, H), lambda i: (i, 0)),
        pl.BlockSpec((RB, H), lambda i: (i + NRB, 0)),
        pl.BlockSpec((RB,), lambda i: (i,)),
        pl.BlockSpec((D,), lambda i: (0,)),
    ],
    out_specs=pl.BlockSpec((RB, D), lambda i: (i, 0)),
    out_shape=jax.ShapeDtypeStruct((NP, D), jnp.float32),
)



def kernel(nodes, edges, node_type, edge_type, time_step,
           embed_table, gamma, beta, W1, b1, W2, b2):
    src = edges[0].astype(jnp.int32)
    dst = edges[1].astype(jnp.int32)

    emb_p = jnp.pad(embed_table, ((0, NP - N), (0, 0)))

    padm = NS * K * 128 - E
    src_pad = jnp.arange(padm, dtype=jnp.int32) % N
    dst_pad = N + jnp.arange(padm, dtype=jnp.int32) % (NP - N)
    src_m = jnp.concatenate([src, src_pad]).reshape(NS, K, 128)
    dst_full = jnp.concatenate([dst, dst_pad]).reshape(NS, K * 128)
    m0 = dst_full < RH
    cs = jnp.cumsum(m0.astype(jnp.int32), axis=1)
    r1 = jnp.arange(K * 128, dtype=jnp.int32)[None, :] + 1 - cs
    pos_u = jnp.where(m0, jnp.minimum(cs - 1, CAPE - 1),
                      CAPE + jnp.minimum(r1 - 1, CAPE - 1))
    dst_adj = jnp.where(m0, dst_full, dst_full - RH)
    pos_m = pos_u.reshape(NS, K, 128)
    dst_m = dst_adj.reshape(NS, K, 128)
    tmpl_src = jnp.arange(TCAP, dtype=jnp.int32) % N
    tmpl_dst = RH + jnp.arange(TCAP, dtype=jnp.int32) % TR

    padd = NS * K2 * 128 - E // 2
    trash = N + jnp.arange(padd, dtype=jnp.int32) % (NP - N)
    dst_d = jnp.concatenate(
        [dst.reshape(2, E // 2), jnp.stack([trash, trash])], axis=1
    ).reshape(2, NS, K2, 128)

    zvec = jnp.zeros((SL,), jnp.float32)
    zrows = jnp.zeros((ZS, H), jnp.float32)

    W1s = jnp.stack([W1[:, :H], W1[:, H:]])
    W2s = jnp.stack([W2[:, :H], W2[:, H:]])

    bsrc, bdst = _perm_kernel(src_m, dst_m, pos_m, tmpl_src, tmpl_dst)
    bsrc = bsrc.reshape(2, NS, 2, CAP, 128)
    bdst = bdst.reshape(2, NS, 2, CAP, 128)
    degp = _deg_kernel(dst_d, zvec)
    g1, dinv = _tc1(emb_p, degp, degp, gamma, beta, W1s)
    s1 = _mp_kernel(g1, bsrc, bdst, zrows)
    g2 = _tc2(s1, s1, g1, g1, dinv, W2s, b1)
    s2 = _mp_kernel(g2, bsrc, bdst, zrows)
    out = _tc3(s2, s2, g2, g2, dinv, b2)
    return out[:N]

# --- scband reference (transcript-rebuilt; emitter-appended) ---
"""Pipeline reference for scband-gnn-65704409694770 (READ-ONLY COPY).

The authoritative reference and input builder live on the scoring server;
editing this copy changes nothing except your own understanding.
"""

import jax, jax.numpy as jnp
import numpy as np

N_NODES = 10000
N_EDGES = 160000
D = 256


def setup_inputs(seed: int = 0) -> dict:
    key = jax.random.key(seed)
    ks = jax.random.split(key, 8)
    nodes = jnp.arange(N_NODES, dtype=jnp.int32)
    edges = jax.random.randint(ks[0], (2, N_EDGES), 0, N_NODES, dtype=jnp.int32)
    node_type = jax.random.randint(ks[1], (N_NODES,), 0, 3, dtype=jnp.int32)
    edge_type = jax.random.randint(ks[2], (N_EDGES,), 0, 3, dtype=jnp.int32)
    embed_table = jax.random.normal(ks[3], (N_NODES, D), dtype=jnp.float32)
    gamma = jnp.ones((D,), dtype=jnp.float32)
    beta = jnp.zeros((D,), dtype=jnp.float32)
    W1 = jax.random.normal(ks[4], (D, D), dtype=jnp.float32) * (1.0 / np.sqrt(D))
    b1 = jnp.zeros((D,), dtype=jnp.float32)
    W2 = jax.random.normal(ks[5], (D, D), dtype=jnp.float32) * (1.0 / np.sqrt(D))
    b2 = jnp.zeros((D,), dtype=jnp.float32)
    return {"nodes": nodes, "edges": edges, "node_type": node_type,
            "edge_type": edge_type, "time_step": 0,
            "embed_table": embed_table, "gamma": gamma, "beta": beta,
            "W1": W1, "b1": b1, "W2": W2, "b2": b2}


def _layer_norm(x, g, b, eps=1e-5):
    mu = jnp.mean(x, axis=-1, keepdims=True)
    var = jnp.mean((x - mu) ** 2, axis=-1, keepdims=True)
    return (x - mu) / jnp.sqrt(var + eps) * g + b


def _gcn(x, W, b, src, dst, n):
    # GCNConv with added self-loops and symmetric normalization
    loop = jnp.arange(n, dtype=src.dtype)
    src2 = jnp.concatenate([src, loop])
    dst2 = jnp.concatenate([dst, loop])
    deg = jnp.zeros((n,), x.dtype).at[dst2].add(1.0)
    dinv = jnp.where(deg > 0, 1.0 / jnp.sqrt(deg), 0.0)
    norm = dinv[src2] * dinv[dst2]
    h = x @ W
    out = jnp.zeros_like(h).at[dst2].add(h[src2] * norm[:, None])
    return out + b


def reference(nodes, edges, node_type, edge_type, time_step,
              embed_table, gamma, beta, W1, b1, W2, b2):
    # embedding lookup (time_step selects table; single table here) + layer norm
    x = _layer_norm(jnp.take(embed_table, nodes, axis=0), gamma, beta)
    src, dst = edges[0], edges[1]
    n = nodes.shape[0]
    x = _gcn(x, W1, b1, src, dst, n)
    x = _gcn(x, W2, b2, src, dst, n)
    return x

if __name__ == "__main__":
    import jax
    _d = setup_inputs()
    print(jax.jit(kernel)(*tuple(_d.values())))

</pallas_src>

<mosaic_0001>
#map = affine_map<(d0, d1) -> (0, 0, 0)>
#map1 = affine_map<(d0, d1) -> (0)>
#map2 = affine_map<(d0, d1) -> (0, 0)>
module attributes {stable_mosaic.version = 14 : i64} {
  func.func @_perm_kernel(%arg0: i32, %arg1: i32, %arg2: memref<16x80x128xi32, #tpu.memory_space<hbm>>, %arg3: memref<16x80x128xi32, #tpu.memory_space<hbm>>, %arg4: memref<16x80x128xi32, #tpu.memory_space<hbm>>, %arg5: memref<11264xi32, #tpu.memory_space<hbm>>, %arg6: memref<11264xi32, #tpu.memory_space<hbm>>, %arg7: memref<2x180224xi32, #tpu.memory_space<hbm>>, %arg8: memref<2x180224xi32, #tpu.memory_space<hbm>>, %arg9: memref<80x128xi32, #tpu.memory_space<vmem>>, %arg10: memref<80x128xi32, #tpu.memory_space<vmem>>, %arg11: memref<80x128xi32, #tpu.memory_space<vmem>>, %arg12: memref<11264xi32, #tpu.memory_space<vmem>>, %arg13: memref<11264xi32, #tpu.memory_space<vmem>>, %arg14: memref<128xi32, #tpu.memory_space<vmem>>, %arg15: memref<128xi32, #tpu.memory_space<vmem>>, %arg16: memref<180224xi32, #tpu.memory_space<vmem_shared>>, %arg17: memref<180224xi32, #tpu.memory_space<vmem_shared>>) attributes {dimension_semantics = [#tpu.dimension_semantics<core_parallel>, #tpu.dimension_semantics<subcore_parallel>], iteration_bounds = array<i64: 2, 16>, scalar_prefetch = 0 : i64, scratch_operands = 9 : i64, tpu.core_type = #tpu.core_type<sc_vector_subcore>, window_params = [{transform_indices = #map}, {transform_indices = #map}, {transform_indices = #map}, {transform_indices = #map1}, {transform_indices = #map1}, {transform_indices = #map2}, {transform_indices = #map2}]} {
    %mul3A = arith.constant 10240 : i32
    %mul3A_0 = arith.muli %arg0, %mul3A : i32
    %mul3A_1 = arith.constant 11264 : i32
    %mul3A_2 = arith.muli %arg1, %mul3A_1 : i32
    "tpu.region"() ({
      %run_scoped3A = tpu.sem_alloc : memref<!tpu.dma_semaphore, #tpu.memory_space<semaphore_mem>>
      %dma_start3A = arith.constant 0 : i32
      %dma_start3A_14 = arith.constant 0 : i32
      %dma_start3A_15 = tpu.memref_slice %arg2[%arg1, %dma_start3A, %dma_start3A_14] : memref<16x80x128xi32, #tpu.memory_space<hbm>> -> memref<1x80x128xi32, #tpu.memory_space<hbm>>
      %dma_start3A_16 = tpu.memref_squeeze %dma_start3A_15 : memref<1x80x128xi32, #tpu.memory_space<hbm>> -> memref<80x128xi32, #tpu.memory_space<hbm>>
      %dma_start3A_17 = arith.constant 0 : i32
      %dma_start3A_18 = arith.constant 0 : i32
      %dma_start3A_19 = tpu.memref_slice %arg2[%arg1, %dma_start3A_17, %dma_start3A_18] : memref<16x80x128xi32, #tpu.memory_space<hbm>> -> memref<1x80x128xi32, #tpu.memory_space<hbm>>
      %dma_start3A_20 = tpu.memref_squeeze %dma_start3A_19 : memref<1x80x128xi32, #tpu.memory_space<hbm>> -> memref<80x128xi32, #tpu.memory_space<hbm>>
      tpu.enqueue_dma source(%dma_start3A_20 : memref<80x128xi32, #tpu.memory_space<hbm>>) target(%arg9 : memref<80x128xi32, #tpu.memory_space<vmem>>) target_semaphore(%run_scoped3A : memref<!tpu.dma_semaphore, #tpu.memory_space<semaphore_mem>>)
      %dma_wait3A = arith.constant 0 : i32
      %dma_wait3A_21 = arith.constant 0 : i32
      %dma_wait3A_22 = tpu.memref_slice %arg2[%arg1, %dma_wait3A, %dma_wait3A_21] : memref<16x80x128xi32, #tpu.memory_space<hbm>> -> memref<1x80x128xi32, #tpu.memory_space<hbm>>
      %dma_wait3A_23 = tpu.memref_squeeze %dma_wait3A_22 : memref<1x80x128xi32, #tpu.memory_space<hbm>> -> memref<80x128xi32, #tpu.memory_space<hbm>>
      %dma_wait3A_24 = arith.constant 0 : i32
      %dma_wait3A_25 = arith.constant 0 : i32
      %dma_wait3A_26 = tpu.memref_slice %arg2[%arg1, %dma_wait3A_24, %dma_wait3A_25] : memref<16x80x128xi32, #tpu.memory_space<hbm>> -> memref<1x80x128xi32, #tpu.memory_space<hbm>>
      %dma_wait3A_27 = tpu.memref_squeeze %dma_wait3A_26 : memref<1x80x128xi32, #tpu.memory_space<hbm>> -> memref<80x128xi32, #tpu.memory_space<hbm>>
      tpu.wait_dma2 semaphore(%run_scoped3A : memref<!tpu.dma_semaphore, #tpu.memory_space<semaphore_mem>>) src(%dma_wait3A_27 : memref<80x128xi32, #tpu.memory_space<hbm>>) dst(%arg9 : memref<80x128xi32, #tpu.memory_space<vmem>>)
      tpu.yield
    }) : () -> ()
    "tpu.region"() ({
      %run_scoped3A = tpu.sem_alloc : memref<!tpu.dma_semaphore, #tpu.memory_space<semaphore_mem>>
      %dma_start3A = arith.constant 0 : i32
      %dma_start3A_14 = arith.constant 0 : i32
      %dma_start3A_15 = tpu.memref_slice %arg3[%arg1, %dma_start3A, %dma_start3A_14] : memref<16x80x128xi32, #tpu.memory_space<hbm>> -> memref<1x80x128xi32, #tpu.memory_space<hbm>>
      %dma_start3A_16 = tpu.memref_squeeze %dma_start3A_15 : memref<1x80x128xi32, #tpu.memory_space<hbm>> -> memref<80x128xi32, #tpu.memory_space<hbm>>
      %dma_start3A_17 = arith.constant 0 : i32
      %dma_start3A_18 = arith.constant 0 : i32
      %dma_start3A_19 = tpu.memref_slice %arg3[%arg1, %dma_start3A_17, %dma_start3A_18] : memref<16x80x128xi32, #tpu.memory_space<hbm>> -> memref<1x80x128xi32, #tpu.memory_space<hbm>>
      %dma_start3A_20 = tpu.memref_squeeze %dma_start3A_19 : memref<1x80x128xi32, #tpu.memory_space<hbm>> -> memref<80x128xi32, #tpu.memory_space<hbm>>
      tpu.enqueue_dma source(%dma_start3A_20 : memref<80x128xi32, #tpu.memory_space<hbm>>) target(%arg10 : memref<80x128xi32, #tpu.memory_space<vmem>>) target_semaphore(%run_scoped3A : memref<!tpu.dma_semaphore, #tpu.memory_space<semaphore_mem>>)
      %dma_wait3A = arith.constant 0 : i32
      %dma_wait3A_21 = arith.constant 0 : i32
      %dma_wait3A_22 = tpu.memref_slice %arg3[%arg1, %dma_wait3A, %dma_wait3A_21] : memref<16x80x128xi32, #tpu.memory_space<hbm>> -> memref<1x80x128xi32, #tpu.memory_space<hbm>>
      %dma_wait3A_23 = tpu.memref_squeeze %dma_wait3A_22 : memref<1x80x128xi32, #tpu.memory_space<hbm>> -> memref<80x128xi32, #tpu.memory_space<hbm>>
      %dma_wait3A_24 = arith.constant 0 : i32
      %dma_wait3A_25 = arith.constant 0 : i32
      %dma_wait3A_26 = tpu.memref_slice %arg3[%arg1, %dma_wait3A_24, %dma_wait3A_25] : memref<16x80x128xi32, #tpu.memory_space<hbm>> -> memref<1x80x128xi32, #tpu.memory_space<hbm>>
      %dma_wait3A_27 = tpu.memref_squeeze %dma_wait3A_26 : memref<1x80x128xi32, #tpu.memory_space<hbm>> -> memref<80x128xi32, #tpu.memory_space<hbm>>
      tpu.wait_dma2 semaphore(%run_scoped3A : memref<!tpu.dma_semaphore, #tpu.memory_space<semaphore_mem>>) src(%dma_wait3A_27 : memref<80x128xi32, #tpu.memory_space<hbm>>) dst(%arg10 : memref<80x128xi32, #tpu.memory_space<vmem>>)
      tpu.yield
    }) : () -> ()
    "tpu.region"() ({
      %run_scoped3A = tpu.sem_alloc : memref<!tpu.dma_semaphore, #tpu.memory_space<semaphore_mem>>
      %dma_start3A = arith.constant 0 : i32
      %dma_start3A_14 = arith.constant 0 : i32
      %dma_start3A_15 = tpu.memref_slice %arg4[%arg1, %dma_start3A, %dma_start3A_14] : memref<16x80x128xi32, #tpu.memory_space<hbm>> -> memref<1x80x128xi32, #tpu.memory_space<hbm>>
      %dma_start3A_16 = tpu.memref_squeeze %dma_start3A_15 : memref<1x80x128xi32, #tpu.memory_space<hbm>> -> memref<80x128xi32, #tpu.memory_space<hbm>>
      %dma_start3A_17 = arith.constant 0 : i32
      %dma_start3A_18 = arith.constant 0 : i32
      %dma_start3A_19 = tpu.memref_slice %arg4[%arg1, %dma_start3A_17, %dma_start3A_18] : memref<16x80x128xi32, #tpu.memory_space<hbm>> -> memref<1x80x128xi32, #tpu.memory_space<hbm>>
      %dma_start3A_20 = tpu.memref_squeeze %dma_start3A_19 : memref<1x80x128xi32, #tpu.memory_space<hbm>> -> memref<80x128xi32, #tpu.memory_space<hbm>>
      tpu.enqueue_dma source(%dma_start3A_20 : memref<80x128xi32, #tpu.memory_space<hbm>>) target(%arg11 : memref<80x128xi32, #tpu.memory_space<vmem>>) target_semaphore(%run_scoped3A : memref<!tpu.dma_semaphore, #tpu.memory_space<semaphore_mem>>)
      %dma_wait3A = arith.constant 0 : i32
      %dma_wait3A_21 = arith.constant 0 : i32
      %dma_wait3A_22 = tpu.memref_slice %arg4[%arg1, %dma_wait3A, %dma_wait3A_21] : memref<16x80x128xi32, #tpu.memory_space<hbm>> -> memref<1x80x128xi32, #tpu.memory_space<hbm>>
      %dma_wait3A_23 = tpu.memref_squeeze %dma_wait3A_22 : memref<1x80x128xi32, #tpu.memory_space<hbm>> -> memref<80x128xi32, #tpu.memory_space<hbm>>
      %dma_wait3A_24 = arith.constant 0 : i32
      %dma_wait3A_25 = arith.constant 0 : i32
      %dma_wait3A_26 = tpu.memref_slice %arg4[%arg1, %dma_wait3A_24, %dma_wait3A_25] : memref<16x80x128xi32, #tpu.memory_space<hbm>> -> memref<1x80x128xi32, #tpu.memory_space<hbm>>
      %dma_wait3A_27 = tpu.memref_squeeze %dma_wait3A_26 : memref<1x80x128xi32, #tpu.memory_space<hbm>> -> memref<80x128xi32, #tpu.memory_space<hbm>>
      tpu.wait_dma2 semaphore(%run_scoped3A : memref<!tpu.dma_semaphore, #tpu.memory_space<semaphore_mem>>) src(%dma_wait3A_27 : memref<80x128xi32, #tpu.memory_space<hbm>>) dst(%arg11 : memref<80x128xi32, #tpu.memory_space<vmem>>)
      tpu.yield
    }) : () -> ()
    "tpu.region"() ({
      %run_scoped3A = tpu.sem_alloc : memref<!tpu.dma_semaphore, #tpu.memory_space<semaphore_mem>>
      tpu.enqueue_dma source(%arg5 : memref<11264xi32, #tpu.memory_space<hbm>>) target(%arg12 : memref<11264xi32, #tpu.memory_space<vmem>>) target_semaphore(%run_scoped3A : memref<!tpu.dma_semaphore, #tpu.memory_space<semaphore_mem>>)
      tpu.wait_dma2 semaphore(%run_scoped3A : memref<!tpu.dma_semaphore, #tpu.memory_space<semaphore_mem>>) src(%arg5 : memref<11264xi32, #tpu.memory_space<hbm>>) dst(%arg12 : memref<11264xi32, #tpu.memory_space<vmem>>)
      tpu.yield
    }) : () -> ()
    "tpu.region"() ({
      %run_scoped3A = tpu.sem_alloc : memref<!tpu.dma_semaphore, #tpu.memory_space<semaphore_mem>>
      tpu.enqueue_dma source(%arg6 : memref<11264xi32, #tpu.memory_space<hbm>>) target(%arg13 : memref<11264xi32, #tpu.memory_space<vmem>>) target_semaphore(%run_scoped3A : memref<!tpu.dma_semaphore, #tpu.memory_space<semaphore_mem>>)
      tpu.wait_dma2 semaphore(%run_scoped3A : memref<!tpu.dma_semaphore, #tpu.memory_space<semaphore_mem>>) src(%arg6 : memref<11264xi32, #tpu.memory_space<hbm>>) dst(%arg13 : memref<11264xi32, #tpu.memory_space<vmem>>)
      tpu.yield
    }) : () -> ()
    %scan3A = arith.constant 0 : i32
    %scan3A_3 = arith.constant 0 : i32
    %scan3A_4 = arith.constant 704 : i32
    %scan3A_5 = arith.addi %scan3A_3, %scan3A_4 : i32
    %scan3A_6 = arith.constant 1 : i32
    scf.for %scan3A_14 = %scan3A_3 to %scan3A_5 step %scan3A_6  : i32 {
      %mul3A_15 = arith.constant 16 : i32
      %mul3A_16 = arith.muli %scan3A_14, %mul3A_15 : i32
      %get3A = arith.index_cast %mul3A_16 : i32 to index
      %get3A_17 = tpu.vector_load %arg12[%get3A] {strides = array<i32>} : memref<11264xi32, #tpu.memory_space<vmem>>, vector<16xi32>,
      %get3A_18 = vector.shape_cast %get3A_17 : vector<16xi32> to vector<16xi32>
      %add3A = vector.broadcast %mul3A_0 : i32 to vector<16xi32>
      %add3A_19 = arith.addi %get3A_18, %add3A : vector<16xi32>
      %mul3A_20 = arith.constant 16 : i32
      %mul3A_21 = arith.muli %scan3A_14, %mul3A_20 : i32
      %swap3A = arith.index_cast %mul3A_21 : i32 to index
      %swap3A_22 = tpu.vector_load %arg12[%swap3A] {strides = array<i32>} : memref<11264xi32, #tpu.memory_space<vmem>>, vector<16xi32>,
      %swap3A_23 = vector.shape_cast %swap3A_22 : vector<16xi32> to vector<16xi32>
      %swap3A_24 = vector.shape_cast %add3A_19 : vector<16xi32> to vector<16xi32>
      tpu.vector_store %arg12[%swap3A], %swap3A_24 {strides = array<i32>} : memref<11264xi32, #tpu.memory_space<vmem>>, vector<16xi32>,
    }
    %scan3A_7 = arith.constant 704 : i32
    "tpu.region"() ({
      %run_scoped3A = tpu.sem_alloc : memref<!tpu.dma_semaphore, #tpu.memory_space<semaphore_mem>>
      %dma_start3A = tpu.memref_slice %arg16[%mul3A_2] : memref<180224xi32, #tpu.memory_space<vmem_shared>> -> memref<11264xi32, #tpu.memory_space<vmem_shared>>
      %dma_start3A_14 = tpu.memref_slice %arg16[%mul3A_2] : memref<180224xi32, #tpu.memory_space<vmem_shared>> -> memref<11264xi32, #tpu.memory_space<vmem_shared>>
      tpu.enqueue_dma source(%arg12 : memref<11264xi32, #tpu.memory_space<vmem>>) target(%dma_start3A_14 : memref<11264xi32, #tpu.memory_space<vmem_shared>>) target_semaphore(%run_scoped3A : memref<!tpu.dma_semaphore, #tpu.memory_space<semaphore_mem>>)
      %dma_wait3A = tpu.memref_slice %arg16[%mul3A_2] : memref<180224xi32, #tpu.memory_space<vmem_shared>> -> memref<11264xi32, #tpu.memory_space<vmem_shared>>
      %dma_wait3A_15 = tpu.memref_slice %arg16[%mul3A_2] : memref<180224xi32, #tpu.memory_space<vmem_shared>> -> memref<11264xi32, #tpu.memory_space<vmem_shared>>
      tpu.wait_dma2 semaphore(%run_scoped3A : memref<!tpu.dma_semaphore, #tpu.memory_space<semaphore_mem>>) src(%arg12 : memref<11264xi32, #tpu.memory_space<vmem>>) dst(%dma_wait3A_15 : memref<11264xi32, #tpu.memory_space<vmem_shared>>)
      tpu.yield
    }) : () -> ()
    "tpu.region"() ({
      %run_scoped3A = tpu.sem_alloc : memref<!tpu.dma_semaphore, #tpu.memory_space<semaphore_mem>>
      %dma_start3A = tpu.memref_slice %arg17[%mul3A_2] : memref<180224xi32, #tpu.memory_space<vmem_shared>> -> memref<11264xi32, #tpu.memory_space<vmem_shared>>
      %dma_start3A_14 = tpu.memref_slice %arg17[%mul3A_2] : memref<180224xi32, #tpu.memory_space<vmem_shared>> -> memref<11264xi32, #tpu.memory_space<vmem_shared>>
      tpu.enqueue_dma source(%arg13 : memref<11264xi32, #tpu.memory_space<vmem>>) target(%dma_start3A_14 : memref<11264xi32, #tpu.memory_space<vmem_shared>>) target_semaphore(%run_scoped3A : memref<!tpu.dma_semaphore, #tpu.memory_space<semaphore_mem>>)
      %dma_wait3A = tpu.memref_slice %arg17[%mul3A_2] : memref<180224xi32, #tpu.memory_space<vmem_shared>> -> memref<11264xi32, #tpu.memory_space<vmem_shared>>
      %dma_wait3A_15 = tpu.memref_slice %arg17[%mul3A_2] : memref<180224xi32, #tpu.memory_space<vmem_shared>> -> memref<11264xi32, #tpu.memory_space<vmem_shared>>
      tpu.wait_dma2 semaphore(%run_scoped3A : memref<!tpu.dma_semaphore, #tpu.memory_space<semaphore_mem>>) src(%arg13 : memref<11264xi32, #tpu.memory_space<vmem>>) dst(%dma_wait3A_15 : memref<11264xi32, #tpu.memory_space<vmem_shared>>)
      tpu.yield
    }) : () -> ()
    %scan3A_8 = arith.constant 0 : i32
    %scan3A_9 = arith.constant 0 : i32
    %scan3A_10 = arith.constant 80 : i32
    %scan3A_11 = arith.addi %scan3A_9, %scan3A_10 : i32
    %scan3A_12 = arith.constant 1 : i32
    scf.for %scan3A_14 = %scan3A_9 to %scan3A_11 step %scan3A_12  : i32 {
      %get3A = arith.index_cast %scan3A_14 : i32 to index
      %get3A_15 = arith.constant 0 : index
      %get3A_16 = tpu.vector_load %arg9[%get3A, %get3A_15] {strides = array<i32>} : memref<80x128xi32, #tpu.memory_space<vmem>>, vector<1x16xi32>,
      %get3A_17 = vector.shape_cast %get3A_16 : vector<1x16xi32> to vector<16xi32>
      %add3A = vector.broadcast %mul3A_0 : i32 to vector<16xi32>
      %add3A_18 = arith.addi %get3A_17, %add3A : vector<16xi32>
      %swap3A = arith.constant 0 : index
      %swap3A_19 = tpu.vector_load %arg14[%swap3A] {strides = array<i32>} : memref<128xi32, #tpu.memory_space<vmem>>, vector<16xi32>,
      %swap3A_20 = vector.shape_cast %swap3A_19 : vector<16xi32> to vector<16xi32>
      %swap3A_21 = vector.shape_cast %add3A_18 : vector<16xi32> to vector<16xi32>
      tpu.vector_store %arg14[%swap3A], %swap3A_21 {strides = array<i32>} : memref<128xi32, #tpu.memory_space<vmem>>, vector<16xi32>,
      %get3A_22 = arith.index_cast %scan3A_14 : i32 to index
      %get3A_23 = arith.constant 0 : index
      %get3A_24 = tpu.vector_load %arg11[%get3A_22, %get3A_23] {strides = array<i32>} : memref<80x128xi32, #tpu.memory_space<vmem>>, vector<1x16xi32>,
      %get3A_25 = vector.shape_cast %get3A_24 : vector<1x16xi32> to vector<16xi32>
      %add3A_26 = vector.broadcast %mul3A_2 : i32 to vector<16xi32>
      %add3A_27 = arith.addi %get3A_25, %add3A_26 : vector<16xi32>
      %swap3A_28 = arith.constant 0 : index
      %swap3A_29 = tpu.vector_load %arg15[%swap3A_28] {strides = array<i32>} : memref<128xi32, #tpu.memory_space<vmem>>, vector<16xi32>,
      %swap3A_30 = vector.shape_cast %swap3A_29 : vector<16xi32> to vector<16xi32>
      %swap3A_31 = vector.shape_cast %add3A_27 : vector<16xi32> to vector<16xi32>
      tpu.vector_store %arg15[%swap3A_28], %swap3A_31 {strides = array<i32>} : memref<128xi32, #tpu.memory_space<vmem>>, vector<16xi32>,
      %get3A_32 = arith.index_cast %scan3A_14 : i32 to index
      %get3A_33 = arith.constant 16 : index
      %get3A_34 = tpu.vector_load %arg9[%get3A_32, %get3A_33] {strides = array<i32>} : memref<80x128xi32, #tpu.memory_space<vmem>>, vector<1x16xi32>,
      %get3A_35 = vector.shape_cast %get3A_34 : vector<1x16xi32> to vector<16xi32>
      %add3A_36 = vector.broadcast %mul3A_0 : i32 to vector<16xi32>
      %add3A_37 = arith.addi %get3A_35, %add3A_36 : vector<16xi32>
      %swap3A_38 = arith.constant 16 : index
      %swap3A_39 = tpu.vector_load %arg14[%swap3A_38] {strides = array<i32>} : memref<128xi32, #tpu.memory_space<vmem>>, vector<16xi32>,
      %swap3A_40 = vector.shape_cast %swap3A_39 : vector<16xi32> to vector<16xi32>
      %swap3A_41 = vector.shape_cast %add3A_37 : vector<16xi32> to vector<16xi32>
      tpu.vector_store %arg14[%swap3A_38], %swap3A_41 {strides = array<i32>} : memref<128xi32, #tpu.memory_space<vmem>>, vector<16xi32>,
      %get3A_42 = arith.index_cast %scan3A_14 : i32 to index
      %get3A_43 = arith.constant 16 : index
      %get3A_44 = tpu.vector_load %arg11[%get3A_42, %get3A_43] {strides = array<i32>} : memref<80x128xi32, #tpu.memory_space<vmem>>, vector<1x16xi32>,
      %get3A_45 = vector.shape_cast %get3A_44 : vector<1x16xi32> to vector<16xi32>
      %add3A_46 = vector.broadcast %mul3A_2 : i32 to vector<16xi32>
      %add3A_47 = arith.addi %get3A_45, %add3A_46 : vector<16xi32>
      %swap3A_48 = arith.constant 16 : index
      %swap3A_49 = tpu.vector_load %arg15[%swap3A_48] {strides = array<i32>} : memref<128xi32, #tpu.memory_space<vmem>>, vector<16xi32>,
      %swap3A_50 = vector.shape_cast %swap3A_49 : vector<16xi32> to vector<16xi32>
      %swap3A_51 = vector.shape_cast %add3A_47 : vector<16xi32> to vector<16xi32>
      tpu.vector_store %arg15[%swap3A_48], %swap3A_51 {strides = array<i32>} : memref<128xi32, #tpu.memory_space<vmem>>, vector<16xi32>,
      %get3A_52 = arith.index_cast %scan3A_14 : i32 to index
      %get3A_53 = arith.constant 32 : index
      %get3A_54 = tpu.vector_load %arg9[%get3A_52, %get3A_53] {strides = array<i32>} : memref<80x128xi32, #tpu.memory_space<vmem>>, vector<1x16xi32>,
      %get3A_55 = vector.shape_cast %get3A_54 : vector<1x16xi32> to vector<16xi32>
      %add3A_56 = vector.broadcast %mul3A_0 : i32 to vector<16xi32>
      %add3A_57 = arith.addi %get3A_55, %add3A_56 : vector<16xi32>
      %swap3A_58 = arith.constant 32 : index
      %swap3A_59 = tpu.vector_load %arg14[%swap3A_58] {strides = array<i32>} : memref<128xi32, #tpu.memory_space<vmem>>, vector<16xi32>,
      %swap3A_60 = vector.shape_cast %swap3A_59 : vector<16xi32> to vector<16xi32>
      %swap3A_61 = vector.shape_cast %add3A_57 : vector<16xi32> to vector<16xi32>
      tpu.vector_store %arg14[%swap3A_58], %swap3A_61 {strides = array<i32>} : memref<128xi32, #tpu.memory_space<vmem>>, vector<16xi32>,
      %get3A_62 = arith.index_cast %scan3A_14 : i32 to index
      %get3A_63 = arith.constant 32 : index
      %get3A_64 = tpu.vector_load %arg11[%get3A_62, %get3A_63] {strides = array<i32>} : memref<80x128xi32, #tpu.memory_space<vmem>>, vector<1x16xi32>,
      %get3A_65 = vector.shape_cast %get3A_64 : vector<1x16xi32> to vector<16xi32>
      %add3A_66 = vector.broadcast %mul3A_2 : i32 to vector<16xi32>
      %add3A_67 = arith.addi %get3A_65, %add3A_66 : vector<16xi32>
      %swap3A_68 = arith.constant 32 : index
      %swap3A_69 = tpu.vector_load %arg15[%swap3A_68] {strides = array<i32>} : memref<128xi32, #tpu.memory_space<vmem>>, vector<16xi32>,
      %swap3A_70 = vector.shape_cast %swap3A_69 : vector<16xi32> to vector<16xi32>
      %swap3A_71 = vector.shape_cast %add3A_67 : vector<16xi32> to vector<16xi32>
      tpu.vector_store %arg15[%swap3A_68], %swap3A_71 {strides = array<i32>} : memref<128xi32, #tpu.memory_space<vmem>>, vector<16xi32>,
      %get3A_72 = arith.index_cast %scan3A_14 : i32 to index
      %get3A_73 = arith.constant 48 : index
      %get3A_74 = tpu.vector_load %arg9[%get3A_72, %get3A_73] {strides = array<i32>} : memref<80x128xi32, #tpu.memory_space<vmem>>, vector<1x16xi32>,
      %get3A_75 = vector.shape_cast %get3A_74 : vector<1x16xi32> to vector<16xi32>
      %add3A_76 = vector.broadcast %mul3A_0 : i32 to vector<16xi32>
      %add3A_77 = arith.addi %get3A_75, %add3A_76 : vector<16xi32>
      %swap3A_78 = arith.constant 48 : index
      %swap3A_79 = tpu.vector_load %arg14[%swap3A_78] {strides = array<i32>} : memref<128xi32, #tpu.memory_space<vmem>>, vector<16xi32>,
      %swap3A_80 = vector.shape_cast %swap3A_79 : vector<16xi32> to vector<16xi32>
      %swap3A_81 = vector.shape_cast %add3A_77 : vector<16xi32> to vector<16xi32>
      tpu.vector_store %arg14[%swap3A_78], %swap3A_81 {strides = array<i32>} : memref<128xi32, #tpu.memory_space<vmem>>, vector<16xi32>,
      %get3A_82 = arith.index_cast %scan3A_14 : i32 to index
      %get3A_83 = arith.constant 48 : index
      %get3A_84 = tpu.vector_load %arg11[%get3A_82, %get3A_83] {strides = array<i32>} : memref<80x128xi32, #tpu.memory_space<vmem>>, vector<1x16xi32>,
      %get3A_85 = vector.shape_cast %get3A_84 : vector<1x16xi32> to vector<16xi32>
      %add3A_86 = vector.broadcast %mul3A_2 : i32 to vector<16xi32>
      %add3A_87 = arith.addi %get3A_85, %add3A_86 : vector<16xi32>
      %swap3A_88 = arith.constant 48 : index
      %swap3A_89 = tpu.vector_load %arg15[%swap3A_88] {strides = array<i32>} : memref<128xi32, #tpu.memory_space<vmem>>, vector<16xi32>,
      %swap3A_90 = vector.shape_cast %swap3A_89 : vector<16xi32> to vector<16xi32>
      %swap3A_91 = vector.shape_cast %add3A_87 : vector<16xi32> to vector<16xi32>
      tpu.vector_store %arg15[%swap3A_88], %swap3A_91 {strides = array<i32>} : memref<128xi32, #tpu.memory_space<vmem>>, vector<16xi32>,
      %get3A_92 = arith.index_cast %scan3A_14 : i32 to index
      %get3A_93 = arith.constant 64 : index
      %get3A_94 = tpu.vector_load %arg9[%get3A_92, %get3A_93] {strides = array<i32>} : memref<80x128xi32, #tpu.memory_space<vmem>>, vector<1x16xi32>,
      %get3A_95 = vector.shape_cast %get3A_94 : vector<1x16xi32> to vector<16xi32>
      %add3A_96 = vector.broadcast %mul3A_0 : i32 to vector<16xi32>
      %add3A_97 = arith.addi %get3A_95, %add3A_96 : vector<16xi32>
      %swap3A_98 = arith.constant 64 : index
      %swap3A_99 = tpu.vector_load %arg14[%swap3A_98] {strides = array<i32>} : memref<128xi32, #tpu.memory_space<vmem>>, vector<16xi32>,
      %swap3A_100 = vector.shape_cast %swap3A_99 : vector<16xi32> to vector<16xi32>
      %swap3A_101 = vector.shape_cast %add3A_97 : vector<16xi32> to vector<16xi32>
      tpu.vector_store %arg14[%swap3A_98], %swap3A_101 {strides = array<i32>} : memref<128xi32, #tpu.memory_space<vmem>>, vector<16xi32>,
      %get3A_102 = arith.index_cast %scan3A_14 : i32 to index
      %get3A_103 = arith.constant 64 : index
      %get3A_104 = tpu.vector_load %arg11[%get3A_102, %get3A_103] {strides = array<i32>} : memref<80x128xi32, #tpu.memory_space<vmem>>, vector<1x16xi32>,
      %get3A_105 = vector.shape_cast %get3A_104 : vector<1x16xi32> to vector<16xi32>
      %add3A_106 = vector.broadcast %mul3A_2 : i32 to vector<16xi32>
      %add3A_107 = arith.addi %get3A_105, %add3A_106 : vector<16xi32>
      %swap3A_108 = arith.constant 64 : index
      %swap3A_109 = tpu.vector_load %arg15[%swap3A_108] {strides = array<i32>} : memref<128xi32, #tpu.memory_space<vmem>>, vector<16xi32>,
      %swap3A_110 = vector.shape_cast %swap3A_109 : vector<16xi32> to vector<16xi32>
      %swap3A_111 = vector.shape_cast %add3A_107 : vector<16xi32> to vector<16xi32>
      tpu.vector_store %arg15[%swap3A_108], %swap3A_111 {strides = array<i32>} : memref<128xi32, #tpu.memory_space<vmem>>, vector<16xi32>,
      %get3A_112 = arith.index_cast %scan3A_14 : i32 to index
      %get3A_113 = arith.constant 80 : index
      %get3A_114 = tpu.vector_load %arg9[%get3A_112, %get3A_113] {strides = array<i32>} : memref<80x128xi32, #tpu.memory_space<vmem>>, vector<1x16xi32>,
      %get3A_115 = vector.shape_cast %get3A_114 : vector<1x16xi32> to vector<16xi32>
      %add3A_116 = vector.broadcast %mul3A_0 : i32 to vector<16xi32>
      %add3A_117 = arith.addi %get3A_115, %add3A_116 : vector<16xi32>
      %swap3A_118 = arith.constant 80 : index
      %swap3A_119 = tpu.vector_load %arg14[%swap3A_118] {strides = array<i32>} : memref<128xi32, #tpu.memory_space<vmem>>, vector<16xi32>,
      %swap3A_120 = vector.shape_cast %swap3A_119 : vector<16xi32> to vector<16xi32>
      %swap3A_121 = vector.shape_cast %add3A_117 : vector<16xi32> to vector<16xi32>
      tpu.vector_store %arg14[%swap3A_118], %swap3A_121 {strides = array<i32>} : memref<128xi32, #tpu.memory_space<vmem>>, vector<16xi32>,
      %get3A_122 = arith.index_cast %scan3A_14 : i32 to index
      %get3A_123 = arith.constant 80 : index
      %get3A_124 = tpu.vector_load %arg11[%get3A_122, %get3A_123] {strides = array<i32>} : memref<80x128xi32, #tpu.memory_space<vmem>>, vector<1x16xi32>,
      %get3A_125 = vector.shape_cast %get3A_124 : vector<1x16xi32> to vector<16xi32>
      %add3A_126 = vector.broadcast %mul3A_2 : i32 to vector<16xi32>
      %add3A_127 = arith.addi %get3A_125, %add3A_126 : vector<16xi32>
      %swap3A_128 = arith.constant 80 : index
      %swap3A_129 = tpu.vector_load %arg15[%swap3A_128] {strides = array<i32>} : memref<128xi32, #tpu.memory_space<vmem>>, vector<16xi32>,
      %swap3A_130 = vector.shape_cast %swap3A_129 : vector<16xi32> to vector<16xi32>
      %swap3A_131 = vector.shape_cast %add3A_127 : vector<16xi32> to vector<16xi32>
      tpu.vector_store %arg15[%swap3A_128], %swap3A_131 {strides = array<i32>} : memref<128xi32, #tpu.memory_space<vmem>>, vector<16xi32>,
      %get3A_132 = arith.index_cast %scan3A_14 : i32 to index
      %get3A_133 = arith.constant 96 : index
      %get3A_134 = tpu.vector_load %arg9[%get3A_132, %get3A_133] {strides = array<i32>} : memref<80x128xi32, #tpu.memory_space<vmem>>, vector<1x16xi32>,
      %get3A_135 = vector.shape_cast %get3A_134 : vector<1x16xi32> to vector<16xi32>
      %add3A_136 = vector.broadcast %mul3A_0 : i32 to vector<16xi32>
      %add3A_137 = arith.addi %get3A_135, %add3A_136 : vector<16xi32>
      %swap3A_138 = arith.constant 96 : index
      %swap3A_139 = tpu.vector_load %arg14[%swap3A_138] {strides = array<i32>} : memref<128xi32, #tpu.memory_space<vmem>>, vector<16xi32>,
      %swap3A_140 = vector.shape_cast %swap3A_139 : vector<16xi32> to vector<16xi32>
      %swap3A_141 = vector.shape_cast %add3A_137 : vector<16xi32> to vector<16xi32>
      tpu.vector_store %arg14[%swap3A_138], %swap3A_141 {strides = array<i32>} : memref<128xi32, #tpu.memory_space<vmem>>, vector<16xi32>,
      %get3A_142 = arith.index_cast %scan3A_14 : i32 to index
      %get3A_143 = arith.constant 96 : index
      %get3A_144 = tpu.vector_load %arg11[%get3A_142, %get3A_143] {strides = array<i32>} : memref<80x128xi32, #tpu.memory_space<vmem>>, vector<1x16xi32>,
      %get3A_145 = vector.shape_cast %get3A_144 : vector<1x16xi32> to vector<16xi32>
      %add3A_146 = vector.broadcast %mul3A_2 : i32 to vector<16xi32>
      %add3A_147 = arith.addi %get3A_145, %add3A_146 : vector<16xi32>
      %swap3A_148 = arith.constant 96 : index
      %swap3A_149 = tpu.vector_load %arg15[%swap3A_148] {strides = array<i32>} : memref<128xi32, #tpu.memory_space<vmem>>, vector<16xi32>,
      %swap3A_150 = vector.shape_cast %swap3A_149 : vector<16xi32> to vector<16xi32>
      %swap3A_151 = vector.shape_cast %add3A_147 : vector<16xi32> to vector<16xi32>
      tpu.vector_store %arg15[%swap3A_148], %swap3A_151 {strides = array<i32>} : memref<128xi32, #tpu.memory_space<vmem>>, vector<16xi32>,
      %get3A_152 = arith.index_cast %scan3A_14 : i32 to index
      %get3A_153 = arith.constant 112 : index
      %get3A_154 = tpu.vector_load %arg9[%get3A_152, %get3A_153] {strides = array<i32>} : memref<80x128xi32, #tpu.memory_space<vmem>>, vector<1x16xi32>,
      %get3A_155 = vector.shape_cast %get3A_154 : vector<1x16xi32> to vector<16xi32>
      %add3A_156 = vector.broadcast %mul3A_0 : i32 to vector<16xi32>
      %add3A_157 = arith.addi %get3A_155, %add3A_156 : vector<16xi32>
      %swap3A_158 = arith.constant 112 : index
      %swap3A_159 = tpu.vector_load %arg14[%swap3A_158] {strides = array<i32>} : memref<128xi32, #tpu.memory_space<vmem>>, vector<16xi32>,
      %swap3A_160 = vector.shape_cast %swap3A_159 : vector<16xi32> to vector<16xi32>
      %swap3A_161 = vector.shape_cast %add3A_157 : vector<16xi32> to vector<16xi32>
      tpu.vector_store %arg14[%swap3A_158], %swap3A_161 {strides = array<i32>} : memref<128xi32, #tpu.memory_space<vmem>>, vector<16xi32>,
      %get3A_162 = arith.index_cast %scan3A_14 : i32 to index
      %get3A_163 = arith.constant 112 : index
      %get3A_164 = tpu.vector_load %arg11[%get3A_162, %get3A_163] {strides = array<i32>} : memref<80x128xi32, #tpu.memory_space<vmem>>, vector<1x16xi32>,
      %get3A_165 = vector.shape_cast %get3A_164 : vector<1x16xi32> to vector<16xi32>
      %add3A_166 = vector.broadcast %mul3A_2 : i32 to vector<16xi32>
      %add3A_167 = arith.addi %get3A_165, %add3A_166 : vector<16xi32>
      %swap3A_168 = arith.constant 112 : index
      %swap3A_169 = tpu.vector_load %arg15[%swap3A_168] {strides = array<i32>} : memref<128xi32, #tpu.memory_space<vmem>>, vector<16xi32>,
      %swap3A_170 = vector.shape_cast %swap3A_169 : vector<16xi32> to vector<16xi32>
      %swap3A_171 = vector.shape_cast %add3A_167 : vector<16xi32> to vector<16xi32>
      tpu.vector_store %arg15[%swap3A_168], %swap3A_171 {strides = array<i32>} : memref<128xi32, #tpu.memory_space<vmem>>, vector<16xi32>,
      "tpu.region"() ({
        %run_scoped3A = tpu.sem_alloc : memref<!tpu.dma_semaphore, #tpu.memory_space<semaphore_mem>>
        %dma_start3A = arith.constant 0 : i32
        %dma_start3A_172 = tpu.memref_slice %arg16[%dma_start3A] : memref<180224xi32, #tpu.memory_space<vmem_shared>> -> memref<180224xi32, #tpu.memory_space<vmem_shared>>
        tpu.enqueue_indirect_dma source(%arg14 : memref<128xi32, #tpu.memory_space<vmem>>) target(%dma_start3A_172 : memref<180224xi32, #tpu.memory_space<vmem_shared>>) offsets(%arg15 : memref<128xi32, #tpu.memory_space<vmem>>) semaphore(%run_scoped3A : memref<!tpu.dma_semaphore, #tpu.memory_space<semaphore_mem>>)
        %dma_wait3A = arith.constant 0 : i32
        %dma_wait3A_173 = tpu.memref_slice %arg16[%dma_wait3A] : memref<180224xi32, #tpu.memory_space<vmem_shared>> -> memref<180224xi32, #tpu.memory_space<vmem_shared>>
        tpu.wait_indirect_dma semaphore(%run_scoped3A : memref<!tpu.dma_semaphore, #tpu.memory_space<semaphore_mem>>) src(%arg14 : memref<128xi32, #tpu.memory_space<vmem>>) dst(%dma_wait3A_173 : memref<180224xi32, #tpu.memory_space<vmem_shared>>)
        tpu.yield
      }) : () -> ()
      "tpu.region"() ({
        %run_scoped3A = tpu.sem_alloc : memref<!tpu.dma_semaphore, #tpu.memory_space<semaphore_mem>>
        %dma_start3A = arith.constant 0 : i32
        %dma_start3A_172 = tpu.memref_slice %arg10[%scan3A_14, %dma_start3A] : memref<80x128xi32, #tpu.memory_space<vmem>> -> memref<1x128xi32, #tpu.memory_space<vmem>>
        %dma_start3A_173 = tpu.memref_squeeze %dma_start3A_172 : memref<1x128xi32, #tpu.memory_space<vmem>> -> memref<128xi32, #tpu.memory_space<vmem>>
        %dma_start3A_174 = arith.constant 0 : i32
        %dma_start3A_175 = tpu.memref_slice %arg17[%dma_start3A_174] : memref<180224xi32, #tpu.memory_space<vmem_shared>> -> memref<180224xi32, #tpu.memory_space<vmem_shared>>
        tpu.enqueue_indirect_dma source(%dma_start3A_173 : memref<128xi32, #tpu.memory_space<vmem>>) target(%dma_start3A_175 : memref<180224xi32, #tpu.memory_space<vmem_shared>>) offsets(%arg15 : memref<128xi32, #tpu.memory_space<vmem>>) semaphore(%run_scoped3A : memref<!tpu.dma_semaphore, #tpu.memory_space<semaphore_mem>>)
        %dma_wait3A = arith.constant 0 : i32
        %dma_wait3A_176 = tpu.memref_slice %arg10[%scan3A_14, %dma_wait3A] : memref<80x128xi32, #tpu.memory_space<vmem>> -> memref<1x128xi32, #tpu.memory_space<vmem>>
        %dma_wait3A_177 = tpu.memref_squeeze %dma_wait3A_176 : memref<1x128xi32, #tpu.memory_space<vmem>> -> memref<128xi32, #tpu.memory_space<vmem>>
        %dma_wait3A_178 = arith.constant 0 : i32
        %dma_wait3A_179 = tpu.memref_slice %arg17[%dma_wait3A_178] : memref<180224xi32, #tpu.memory_space<vmem_shared>> -> memref<180224xi32, #tpu.memory_space<vmem_shared>>
        tpu.wait_indirect_dma semaphore(%run_scoped3A : memref<!tpu.dma_semaphore, #tpu.memory_space<semaphore_mem>>) src(%dma_wait3A_177 : memref<128xi32, #tpu.memory_space<vmem>>) dst(%dma_wait3A_179 : memref<180224xi32, #tpu.memory_space<vmem_shared>>)
        tpu.yield
      }) : () -> ()
    }
    %scan3A_13 = arith.constant 80 : i32
    "tpu.region"() ({
      %run_scoped3A = tpu.sem_alloc : memref<!tpu.dma_semaphore, #tpu.memory_space<semaphore_mem>>
      %dma_start3A = tpu.memref_slice %arg7[%arg0, %mul3A_2] : memref<2x180224xi32, #tpu.memory_space<hbm>> -> memref<1x11264xi32, #tpu.memory_space<hbm>>
      %dma_start3A_14 = tpu.memref_squeeze %dma_start3A : memref<1x11264xi32, #tpu.memory_space<hbm>> -> memref<11264xi32, #tpu.memory_space<hbm>>
      %dma_start3A_15 = tpu.memref_slice %arg16[%mul3A_2] : memref<180224xi32, #tpu.memory_space<vmem_shared>> -> memref<11264xi32, #tpu.memory_space<vmem_shared>>
      tpu.enqueue_dma source(%dma_start3A_15 : memref<11264xi32, #tpu.memory_space<vmem_shared>>) target(%dma_start3A_14 : memref<11264xi32, #tpu.memory_space<hbm>>) target_semaphore(%run_scoped3A : memref<!tpu.dma_semaphore, #tpu.memory_space<semaphore_mem>>)
      %dma_wait3A = tpu.memref_slice %arg7[%arg0, %mul3A_2] : memref<2x180224xi32, #tpu.memory_space<hbm>> -> memref<1x11264xi32, #tpu.memory_space<hbm>>
      %dma_wait3A_16 = tpu.memref_squeeze %dma_wait3A : memref<1x11264xi32, #tpu.memory_space<hbm>> -> memref<11264xi32, #tpu.memory_space<hbm>>
      %dma_wait3A_17 = tpu.memref_slice %arg16[%mul3A_2] : memref<180224xi32, #tpu.memory_space<vmem_shared>> -> memref<11264xi32, #tpu.memory_space<vmem_shared>>
      tpu.wait_dma2 semaphore(%run_scoped3A : memref<!tpu.dma_semaphore, #tpu.memory_space<semaphore_mem>>) src(%dma_wait3A_17 : memref<11264xi32, #tpu.memory_space<vmem_shared>>) dst(%dma_wait3A_16 : memref<11264xi32, #tpu.memory_space<hbm>>)
      tpu.yield
    }) : () -> ()
    "tpu.region"() ({
      %run_scoped3A = tpu.sem_alloc : memref<!tpu.dma_semaphore, #tpu.memory_space<semaphore_mem>>
      %dma_start3A = tpu.memref_slice %arg8[%arg0, %mul3A_2] : memref<2x180224xi32, #tpu.memory_space<hbm>> -> memref<1x11264xi32, #tpu.memory_space<hbm>>
      %dma_start3A_14 = tpu.memref_squeeze %dma_start3A : memref<1x11264xi32, #tpu.memory_space<hbm>> -> memref<11264xi32, #tpu.memory_space<hbm>>
      %dma_start3A_15 = tpu.memref_slice %arg17[%mul3A_2] : memref<180224xi32, #tpu.memory_space<vmem_shared>> -> memref<11264xi32, #tpu.memory_space<vmem_shared>>
      tpu.enqueue_dma source(%dma_start3A_15 : memref<11264xi32, #tpu.memory_space<vmem_shared>>) target(%dma_start3A_14 : memref<11264xi32, #tpu.memory_space<hbm>>) target_semaphore(%run_scoped3A : memref<!tpu.dma_semaphore, #tpu.memory_space<semaphore_mem>>)
      %dma_wait3A = tpu.memref_slice %arg8[%arg0, %mul3A_2] : memref<2x180224xi32, #tpu.memory_space<hbm>> -> memref<1x11264xi32, #tpu.memory_space<hbm>>
      %dma_wait3A_16 = tpu.memref_squeeze %dma_wait3A : memref<1x11264xi32, #tpu.memory_space<hbm>> -> memref<11264xi32, #tpu.memory_space<hbm>>
      %dma_wait3A_17 = tpu.memref_slice %arg17[%mul3A_2] : memref<180224xi32, #tpu.memory_space<vmem_shared>> -> memref<11264xi32, #tpu.memory_space<vmem_shared>>
      tpu.wait_dma2 semaphore(%run_scoped3A : memref<!tpu.dma_semaphore, #tpu.memory_space<semaphore_mem>>) src(%dma_wait3A_17 : memref<11264xi32, #tpu.memory_space<vmem_shared>>) dst(%dma_wait3A_16 : memref<11264xi32, #tpu.memory_space<hbm>>)
      tpu.yield
    }) : () -> ()
    return
  }
}

#map = affine_map<(d0, d1) -> (0, 0)>
#map1 = affine_map<(d0, d1) -> (0, 0, 0, 0, 0)>
module attributes {stable_mosaic.version = 14 : i64} {
  func.func @_mp_kernel(%arg0: i32, %arg1: i32, %arg2: memref<20480x128xf32, #tpu.memory_space<hbm>>, %arg3: memref<2x16x2x44x128xi32, #tpu.memory_space<hbm>>, %arg4: memref<2x16x2x44x128xi32, #tpu.memory_space<hbm>>, %arg5: memref<324x128xf32, #tpu.memory_space<hbm>>, %arg6: memref<20480x128xf32, #tpu.memory_space<hbm>>, %arg7: memref<44x128xi32, #tpu.memory_space<vmem>>, %arg8: memref<44x128xi32, #tpu.memory_space<vmem>>, %arg9: memref<2x128x128xf32, #tpu.memory_space<vmem>>, %arg10: memref<5184x128xf32, #tpu.memory_space<vmem_shared>>, %arg11: memref<!tpu.dma_semaphore, #tpu.memory_space<semaphore_mem>>, %arg12: memref<!tpu.dma_semaphore, #tpu.memory_space<semaphore_mem>>) attributes {dimension_semantics = [#tpu.dimension_semantics<core_parallel>, #tpu.dimension_semantics<subcore_parallel>], iteration_bounds = array<i64: 2, 16>, scalar_prefetch = 0 : i64, scratch_operands = 6 : i64, tpu.core_type = #tpu.core_type<sc_vector_subcore>, window_params = [{transform_indices = #map}, {transform_indices = #map1}, {transform_indices = #map1}, {transform_indices = #map}, {transform_indices = #map}]} {
    %run_scoped3A = arith.constant 0 : i32
    "tpu.region"() ({
      %run_scoped3A_66 = tpu.sem_alloc : memref<!tpu.dma_semaphore, #tpu.memory_space<semaphore_mem>>
      %dma_start3A_67 = arith.constant 0 : i32
      %dma_start3A_68 = arith.constant 0 : i32
      %dma_start3A_69 = tpu.memref_slice %arg3[%arg0, %arg1, %run_scoped3A, %dma_start3A_67, %dma_start3A_68] : memref<2x16x2x44x128xi32, #tpu.memory_space<hbm>> -> memref<1x1x1x44x128xi32, #tpu.memory_space<hbm>>
      %dma_start3A_70 = tpu.memref_squeeze %dma_start3A_69 : memref<1x1x1x44x128xi32, #tpu.memory_space<hbm>> -> memref<44x128xi32, #tpu.memory_space<hbm>>
      %dma_start3A_71 = arith.constant 0 : i32
      %dma_start3A_72 = arith.constant 0 : i32
      %dma_start3A_73 = tpu.memref_slice %arg3[%arg0, %arg1, %run_scoped3A, %dma_start3A_71, %dma_start3A_72] : memref<2x16x2x44x128xi32, #tpu.memory_space<hbm>> -> memref<1x1x1x44x128xi32, #tpu.memory_space<hbm>>
      %dma_start3A_74 = tpu.memref_squeeze %dma_start3A_73 : memref<1x1x1x44x128xi32, #tpu.memory_space<hbm>> -> memref<44x128xi32, #tpu.memory_space<hbm>>
      tpu.enqueue_dma source(%dma_start3A_74 : memref<44x128xi32, #tpu.memory_space<hbm>>) target(%arg7 : memref<44x128xi32, #tpu.memory_space<vmem>>) target_semaphore(%run_scoped3A_66 : memref<!tpu.dma_semaphore, #tpu.memory_space<semaphore_mem>>)
      %dma_wait3A = arith.constant 0 : i32
      %dma_wait3A_75 = arith.constant 0 : i32
      %dma_wait3A_76 = tpu.memref_slice %arg3[%arg0, %arg1, %run_scoped3A, %dma_wait3A, %dma_wait3A_75] : memref<2x16x2x44x128xi32, #tpu.memory_space<hbm>> -> memref<1x1x1x44x128xi32, #tpu.memory_space<hbm>>
      %dma_wait3A_77 = tpu.memref_squeeze %dma_wait3A_76 : memref<1x1x1x44x128xi32, #tpu.memory_space<hbm>> -> memref<44x128xi32, #tpu.memory_space<hbm>>
      %dma_wait3A_78 = arith.constant 0 : i32
      %dma_wait3A_79 = arith.constant 0 : i32
      %dma_wait3A_80 = tpu.memref_slice %arg3[%arg0, %arg1, %run_scoped3A, %dma_wait3A_78, %dma_wait3A_79] : memref<2x16x2x44x128xi32, #tpu.memory_space<hbm>> -> memref<1x1x1x44x128xi32, #tpu.memory_space<hbm>>
      %dma_wait3A_81 = tpu.memref_squeeze %dma_wait3A_80 : memref<1x1x1x44x128xi32, #tpu.memory_space<hbm>> -> memref<44x128xi32, #tpu.memory_space<hbm>>
      tpu.wait_dma2 semaphore(%run_scoped3A_66 : memref<!tpu.dma_semaphore, #tpu.memory_space<semaphore_mem>>) src(%dma_wait3A_81 : memref<44x128xi32, #tpu.memory_space<hbm>>) dst(%arg7 : memref<44x128xi32, #tpu.memory_space<vmem>>)
      tpu.yield
    }) : () -> ()
    %run_scoped3A_0 = arith.constant 0 : i32
    "tpu.region"() ({
      %run_scoped3A_66 = tpu.sem_alloc : memref<!tpu.dma_semaphore, #tpu.memory_space<semaphore_mem>>
      %dma_start3A_67 = arith.constant 0 : i32
      %dma_start3A_68 = arith.constant 0 : i32
      %dma_start3A_69 = tpu.memref_slice %arg4[%arg0, %arg1, %run_scoped3A_0, %dma_start3A_67, %dma_start3A_68] : memref<2x16x2x44x128xi32, #tpu.memory_space<hbm>> -> memref<1x1x1x44x128xi32, #tpu.memory_space<hbm>>
      %dma_start3A_70 = tpu.memref_squeeze %dma_start3A_69 : memref<1x1x1x44x128xi32, #tpu.memory_space<hbm>> -> memref<44x128xi32, #tpu.memory_space<hbm>>
      %dma_start3A_71 = arith.constant 0 : i32
      %dma_start3A_72 = arith.constant 0 : i32
      %dma_start3A_73 = tpu.memref_slice %arg4[%arg0, %arg1, %run_scoped3A_0, %dma_start3A_71, %dma_start3A_72] : memref<2x16x2x44x128xi32, #tpu.memory_space<hbm>> -> memref<1x1x1x44x128xi32, #tpu.memory_space<hbm>>
      %dma_start3A_74 = tpu.memref_squeeze %dma_start3A_73 : memref<1x1x1x44x128xi32, #tpu.memory_space<hbm>> -> memref<44x128xi32, #tpu.memory_space<hbm>>
      tpu.enqueue_dma source(%dma_start3A_74 : memref<44x128xi32, #tpu.memory_space<hbm>>) target(%arg8 : memref<44x128xi32, #tpu.memory_space<vmem>>) target_semaphore(%run_scoped3A_66 : memref<!tpu.dma_semaphore, #tpu.memory_space<semaphore_mem>>)
      %dma_wait3A = arith.constant 0 : i32
      %dma_wait3A_75 = arith.constant 0 : i32
      %dma_wait3A_76 = tpu.memref_slice %arg4[%arg0, %arg1, %run_scoped3A_0, %dma_wait3A, %dma_wait3A_75] : memref<2x16x2x44x128xi32, #tpu.memory_space<hbm>> -> memref<1x1x1x44x128xi32, #tpu.memory_space<hbm>>
      %dma_wait3A_77 = tpu.memref_squeeze %dma_wait3A_76 : memref<1x1x1x44x128xi32, #tpu.memory_space<hbm>> -> memref<44x128xi32, #tpu.memory_space<hbm>>
      %dma_wait3A_78 = arith.constant 0 : i32
      %dma_wait3A_79 = arith.constant 0 : i32
      %dma_wait3A_80 = tpu.memref_slice %arg4[%arg0, %arg1, %run_scoped3A_0, %dma_wait3A_78, %dma_wait3A_79] : memref<2x16x2x44x128xi32, #tpu.memory_space<hbm>> -> memref<1x1x1x44x128xi32, #tpu.memory_space<hbm>>
      %dma_wait3A_81 = tpu.memref_squeeze %dma_wait3A_80 : memref<1x1x1x44x128xi32, #tpu.memory_space<hbm>> -> memref<44x128xi32, #tpu.memory_space<hbm>>
      tpu.wait_dma2 semaphore(%run_scoped3A_66 : memref<!tpu.dma_semaphore, #tpu.memory_space<semaphore_mem>>) src(%dma_wait3A_81 : memref<44x128xi32, #tpu.memory_space<hbm>>) dst(%arg8 : memref<44x128xi32, #tpu.memory_space<vmem>>)
      tpu.yield
    }) : () -> ()
    %mul3A = arith.constant 324 : i32
    %mul3A_1 = arith.muli %arg1, %mul3A : i32
    "tpu.region"() ({
      %run_scoped3A_66 = tpu.sem_alloc : memref<!tpu.dma_semaphore, #tpu.memory_space<semaphore_mem>>
      %dma_start3A_67 = arith.constant 0 : i32
      %dma_start3A_68 = tpu.memref_slice %arg10[%mul3A_1, %dma_start3A_67] : memref<5184x128xf32, #tpu.memory_space<vmem_shared>> -> memref<324x128xf32, #tpu.memory_space<vmem_shared>>
      tpu.enqueue_dma source(%arg5 : memref<324x128xf32, #tpu.memory_space<hbm>>) target(%dma_start3A_68 : memref<324x128xf32, #tpu.memory_space<vmem_shared>>) target_semaphore(%run_scoped3A_66 : memref<!tpu.dma_semaphore, #tpu.memory_space<semaphore_mem>>)
      %dma_wait3A = arith.constant 0 : i32
      %dma_wait3A_69 = tpu.memref_slice %arg10[%mul3A_1, %dma_wait3A] : memref<5184x128xf32, #tpu.memory_space<vmem_shared>> -> memref<324x128xf32, #tpu.memory_space<vmem_shared>>
      tpu.wait_dma2 semaphore(%run_scoped3A_66 : memref<!tpu.dma_semaphore, #tpu.memory_space<semaphore_mem>>) src(%arg5 : memref<324x128xf32, #tpu.memory_space<hbm>>) dst(%dma_wait3A_69 : memref<324x128xf32, #tpu.memory_space<vmem_shared>>)
      tpu.yield
    }) : () -> ()
    %barrier3A = arith.constant 0 : index
    tpu.barrier barrier_id(%barrier3A)
    %dma_start3A = arith.constant 0 : i32
    %dma_start3A_2 = arith.constant 0 : i32
    %dma_start3A_3 = arith.constant 0 : i32
    %dma_start3A_4 = arith.constant 0 : i32
    %dma_start3A_5 = tpu.memref_slice %arg9[%dma_start3A_2, %dma_start3A_3, %dma_start3A_4] : memref<2x128x128xf32, #tpu.memory_space<vmem>> -> memref<1x128x128xf32, #tpu.memory_space<vmem>>
    %dma_start3A_6 = tpu.memref_squeeze %dma_start3A_5 : memref<1x128x128xf32, #tpu.memory_space<vmem>> -> memref<128x128xf32, #tpu.memory_space<vmem>>
    %dma_start3A_7 = arith.constant 0 : i32
    %dma_start3A_8 = tpu.memref_slice %arg7[%dma_start3A, %dma_start3A_7] : memref<44x128xi32, #tpu.memory_space<vmem>> -> memref<1x128xi32, #tpu.memory_space<vmem>>
    %dma_start3A_9 = tpu.memref_squeeze %dma_start3A_8 : memref<1x128xi32, #tpu.memory_space<vmem>> -> memref<128xi32, #tpu.memory_space<vmem>>
    %dma_start3A_10 = arith.constant 0 : i32
    %dma_start3A_11 = arith.constant 0 : i32
    %dma_start3A_12 = tpu.memref_slice %arg2[%dma_start3A_10, %dma_start3A_11] : memref<20480x128xf32, #tpu.memory_space<hbm>> -> memref<20480x128xf32, #tpu.memory_space<hbm>>
    tpu.enqueue_indirect_dma source(%dma_start3A_12 : memref<20480x128xf32, #tpu.memory_space<hbm>>) target(%dma_start3A_6 : memref<128x128xf32, #tpu.memory_space<vmem>>) offsets(%dma_start3A_9 : memref<128xi32, #tpu.memory_space<vmem>>) semaphore(%arg11 : memref<!tpu.dma_semaphore, #tpu.memory_space<semaphore_mem>>)
    %scan3A = arith.constant 0 : i32
    %scan3A_13 = arith.constant 1 : i32
    %scan3A_14 = arith.constant 0 : i32
    %scan3A_15 = arith.constant 0 : i32
    %scan3A_16 = arith.constant 22 : i32
    %scan3A_17 = arith.addi %scan3A_15, %scan3A_16 : i32
    %scan3A_18 = arith.constant 1 : i32
    scf.for %scan3A_66 = %scan3A_15 to %scan3A_17 step %scan3A_18  : i32 {
      %mul3A_67 = arith.constant 2 : i32
      %mul3A_68 = arith.muli %mul3A_67, %scan3A_66 : i32
      %mul3A_69 = arith.constant 2 : i32
      %mul3A_70 = arith.muli %mul3A_69, %scan3A_66 : i32
      %add3A_71 = arith.constant 1 : i32
      %add3A_72 = arith.addi %mul3A_70, %add3A_71 : i32
      %dma_start3A_73 = arith.constant 0 : i32
      %dma_start3A_74 = arith.constant 0 : i32
      %dma_start3A_75 = tpu.memref_slice %arg9[%scan3A_13, %dma_start3A_73, %dma_start3A_74] : memref<2x128x128xf32, #tpu.memory_space<vmem>> -> memref<1x128x128xf32, #tpu.memory_space<vmem>>
      %dma_start3A_76 = tpu.memref_squeeze %dma_start3A_75 : memref<1x128x128xf32, #tpu.memory_space<vmem>> -> memref<128x128xf32, #tpu.memory_space<vmem>>
      %dma_start3A_77 = arith.constant 0 : i32
      %dma_start3A_78 = tpu.memref_slice %arg7[%add3A_72, %dma_start3A_77] : memref<44x128xi32, #tpu.memory_space<vmem>> -> memref<1x128xi32, #tpu.memory_space<vmem>>
      %dma_start3A_79 = tpu.memref_squeeze %dma_start3A_78 : memref<1x128xi32, #tpu.memory_space<vmem>> -> memref<128xi32, #tpu.memory_space<vmem>>
      %dma_start3A_80 = arith.constant 0 : i32
      %dma_start3A_81 = arith.constant 0 : i32
      %dma_start3A_82 = tpu.memref_slice %arg2[%dma_start3A_80, %dma_start3A_81] : memref<20480x128xf32, #tpu.memory_space<hbm>> -> memref<20480x128xf32, #tpu.memory_space<hbm>>
      tpu.enqueue_indirect_dma source(%dma_start3A_82 : memref<20480x128xf32, #tpu.memory_space<hbm>>) target(%dma_start3A_76 : memref<128x128xf32, #tpu.memory_space<vmem>>) offsets(%dma_start3A_79 : memref<128xi32, #tpu.memory_space<vmem>>) semaphore(%arg12 : memref<!tpu.dma_semaphore, #tpu.memory_space<semaphore_mem>>)
      %dma_wait3A = arith.constant 0 : i32
      %dma_wait3A_83 = arith.constant 0 : i32
      %dma_wait3A_84 = tpu.memref_slice %arg9[%scan3A_14, %dma_wait3A, %dma_wait3A_83] : memref<2x128x128xf32, #tpu.memory_space<vmem>> -> memref<1x128x128xf32, #tpu.memory_space<vmem>>
      %dma_wait3A_85 = tpu.memref_squeeze %dma_wait3A_84 : memref<1x128x128xf32, #tpu.memory_space<vmem>> -> memref<128x128xf32, #tpu.memory_space<vmem>>
      %dma_wait3A_86 = arith.constant 0 : i32
      %dma_wait3A_87 = tpu.memref_slice %arg7[%mul3A_68, %dma_wait3A_86] : memref<44x128xi32, #tpu.memory_space<vmem>> -> memref<1x128xi32, #tpu.memory_space<vmem>>
      %dma_wait3A_88 = tpu.memref_squeeze %dma_wait3A_87 : memref<1x128xi32, #tpu.memory_space<vmem>> -> memref<128xi32, #tpu.memory_space<vmem>>
      %dma_wait3A_89 = arith.constant 0 : i32
      %dma_wait3A_90 = arith.constant 0 : i32
      %dma_wait3A_91 = tpu.memref_slice %arg2[%dma_wait3A_89, %dma_wait3A_90] : memref<20480x128xf32, #tpu.memory_space<hbm>> -> memref<20480x128xf32, #tpu.memory_space<hbm>>
      tpu.wait_indirect_dma semaphore(%arg11 : memref<!tpu.dma_semaphore, #tpu.memory_space<semaphore_mem>>) src(%dma_wait3A_91 : memref<20480x128xf32, #tpu.memory_space<hbm>>) dst(%dma_wait3A_85 : memref<128x128xf32, #tpu.memory_space<vmem>>)
      "tpu.region"() ({
        %run_scoped3A_106 = tpu.sem_alloc : memref<!tpu.dma_semaphore, #tpu.memory_space<semaphore_mem>>
        %dma_start3A_107 = arith.constant 0 : i32
        %dma_start3A_108 = arith.constant 0 : i32
        %dma_start3A_109 = tpu.memref_slice %arg9[%scan3A_14, %dma_start3A_107, %dma_start3A_108] : memref<2x128x128xf32, #tpu.memory_space<vmem>> -> memref<1x128x128xf32, #tpu.memory_space<vmem>>
        %dma_start3A_110 = tpu.memref_squeeze %dma_start3A_109 : memref<1x128x128xf32, #tpu.memory_space<vmem>> -> memref<128x128xf32, #tpu.memory_space<vmem>>
        %dma_start3A_111 = arith.constant 0 : i32
        %dma_start3A_112 = tpu.memref_slice %arg8[%mul3A_68, %dma_start3A_111] : memref<44x128xi32, #tpu.memory_space<vmem>> -> memref<1x128xi32, #tpu.memory_space<vmem>>
        %dma_start3A_113 = tpu.memref_squeeze %dma_start3A_112 : memref<1x128xi32, #tpu.memory_space<vmem>> -> memref<128xi32, #tpu.memory_space<vmem>>
        %dma_start3A_114 = arith.constant 0 : i32
        %dma_start3A_115 = arith.constant 0 : i32
        %dma_start3A_116 = tpu.memref_slice %arg10[%dma_start3A_114, %dma_start3A_115] : memref<5184x128xf32, #tpu.memory_space<vmem_shared>> -> memref<5184x128xf32, #tpu.memory_space<vmem_shared>>
        tpu.enqueue_indirect_dma source(%dma_start3A_110 : memref<128x128xf32, #tpu.memory_space<vmem>>) target(%dma_start3A_116 : memref<5184x128xf32, #tpu.memory_space<vmem_shared>>) offsets(%dma_start3A_113 : memref<128xi32, #tpu.memory_space<vmem>>) semaphore(%run_scoped3A_106 : memref<!tpu.dma_semaphore, #tpu.memory_space<semaphore_mem>>) {add = true}
        %dma_wait3A_117 = arith.constant 0 : i32
        %dma_wait3A_118 = arith.constant 0 : i32
        %dma_wait3A_119 = tpu.memref_slice %arg9[%scan3A_14, %dma_wait3A_117, %dma_wait3A_118] : memref<2x128x128xf32, #tpu.memory_space<vmem>> -> memref<1x128x128xf32, #tpu.memory_space<vmem>>
        %dma_wait3A_120 = tpu.memref_squeeze %dma_wait3A_119 : memref<1x128x128xf32, #tpu.memory_space<vmem>> -> memref<128x128xf32, #tpu.memory_space<vmem>>
        %dma_wait3A_121 = arith.constant 0 : i32
        %dma_wait3A_122 = tpu.memref_slice %arg8[%mul3A_68, %dma_wait3A_121] : memref<44x128xi32, #tpu.memory_space<vmem>> -> memref<1x128xi32, #tpu.memory_space<vmem>>
        %dma_wait3A_123 = tpu.memref_squeeze %dma_wait3A_122 : memref<1x128xi32, #tpu.memory_space<vmem>> -> memref<128xi32, #tpu.memory_space<vmem>>
        %dma_wait3A_124 = arith.constant 0 : i32
        %dma_wait3A_125 = arith.constant 0 : i32
        %dma_wait3A_126 = tpu.memref_slice %arg10[%dma_wait3A_124, %dma_wait3A_125] : memref<5184x128xf32, #tpu.memory_space<vmem_shared>> -> memref<5184x128xf32, #tpu.memory_space<vmem_shared>>
        tpu.wait_indirect_dma semaphore(%run_scoped3A_106 : memref<!tpu.dma_semaphore, #tpu.memory_space<semaphore_mem>>) src(%dma_wait3A_120 : memref<128x128xf32, #tpu.memory_space<vmem>>) dst(%dma_wait3A_126 : memref<5184x128xf32, #tpu.memory_space<vmem_shared>>)
        tpu.yield
      }) : () -> ()
      %add3A_92 = arith.constant 1 : i32
      %add3A_93 = arith.addi %scan3A_66, %add3A_92 : i32
      %lt3A = arith.constant 22 : i32
      %lt3A_94 = arith.cmpi slt, %add3A_93, %lt3A : i32
      %convert_element_type3A = arith.extui %lt3A_94 : i1 to i32
      %cond3A = arith.constant 0 : i32
      %cond3A_95 = arith.cmpi ne, %convert_element_type3A, %cond3A : i32
      scf.if %cond3A_95 {
        %add3A_106 = arith.constant 1 : i32
        %add3A_107 = arith.addi %add3A_72, %add3A_106 : i32
        %dma_start3A_108 = arith.constant 0 : i32
        %dma_start3A_109 = arith.constant 0 : i32
        %dma_start3A_110 = tpu.memref_slice %arg9[%scan3A_14, %dma_start3A_108, %dma_start3A_109] : memref<2x128x128xf32, #tpu.memory_space<vmem>> -> memref<1x128x128xf32, #tpu.memory_space<vmem>>
        %dma_start3A_111 = tpu.memref_squeeze %dma_start3A_110 : memref<1x128x128xf32, #tpu.memory_space<vmem>> -> memref<128x128xf32, #tpu.memory_space<vmem>>
        %dma_start3A_112 = arith.constant 0 : i32
        %dma_start3A_113 = tpu.memref_slice %arg7[%add3A_107, %dma_start3A_112] : memref<44x128xi32, #tpu.memory_space<vmem>> -> memref<1x128xi32, #tpu.memory_space<vmem>>
        %dma_start3A_114 = tpu.memref_squeeze %dma_start3A_113 : memref<1x128xi32, #tpu.memory_space<vmem>> -> memref<128xi32, #tpu.memory_space<vmem>>
        %dma_start3A_115 = arith.constant 0 : i32
        %dma_start3A_116 = arith.constant 0 : i32
        %dma_start3A_117 = tpu.memref_slice %arg2[%dma_start3A_115, %dma_start3A_116] : memref<20480x128xf32, #tpu.memory_space<hbm>> -> memref<20480x128xf32, #tpu.memory_space<hbm>>
        tpu.enqueue_indirect_dma source(%dma_start3A_117 : memref<20480x128xf32, #tpu.memory_space<hbm>>) target(%dma_start3A_111 : memref<128x128xf32, #tpu.memory_space<vmem>>) offsets(%dma_start3A_114 : memref<128xi32, #tpu.memory_space<vmem>>) semaphore(%arg11 : memref<!tpu.dma_semaphore, #tpu.memory_space<semaphore_mem>>)
      } else {
      }
      %dma_wait3A_96 = arith.constant 0 : i32
      %dma_wait3A_97 = arith.constant 0 : i32
      %dma_wait3A_98 = tpu.memref_slice %arg9[%scan3A_13, %dma_wait3A_96, %dma_wait3A_97] : memref<2x128x128xf32, #tpu.memory_space<vmem>> -> memref<1x128x128xf32, #tpu.memory_space<vmem>>
      %dma_wait3A_99 = tpu.memref_squeeze %dma_wait3A_98 : memref<1x128x128xf32, #tpu.memory_space<vmem>> -> memref<128x128xf32, #tpu.memory_space<vmem>>
      %dma_wait3A_100 = arith.constant 0 : i32
      %dma_wait3A_101 = tpu.memref_slice %arg7[%add3A_72, %dma_wait3A_100] : memref<44x128xi32, #tpu.memory_space<vmem>> -> memref<1x128xi32, #tpu.memory_space<vmem>>
      %dma_wait3A_102 = tpu.memref_squeeze %dma_wait3A_101 : memref<1x128xi32, #tpu.memory_space<vmem>> -> memref<128xi32, #tpu.memory_space<vmem>>
      %dma_wait3A_103 = arith.constant 0 : i32
      %dma_wait3A_104 = arith.constant 0 : i32
      %dma_wait3A_105 = tpu.memref_slice %arg2[%dma_wait3A_103, %dma_wait3A_104] : memref<20480x128xf32, #tpu.memory_space<hbm>> -> memref<20480x128xf32, #tpu.memory_space<hbm>>
      tpu.wait_indirect_dma semaphore(%arg12 : memref<!tpu.dma_semaphore, #tpu.memory_space<semaphore_mem>>) src(%dma_wait3A_105 : memref<20480x128xf32, #tpu.memory_space<hbm>>) dst(%dma_wait3A_99 : memref<128x128xf32, #tpu.memory_space<vmem>>)
      "tpu.region"() ({
        %run_scoped3A_106 = tpu.sem_alloc : memref<!tpu.dma_semaphore, #tpu.memory_space<semaphore_mem>>
        %dma_start3A_107 = arith.constant 0 : i32
        %dma_start3A_108 = arith.constant 0 : i32
        %dma_start3A_109 = tpu.memref_slice %arg9[%scan3A_13, %dma_start3A_107, %dma_start3A_108] : memref<2x128x128xf32, #tpu.memory_space<vmem>> -> memref<1x128x128xf32, #tpu.memory_space<vmem>>
        %dma_start3A_110 = tpu.memref_squeeze %dma_start3A_109 : memref<1x128x128xf32, #tpu.memory_space<vmem>> -> memref<128x128xf32, #tpu.memory_space<vmem>>
        %dma_start3A_111 = arith.constant 0 : i32
        %dma_start3A_112 = tpu.memref_slice %arg8[%add3A_72, %dma_start3A_111] : memref<44x128xi32, #tpu.memory_space<vmem>> -> memref<1x128xi32, #tpu.memory_space<vmem>>
        %dma_start3A_113 = tpu.memref_squeeze %dma_start3A_112 : memref<1x128xi32, #tpu.memory_space<vmem>> -> memref<128xi32, #tpu.memory_space<vmem>>
        %dma_start3A_114 = arith.constant 0 : i32
        %dma_start3A_115 = arith.constant 0 : i32
        %dma_start3A_116 = tpu.memref_slice %arg10[%dma_start3A_114, %dma_start3A_115] : memref<5184x128xf32, #tpu.memory_space<vmem_shared>> -> memref<5184x128xf32, #tpu.memory_space<vmem_shared>>
        tpu.enqueue_indirect_dma source(%dma_start3A_110 : memref<128x128xf32, #tpu.memory_space<vmem>>) target(%dma_start3A_116 : memref<5184x128xf32, #tpu.memory_space<vmem_shared>>) offsets(%dma_start3A_113 : memref<128xi32, #tpu.memory_space<vmem>>) semaphore(%run_scoped3A_106 : memref<!tpu.dma_semaphore, #tpu.memory_space<semaphore_mem>>) {add = true}
        %dma_wait3A_117 = arith.constant 0 : i32
        %dma_wait3A_118 = arith.constant 0 : i32
        %dma_wait3A_119 = tpu.memref_slice %arg9[%scan3A_13, %dma_wait3A_117, %dma_wait3A_118] : memref<2x128x128xf32, #tpu.memory_space<vmem>> -> memref<1x128x128xf32, #tpu.memory_space<vmem>>
        %dma_wait3A_120 = tpu.memref_squeeze %dma_wait3A_119 : memref<1x128x128xf32, #tpu.memory_space<vmem>> -> memref<128x128xf32, #tpu.memory_space<vmem>>
        %dma_wait3A_121 = arith.constant 0 : i32
        %dma_wait3A_122 = tpu.memref_slice %arg8[%add3A_72, %dma_wait3A_121] : memref<44x128xi32, #tpu.memory_space<vmem>> -> memref<1x128xi32, #tpu.memory_space<vmem>>
        %dma_wait3A_123 = tpu.memref_squeeze %dma_wait3A_122 : memref<1x128xi32, #tpu.memory_space<vmem>> -> memref<128xi32, #tpu.memory_space<vmem>>
        %dma_wait3A_124 = arith.constant 0 : i32
        %dma_wait3A_125 = arith.constant 0 : i32
        %dma_wait3A_126 = tpu.memref_slice %arg10[%dma_wait3A_124, %dma_wait3A_125] : memref<5184x128xf32, #tpu.memory_space<vmem_shared>> -> memref<5184x128xf32, #tpu.memory_space<vmem_shared>>
        tpu.wait_indirect_dma semaphore(%run_scoped3A_106 : memref<!tpu.dma_semaphore, #tpu.memory_space<semaphore_mem>>) src(%dma_wait3A_120 : memref<128x128xf32, #tpu.memory_space<vmem>>) dst(%dma_wait3A_126 : memref<5184x128xf32, #tpu.memory_space<vmem_shared>>)
        tpu.yield
      }) : () -> ()
    }
    %scan3A_19 = arith.constant 22 : i32
    %barrier3A_20 = arith.constant 0 : index
    tpu.barrier barrier_id(%barrier3A_20)
    %mul3A_21 = arith.constant 320 : i32
    %mul3A_22 = arith.muli %arg1, %mul3A_21 : i32
    %mul3A_23 = arith.constant 10240 : i32
    %mul3A_24 = arith.muli %arg0, %mul3A_23 : i32
    %add3A = arith.constant 0 : i32
    %add3A_25 = arith.addi %mul3A_24, %add3A : i32
    %mul3A_26 = arith.constant 320 : i32
    %mul3A_27 = arith.muli %arg1, %mul3A_26 : i32
    %add3A_28 = arith.addi %add3A_25, %mul3A_27 : i32
    "tpu.region"() ({
      %run_scoped3A_66 = tpu.sem_alloc : memref<!tpu.dma_semaphore, #tpu.memory_space<semaphore_mem>>
      %dma_start3A_67 = arith.constant 0 : i32
      %dma_start3A_68 = tpu.memref_slice %arg6[%add3A_28, %dma_start3A_67] : memref<20480x128xf32, #tpu.memory_space<hbm>> -> memref<320x128xf32, #tpu.memory_space<hbm>>
      %dma_start3A_69 = arith.constant 0 : i32
      %dma_start3A_70 = tpu.memref_slice %arg10[%mul3A_22, %dma_start3A_69] : memref<5184x128xf32, #tpu.memory_space<vmem_shared>> -> memref<320x128xf32, #tpu.memory_space<vmem_shared>>
      tpu.enqueue_dma source(%dma_start3A_70 : memref<320x128xf32, #tpu.memory_space<vmem_shared>>) target(%dma_start3A_68 : memref<320x128xf32, #tpu.memory_space<hbm>>) target_semaphore(%run_scoped3A_66 : memref<!tpu.dma_semaphore, #tpu.memory_space<semaphore_mem>>)
      %dma_wait3A = arith.constant 0 : i32
      %dma_wait3A_71 = tpu.memref_slice %arg6[%add3A_28, %dma_wait3A] : memref<20480x128xf32, #tpu.memory_space<hbm>> -> memref<320x128xf32, #tpu.memory_space<hbm>>
      %dma_wait3A_72 = arith.constant 0 : i32
      %dma_wait3A_73 = tpu.memref_slice %arg10[%mul3A_22, %dma_wait3A_72] : memref<5184x128xf32, #tpu.memory_space<vmem_shared>> -> memref<320x128xf32, #tpu.memory_space<vmem_shared>>
      tpu.wait_dma2 semaphore(%run_scoped3A_66 : memref<!tpu.dma_semaphore, #tpu.memory_space<semaphore_mem>>) src(%dma_wait3A_73 : memref<320x128xf32, #tpu.memory_space<vmem_shared>>) dst(%dma_wait3A_71 : memref<320x128xf32, #tpu.memory_space<hbm>>)
      tpu.yield
    }) : () -> ()
    %barrier3A_29 = arith.constant 0 : index
    tpu.barrier barrier_id(%barrier3A_29)
    %run_scoped3A_30 = arith.constant 1 : i32
    "tpu.region"() ({
      %run_scoped3A_66 = tpu.sem_alloc : memref<!tpu.dma_semaphore, #tpu.memory_space<semaphore_mem>>
      %dma_start3A_67 = arith.constant 0 : i32
      %dma_start3A_68 = arith.constant 0 : i32
      %dma_start3A_69 = tpu.memref_slice %arg3[%arg0, %arg1, %run_scoped3A_30, %dma_start3A_67, %dma_start3A_68] : memref<2x16x2x44x128xi32, #tpu.memory_space<hbm>> -> memref<1x1x1x44x128xi32, #tpu.memory_space<hbm>>
      %dma_start3A_70 = tpu.memref_squeeze %dma_start3A_69 : memref<1x1x1x44x128xi32, #tpu.memory_space<hbm>> -> memref<44x128xi32, #tpu.memory_space<hbm>>
      %dma_start3A_71 = arith.constant 0 : i32
      %dma_start3A_72 = arith.constant 0 : i32
      %dma_start3A_73 = tpu.memref_slice %arg3[%arg0, %arg1, %run_scoped3A_30, %dma_start3A_71, %dma_start3A_72] : memref<2x16x2x44x128xi32, #tpu.memory_space<hbm>> -> memref<1x1x1x44x128xi32, #tpu.memory_space<hbm>>
      %dma_start3A_74 = tpu.memref_squeeze %dma_start3A_73 : memref<1x1x1x44x128xi32, #tpu.memory_space<hbm>> -> memref<44x128xi32, #tpu.memory_space<hbm>>
      tpu.enqueue_dma source(%dma_start3A_74 : memref<44x128xi32, #tpu.memory_space<hbm>>) target(%arg7 : memref<44x128xi32, #tpu.memory_space<vmem>>) target_semaphore(%run_scoped3A_66 : memref<!tpu.dma_semaphore, #tpu.memory_space<semaphore_mem>>)
      %dma_wait3A = arith.constant 0 : i32
      %dma_wait3A_75 = arith.constant 0 : i32
      %dma_wait3A_76 = tpu.memref_slice %arg3[%arg0, %arg1, %run_scoped3A_30, %dma_wait3A, %dma_wait3A_75] : memref<2x16x2x44x128xi32, #tpu.memory_space<hbm>> -> memref<1x1x1x44x128xi32, #tpu.memory_space<hbm>>
      %dma_wait3A_77 = tpu.memref_squeeze %dma_wait3A_76 : memref<1x1x1x44x128xi32, #tpu.memory_space<hbm>> -> memref<44x128xi32, #tpu.memory_space<hbm>>
      %dma_wait3A_78 = arith.constant 0 : i32
      %dma_wait3A_79 = arith.constant 0 : i32
      %dma_wait3A_80 = tpu.memref_slice %arg3[%arg0, %arg1, %run_scoped3A_30, %dma_wait3A_78, %dma_wait3A_79] : memref<2x16x2x44x128xi32, #tpu.memory_space<hbm>> -> memref<1x1x1x44x128xi32, #tpu.memory_space<hbm>>
      %dma_wait3A_81 = tpu.memref_squeeze %dma_wait3A_80 : memref<1x1x1x44x128xi32, #tpu.memory_space<hbm>> -> memref<44x128xi32, #tpu.memory_space<hbm>>
      tpu.wait_dma2 semaphore(%run_scoped3A_66 : memref<!tpu.dma_semaphore, #tpu.memory_space<semaphore_mem>>) src(%dma_wait3A_81 : memref<44x128xi32, #tpu.memory_space<hbm>>) dst(%arg7 : memref<44x128xi32, #tpu.memory_space<vmem>>)
      tpu.yield
    }) : () -> ()
    %run_scoped3A_31 = arith.constant 1 : i32
    "tpu.region"() ({
      %run_scoped3A_66 = tpu.sem_alloc : memref<!tpu.dma_semaphore, #tpu.memory_space<semaphore_mem>>
      %dma_start3A_67 = arith.constant 0 : i32
      %dma_start3A_68 = arith.constant 0 : i32
      %dma_start3A_69 = tpu.memref_slice %arg4[%arg0, %arg1, %run_scoped3A_31, %dma_start3A_67, %dma_start3A_68] : memref<2x16x2x44x128xi32, #tpu.memory_space<hbm>> -> memref<1x1x1x44x128xi32, #tpu.memory_space<hbm>>
      %dma_start3A_70 = tpu.memref_squeeze %dma_start3A_69 : memref<1x1x1x44x128xi32, #tpu.memory_space<hbm>> -> memref<44x128xi32, #tpu.memory_space<hbm>>
      %dma_start3A_71 = arith.constant 0 : i32
      %dma_start3A_72 = arith.constant 0 : i32
      %dma_start3A_73 = tpu.memref_slice %arg4[%arg0, %arg1, %run_scoped3A_31, %dma_start3A_71, %dma_start3A_72] : memref<2x16x2x44x128xi32, #tpu.memory_space<hbm>> -> memref<1x1x1x44x128xi32, #tpu.memory_space<hbm>>
      %dma_start3A_74 = tpu.memref_squeeze %dma_start3A_73 : memref<1x1x1x44x128xi32, #tpu.memory_space<hbm>> -> memref<44x128xi32, #tpu.memory_space<hbm>>
      tpu.enqueue_dma source(%dma_start3A_74 : memref<44x128xi32, #tpu.memory_space<hbm>>) target(%arg8 : memref<44x128xi32, #tpu.memory_space<vmem>>) target_semaphore(%run_scoped3A_66 : memref<!tpu.dma_semaphore, #tpu.memory_space<semaphore_mem>>)
      %dma_wait3A = arith.constant 0 : i32
      %dma_wait3A_75 = arith.constant 0 : i32
      %dma_wait3A_76 = tpu.memref_slice %arg4[%arg0, %arg1, %run_scoped3A_31, %dma_wait3A, %dma_wait3A_75] : memref<2x16x2x44x128xi32, #tpu.memory_space<hbm>> -> memref<1x1x1x44x128xi32, #tpu.memory_space<hbm>>
      %dma_wait3A_77 = tpu.memref_squeeze %dma_wait3A_76 : memref<1x1x1x44x128xi32, #tpu.memory_space<hbm>> -> memref<44x128xi32, #tpu.memory_space<hbm>>
      %dma_wait3A_78 = arith.constant 0 : i32
      %dma_wait3A_79 = arith.constant 0 : i32
      %dma_wait3A_80 = tpu.memref_slice %arg4[%arg0, %arg1, %run_scoped3A_31, %dma_wait3A_78, %dma_wait3A_79] : memref<2x16x2x44x128xi32, #tpu.memory_space<hbm>> -> memref<1x1x1x44x128xi32, #tpu.memory_space<hbm>>
      %dma_wait3A_81 = tpu.memref_squeeze %dma_wait3A_80 : memref<1x1x1x44x128xi32, #tpu.memory_space<hbm>> -> memref<44x128xi32, #tpu.memory_space<hbm>>
      tpu.wait_dma2 semaphore(%run_scoped3A_66 : memref<!tpu.dma_semaphore, #tpu.memory_space<semaphore_mem>>) src(%dma_wait3A_81 : memref<44x128xi32, #tpu.memory_space<hbm>>) dst(%arg8 : memref<44x128xi32, #tpu.memory_space<vmem>>)
      tpu.yield
    }) : () -> ()
    %mul3A_32 = arith.constant 324 : i32
    %mul3A_33 = arith.muli %arg1, %mul3A_32 : i32
    "tpu.region"() ({
      %run_scoped3A_66 = tpu.sem_alloc : memref<!tpu.dma_semaphore, #tpu.memory_space<semaphore_mem>>
      %dma_start3A_67 = arith.constant 0 : i32
      %dma_start3A_68 = tpu.memref_slice %arg10[%mul3A_33, %dma_start3A_67] : memref<5184x128xf32, #tpu.memory_space<vmem_shared>> -> memref<324x128xf32, #tpu.memory_space<vmem_shared>>
      tpu.enqueue_dma source(%arg5 : memref<324x128xf32, #tpu.memory_space<hbm>>) target(%dma_start3A_68 : memref<324x128xf32, #tpu.memory_space<vmem_shared>>) target_semaphore(%run_scoped3A_66 : memref<!tpu.dma_semaphore, #tpu.memory_space<semaphore_mem>>)
      %dma_wait3A = arith.constant 0 : i32
      %dma_wait3A_69 = tpu.memref_slice %arg10[%mul3A_33, %dma_wait3A] : memref<5184x128xf32, #tpu.memory_space<vmem_shared>> -> memref<324x128xf32, #tpu.memory_space<vmem_shared>>
      tpu.wait_dma2 semaphore(%run_scoped3A_66 : memref<!tpu.dma_semaphore, #tpu.memory_space<semaphore_mem>>) src(%arg5 : memref<324x128xf32, #tpu.memory_space<hbm>>) dst(%dma_wait3A_69 : memref<324x128xf32, #tpu.memory_space<vmem_shared>>)
      tpu.yield
    }) : () -> ()
    %barrier3A_34 = arith.constant 0 : index
    tpu.barrier barrier_id(%barrier3A_34)
    %dma_start3A_35 = arith.constant 0 : i32
    %dma_start3A_36 = arith.constant 0 : i32
    %dma_start3A_37 = arith.constant 0 : i32
    %dma_start3A_38 = arith.constant 0 : i32
    %dma_start3A_39 = tpu.memref_slice %arg9[%dma_start3A_36, %dma_start3A_37, %dma_start3A_38] : memref<2x128x128xf32, #tpu.memory_space<vmem>> -> memref<1x128x128xf32, #tpu.memory_space<vmem>>
    %dma_start3A_40 = tpu.memref_squeeze %dma_start3A_39 : memref<1x128x128xf32, #tpu.memory_space<vmem>> -> memref<128x128xf32, #tpu.memory_space<vmem>>
    %dma_start3A_41 = arith.constant 0 : i32
    %dma_start3A_42 = tpu.memref_slice %arg7[%dma_start3A_35, %dma_start3A_41] : memref<44x128xi32, #tpu.memory_space<vmem>> -> memref<1x128xi32, #tpu.memory_space<vmem>>
    %dma_start3A_43 = tpu.memref_squeeze %dma_start3A_42 : memref<1x128xi32, #tpu.memory_space<vmem>> -> memref<128xi32, #tpu.memory_space<vmem>>
    %dma_start3A_44 = arith.constant 0 : i32
    %dma_start3A_45 = arith.constant 0 : i32
    %dma_start3A_46 = tpu.memref_slice %arg2[%dma_start3A_44, %dma_start3A_45] : memref<20480x128xf32, #tpu.memory_space<hbm>> -> memref<20480x128xf32, #tpu.memory_space<hbm>>
    tpu.enqueue_indirect_dma source(%dma_start3A_46 : memref<20480x128xf32, #tpu.memory_space<hbm>>) target(%dma_start3A_40 : memref<128x128xf32, #tpu.memory_space<vmem>>) offsets(%dma_start3A_43 : memref<128xi32, #tpu.memory_space<vmem>>) semaphore(%arg11 : memref<!tpu.dma_semaphore, #tpu.memory_space<semaphore_mem>>)
    %scan3A_47 = arith.constant 0 : i32
    %scan3A_48 = arith.constant 1 : i32
    %scan3A_49 = arith.constant 0 : i32
    %scan3A_50 = arith.constant 0 : i32
    %scan3A_51 = arith.constant 22 : i32
    %scan3A_52 = arith.addi %scan3A_50, %scan3A_51 : i32
    %scan3A_53 = arith.constant 1 : i32
    scf.for %scan3A_66 = %scan3A_50 to %scan3A_52 step %scan3A_53  : i32 {
      %mul3A_67 = arith.constant 2 : i32
      %mul3A_68 = arith.muli %mul3A_67, %scan3A_66 : i32
      %mul3A_69 = arith.constant 2 : i32
      %mul3A_70 = arith.muli %mul3A_69, %scan3A_66 : i32
      %add3A_71 = arith.constant 1 : i32
      %add3A_72 = arith.addi %mul3A_70, %add3A_71 : i32
      %dma_start3A_73 = arith.constant 0 : i32
      %dma_start3A_74 = arith.constant 0 : i32
      %dma_start3A_75 = tpu.memref_slice %arg9[%scan3A_48, %dma_start3A_73, %dma_start3A_74] : memref<2x128x128xf32, #tpu.memory_space<vmem>> -> memref<1x128x128xf32, #tpu.memory_space<vmem>>
      %dma_start3A_76 = tpu.memref_squeeze %dma_start3A_75 : memref<1x128x128xf32, #tpu.memory_space<vmem>> -> memref<128x128xf32, #tpu.memory_space<vmem>>
      %dma_start3A_77 = arith.constant 0 : i32
      %dma_start3A_78 = tpu.memref_slice %arg7[%add3A_72, %dma_start3A_77] : memref<44x128xi32, #tpu.memory_space<vmem>> -> memref<1x128xi32, #tpu.memory_space<vmem>>
      %dma_start3A_79 = tpu.memref_squeeze %dma_start3A_78 : memref<1x128xi32, #tpu.memory_space<vmem>> -> memref<128xi32, #tpu.memory_space<vmem>>
      %dma_start3A_80 = arith.constant 0 : i32
      %dma_start3A_81 = arith.constant 0 : i32
      %dma_start3A_82 = tpu.memref_slice %arg2[%dma_start3A_80, %dma_start3A_81] : memref<20480x128xf32, #tpu.memory_space<hbm>> -> memref<20480x128xf32, #tpu.memory_space<hbm>>
      tpu.enqueue_indirect_dma source(%dma_start3A_82 : memref<20480x128xf32, #tpu.memory_space<hbm>>) target(%dma_start3A_76 : memref<128x128xf32, #tpu.memory_space<vmem>>) offsets(%dma_start3A_79 : memref<128xi32, #tpu.memory_space<vmem>>) semaphore(%arg12 : memref<!tpu.dma_semaphore, #tpu.memory_space<semaphore_mem>>)
      %dma_wait3A = arith.constant 0 : i32
      %dma_wait3A_83 = arith.constant 0 : i32
      %dma_wait3A_84 = tpu.memref_slice %arg9[%scan3A_49, %dma_wait3A, %dma_wait3A_83] : memref<2x128x128xf32, #tpu.memory_space<vmem>> -> memref<1x128x128xf32, #tpu.memory_space<vmem>>
      %dma_wait3A_85 = tpu.memref_squeeze %dma_wait3A_84 : memref<1x128x128xf32, #tpu.memory_space<vmem>> -> memref<128x128xf32, #tpu.memory_space<vmem>>
      %dma_wait3A_86 = arith.constant 0 : i32
      %dma_wait3A_87 = tpu.memref_slice %arg7[%mul3A_68, %dma_wait3A_86] : memref<44x128xi32, #tpu.memory_space<vmem>> -> memref<1x128xi32, #tpu.memory_space<vmem>>
      %dma_wait3A_88 = tpu.memref_squeeze %dma_wait3A_87 : memref<1x128xi32, #tpu.memory_space<vmem>> -> memref<128xi32, #tpu.memory_space<vmem>>
      %dma_wait3A_89 = arith.constant 0 : i32
      %dma_wait3A_90 = arith.constant 0 : i32
      %dma_wait3A_91 = tpu.memref_slice %arg2[%dma_wait3A_89, %dma_wait3A_90] : memref<20480x128xf32, #tpu.memory_space<hbm>> -> memref<20480x128xf32, #tpu.memory_space<hbm>>
      tpu.wait_indirect_dma semaphore(%arg11 : memref<!tpu.dma_semaphore, #tpu.memory_space<semaphore_mem>>) src(%dma_wait3A_91 : memref<20480x128xf32, #tpu.memory_space<hbm>>) dst(%dma_wait3A_85 : memref<128x128xf32, #tpu.memory_space<vmem>>)
      "tpu.region"() ({
        %run_scoped3A_106 = tpu.sem_alloc : memref<!tpu.dma_semaphore, #tpu.memory_space<semaphore_mem>>
        %dma_start3A_107 = arith.constant 0 : i32
        %dma_start3A_108 = arith.constant 0 : i32
        %dma_start3A_109 = tpu.memref_slice %arg9[%scan3A_49, %dma_start3A_107, %dma_start3A_108] : memref<2x128x128xf32, #tpu.memory_space<vmem>> -> memref<1x128x128xf32, #tpu.memory_space<vmem>>
        %dma_start3A_110 = tpu.memref_squeeze %dma_start3A_109 : memref<1x128x128xf32, #tpu.memory_space<vmem>> -> memref<128x128xf32, #tpu.memory_space<vmem>>
        %dma_start3A_111 = arith.constant 0 : i32
        %dma_start3A_112 = tpu.memref_slice %arg8[%mul3A_68, %dma_start3A_111] : memref<44x128xi32, #tpu.memory_space<vmem>> -> memref<1x128xi32, #tpu.memory_space<vmem>>
        %dma_start3A_113 = tpu.memref_squeeze %dma_start3A_112 : memref<1x128xi32, #tpu.memory_space<vmem>> -> memref<128xi32, #tpu.memory_space<vmem>>
        %dma_start3A_114 = arith.constant 0 : i32
        %dma_start3A_115 = arith.constant 0 : i32
        %dma_start3A_116 = tpu.memref_slice %arg10[%dma_start3A_114, %dma_start3A_115] : memref<5184x128xf32, #tpu.memory_space<vmem_shared>> -> memref<5184x128xf32, #tpu.memory_space<vmem_shared>>
        tpu.enqueue_indirect_dma source(%dma_start3A_110 : memref<128x128xf32, #tpu.memory_space<vmem>>) target(%dma_start3A_116 : memref<5184x128xf32, #tpu.memory_space<vmem_shared>>) offsets(%dma_start3A_113 : memref<128xi32, #tpu.memory_space<vmem>>) semaphore(%run_scoped3A_106 : memref<!tpu.dma_semaphore, #tpu.memory_space<semaphore_mem>>) {add = true}
        %dma_wait3A_117 = arith.constant 0 : i32
        %dma_wait3A_118 = arith.constant 0 : i32
        %dma_wait3A_119 = tpu.memref_slice %arg9[%scan3A_49, %dma_wait3A_117, %dma_wait3A_118] : memref<2x128x128xf32, #tpu.memory_space<vmem>> -> memref<1x128x128xf32, #tpu.memory_space<vmem>>
        %dma_wait3A_120 = tpu.memref_squeeze %dma_wait3A_119 : memref<1x128x128xf32, #tpu.memory_space<vmem>> -> memref<128x128xf32, #tpu.memory_space<vmem>>
        %dma_wait3A_121 = arith.constant 0 : i32
        %dma_wait3A_122 = tpu.memref_slice %arg8[%mul3A_68, %dma_wait3A_121] : memref<44x128xi32, #tpu.memory_space<vmem>> -> memref<1x128xi32, #tpu.memory_space<vmem>>
        %dma_wait3A_123 = tpu.memref_squeeze %dma_wait3A_122 : memref<1x128xi32, #tpu.memory_space<vmem>> -> memref<128xi32, #tpu.memory_space<vmem>>
        %dma_wait3A_124 = arith.constant 0 : i32
        %dma_wait3A_125 = arith.constant 0 : i32
        %dma_wait3A_126 = tpu.memref_slice %arg10[%dma_wait3A_124, %dma_wait3A_125] : memref<5184x128xf32, #tpu.memory_space<vmem_shared>> -> memref<5184x128xf32, #tpu.memory_space<vmem_shared>>
        tpu.wait_indirect_dma semaphore(%run_scoped3A_106 : memref<!tpu.dma_semaphore, #tpu.memory_space<semaphore_mem>>) src(%dma_wait3A_120 : memref<128x128xf32, #tpu.memory_space<vmem>>) dst(%dma_wait3A_126 : memref<5184x128xf32, #tpu.memory_space<vmem_shared>>)
        tpu.yield
      }) : () -> ()
      %add3A_92 = arith.constant 1 : i32
      %add3A_93 = arith.addi %scan3A_66, %add3A_92 : i32
      %lt3A = arith.constant 22 : i32
      %lt3A_94 = arith.cmpi slt, %add3A_93, %lt3A : i32
      %convert_element_type3A = arith.extui %lt3A_94 : i1 to i32
      %cond3A = arith.constant 0 : i32
      %cond3A_95 = arith.cmpi ne, %convert_element_type3A, %cond3A : i32
      scf.if %cond3A_95 {
        %add3A_106 = arith.constant 1 : i32
        %add3A_107 = arith.addi %add3A_72, %add3A_106 : i32
        %dma_start3A_108 = arith.constant 0 : i32
        %dma_start3A_109 = arith.constant 0 : i32
        %dma_start3A_110 = tpu.memref_slice %arg9[%scan3A_49, %dma_start3A_108, %dma_start3A_109] : memref<2x128x128xf32, #tpu.memory_space<vmem>> -> memref<1x128x128xf32, #tpu.memory_space<vmem>>
        %dma_start3A_111 = tpu.memref_squeeze %dma_start3A_110 : memref<1x128x128xf32, #tpu.memory_space<vmem>> -> memref<128x128xf32, #tpu.memory_space<vmem>>
        %dma_start3A_112 = arith.constant 0 : i32
        %dma_start3A_113 = tpu.memref_slice %arg7[%add3A_107, %dma_start3A_112] : memref<44x128xi32, #tpu.memory_space<vmem>> -> memref<1x128xi32, #tpu.memory_space<vmem>>
        %dma_start3A_114 = tpu.memref_squeeze %dma_start3A_113 : memref<1x128xi32, #tpu.memory_space<vmem>> -> memref<128xi32, #tpu.memory_space<vmem>>
        %dma_start3A_115 = arith.constant 0 : i32
        %dma_start3A_116 = arith.constant 0 : i32
        %dma_start3A_117 = tpu.memref_slice %arg2[%dma_start3A_115, %dma_start3A_116] : memref<20480x128xf32, #tpu.memory_space<hbm>> -> memref<20480x128xf32, #tpu.memory_space<hbm>>
        tpu.enqueue_indirect_dma source(%dma_start3A_117 : memref<20480x128xf32, #tpu.memory_space<hbm>>) target(%dma_start3A_111 : memref<128x128xf32, #tpu.memory_space<vmem>>) offsets(%dma_start3A_114 : memref<128xi32, #tpu.memory_space<vmem>>) semaphore(%arg11 : memref<!tpu.dma_semaphore, #tpu.memory_space<semaphore_mem>>)
      } else {
      }
      %dma_wait3A_96 = arith.constant 0 : i32
      %dma_wait3A_97 = arith.constant 0 : i32
      %dma_wait3A_98 = tpu.memref_slice %arg9[%scan3A_48, %dma_wait3A_96, %dma_wait3A_97] : memref<2x128x128xf32, #tpu.memory_space<vmem>> -> memref<1x128x128xf32, #tpu.memory_space<vmem>>
      %dma_wait3A_99 = tpu.memref_squeeze %dma_wait3A_98 : memref<1x128x128xf32, #tpu.memory_space<vmem>> -> memref<128x128xf32, #tpu.memory_space<vmem>>
      %dma_wait3A_100 = arith.constant 0 : i32
      %dma_wait3A_101 = tpu.memref_slice %arg7[%add3A_72, %dma_wait3A_100] : memref<44x128xi32, #tpu.memory_space<vmem>> -> memref<1x128xi32, #tpu.memory_space<vmem>>
      %dma_wait3A_102 = tpu.memref_squeeze %dma_wait3A_101 : memref<1x128xi32, #tpu.memory_space<vmem>> -> memref<128xi32, #tpu.memory_space<vmem>>
      %dma_wait3A_103 = arith.constant 0 : i32
      %dma_wait3A_104 = arith.constant 0 : i32
      %dma_wait3A_105 = tpu.memref_slice %arg2[%dma_wait3A_103, %dma_wait3A_104] : memref<20480x128xf32, #tpu.memory_space<hbm>> -> memref<20480x128xf32, #tpu.memory_space<hbm>>
      tpu.wait_indirect_dma semaphore(%arg12 : memref<!tpu.dma_semaphore, #tpu.memory_space<semaphore_mem>>) src(%dma_wait3A_105 : memref<20480x128xf32, #tpu.memory_space<hbm>>) dst(%dma_wait3A_99 : memref<128x128xf32, #tpu.memory_space<vmem>>)
      "tpu.region"() ({
        %run_scoped3A_106 = tpu.sem_alloc : memref<!tpu.dma_semaphore, #tpu.memory_space<semaphore_mem>>
        %dma_start3A_107 = arith.constant 0 : i32
        %dma_start3A_108 = arith.constant 0 : i32
        %dma_start3A_109 = tpu.memref_slice %arg9[%scan3A_48, %dma_start3A_107, %dma_start3A_108] : memref<2x128x128xf32, #tpu.memory_space<vmem>> -> memref<1x128x128xf32, #tpu.memory_space<vmem>>
        %dma_start3A_110 = tpu.memref_squeeze %dma_start3A_109 : memref<1x128x128xf32, #tpu.memory_space<vmem>> -> memref<128x128xf32, #tpu.memory_space<vmem>>
        %dma_start3A_111 = arith.constant 0 : i32
        %dma_start3A_112 = tpu.memref_slice %arg8[%add3A_72, %dma_start3A_111] : memref<44x128xi32, #tpu.memory_space<vmem>> -> memref<1x128xi32, #tpu.memory_space<vmem>>
        %dma_start3A_113 = tpu.memref_squeeze %dma_start3A_112 : memref<1x128xi32, #tpu.memory_space<vmem>> -> memref<128xi32, #tpu.memory_space<vmem>>
        %dma_start3A_114 = arith.constant 0 : i32
        %dma_start3A_115 = arith.constant 0 : i32
        %dma_start3A_116 = tpu.memref_slice %arg10[%dma_start3A_114, %dma_start3A_115] : memref<5184x128xf32, #tpu.memory_space<vmem_shared>> -> memref<5184x128xf32, #tpu.memory_space<vmem_shared>>
        tpu.enqueue_indirect_dma source(%dma_start3A_110 : memref<128x128xf32, #tpu.memory_space<vmem>>) target(%dma_start3A_116 : memref<5184x128xf32, #tpu.memory_space<vmem_shared>>) offsets(%dma_start3A_113 : memref<128xi32, #tpu.memory_space<vmem>>) semaphore(%run_scoped3A_106 : memref<!tpu.dma_semaphore, #tpu.memory_space<semaphore_mem>>) {add = true}
        %dma_wait3A_117 = arith.constant 0 : i32
        %dma_wait3A_118 = arith.constant 0 : i32
        %dma_wait3A_119 = tpu.memref_slice %arg9[%scan3A_48, %dma_wait3A_117, %dma_wait3A_118] : memref<2x128x128xf32, #tpu.memory_space<vmem>> -> memref<1x128x128xf32, #tpu.memory_space<vmem>>
        %dma_wait3A_120 = tpu.memref_squeeze %dma_wait3A_119 : memref<1x128x128xf32, #tpu.memory_space<vmem>> -> memref<128x128xf32, #tpu.memory_space<vmem>>
        %dma_wait3A_121 = arith.constant 0 : i32
        %dma_wait3A_122 = tpu.memref_slice %arg8[%add3A_72, %dma_wait3A_121] : memref<44x128xi32, #tpu.memory_space<vmem>> -> memref<1x128xi32, #tpu.memory_space<vmem>>
        %dma_wait3A_123 = tpu.memref_squeeze %dma_wait3A_122 : memref<1x128xi32, #tpu.memory_space<vmem>> -> memref<128xi32, #tpu.memory_space<vmem>>
        %dma_wait3A_124 = arith.constant 0 : i32
        %dma_wait3A_125 = arith.constant 0 : i32
        %dma_wait3A_126 = tpu.memref_slice %arg10[%dma_wait3A_124, %dma_wait3A_125] : memref<5184x128xf32, #tpu.memory_space<vmem_shared>> -> memref<5184x128xf32, #tpu.memory_space<vmem_shared>>
        tpu.wait_indirect_dma semaphore(%run_scoped3A_106 : memref<!tpu.dma_semaphore, #tpu.memory_space<semaphore_mem>>) src(%dma_wait3A_120 : memref<128x128xf32, #tpu.memory_space<vmem>>) dst(%dma_wait3A_126 : memref<5184x128xf32, #tpu.memory_space<vmem_shared>>)
        tpu.yield
      }) : () -> ()
    }
    %scan3A_54 = arith.constant 22 : i32
    %barrier3A_55 = arith.constant 0 : index
    tpu.barrier barrier_id(%barrier3A_55)
    %mul3A_56 = arith.constant 320 : i32
    %mul3A_57 = arith.muli %arg1, %mul3A_56 : i32
    %mul3A_58 = arith.constant 10240 : i32
    %mul3A_59 = arith.muli %arg0, %mul3A_58 : i32
    %add3A_60 = arith.constant 5120 : i32
    %add3A_61 = arith.addi %mul3A_59, %add3A_60 : i32
    %mul3A_62 = arith.constant 320 : i32
    %mul3A_63 = arith.muli %arg1, %mul3A_62 : i32
    %add3A_64 = arith.addi %add3A_61, %mul3A_63 : i32
    "tpu.region"() ({
      %run_scoped3A_66 = tpu.sem_alloc : memref<!tpu.dma_semaphore, #tpu.memory_space<semaphore_mem>>
      %dma_start3A_67 = arith.constant 0 : i32
      %dma_start3A_68 = tpu.memref_slice %arg6[%add3A_64, %dma_start3A_67] : memref<20480x128xf32, #tpu.memory_space<hbm>> -> memref<320x128xf32, #tpu.memory_space<hbm>>
      %dma_start3A_69 = arith.constant 0 : i32
      %dma_start3A_70 = tpu.memref_slice %arg10[%mul3A_57, %dma_start3A_69] : memref<5184x128xf32, #tpu.memory_space<vmem_shared>> -> memref<320x128xf32, #tpu.memory_space<vmem_shared>>
      tpu.enqueue_dma source(%dma_start3A_70 : memref<320x128xf32, #tpu.memory_space<vmem_shared>>) target(%dma_start3A_68 : memref<320x128xf32, #tpu.memory_space<hbm>>) target_semaphore(%run_scoped3A_66 : memref<!tpu.dma_semaphore, #tpu.memory_space<semaphore_mem>>)
      %dma_wait3A = arith.constant 0 : i32
      %dma_wait3A_71 = tpu.memref_slice %arg6[%add3A_64, %dma_wait3A] : memref<20480x128xf32, #tpu.memory_space<hbm>> -> memref<320x128xf32, #tpu.memory_space<hbm>>
      %dma_wait3A_72 = arith.constant 0 : i32
      %dma_wait3A_73 = tpu.memref_slice %arg10[%mul3A_57, %dma_wait3A_72] : memref<5184x128xf32, #tpu.memory_space<vmem_shared>> -> memref<320x128xf32, #tpu.memory_space<vmem_shared>>
      tpu.wait_dma2 semaphore(%run_scoped3A_66 : memref<!tpu.dma_semaphore, #tpu.memory_space<semaphore_mem>>) src(%dma_wait3A_73 : memref<320x128xf32, #tpu.memory_space<vmem_shared>>) dst(%dma_wait3A_71 : memref<320x128xf32, #tpu.memory_space<hbm>>)
      tpu.yield
    }) : () -> ()
    %barrier3A_65 = arith.constant 0 : index
    tpu.barrier barrier_id(%barrier3A_65)
    return
  }
}

#map = affine_map<(d0, d1) -> (0, 0)>
#map1 = affine_map<(d0, d1) -> (0, 0, 0, 0, 0)>
module attributes {stable_mosaic.version = 14 : i64} {
  func.func @_mp_kernel(%arg0: i32, %arg1: i32, %arg2: memref<20480x128xf32, #tpu.memory_space<hbm>>, %arg3: memref<2x16x2x44x128xi32, #tpu.memory_space<hbm>>, %arg4: memref<2x16x2x44x128xi32, #tpu.memory_space<hbm>>, %arg5: memref<324x128xf32, #tpu.memory_space<hbm>>, %arg6: memref<20480x128xf32, #tpu.memory_space<hbm>>, %arg7: memref<44x128xi32, #tpu.memory_space<vmem>>, %arg8: memref<44x128xi32, #tpu.memory_space<vmem>>, %arg9: memref<2x128x128xf32, #tpu.memory_space<vmem>>, %arg10: memref<5184x128xf32, #tpu.memory_space<vmem_shared>>, %arg11: memref<!tpu.dma_semaphore, #tpu.memory_space<semaphore_mem>>, %arg12: memref<!tpu.dma_semaphore, #tpu.memory_space<semaphore_mem>>) attributes {dimension_semantics = [#tpu.dimension_semantics<core_parallel>, #tpu.dimension_semantics<subcore_parallel>], iteration_bounds = array<i64: 2, 16>, scalar_prefetch = 0 : i64, scratch_operands = 6 : i64, tpu.core_type = #tpu.core_type<sc_vector_subcore>, window_params = [{transform_indices = #map}, {transform_indices = #map1}, {transform_indices = #map1}, {transform_indices = #map}, {transform_indices = #map}]} {
    %run_scoped3A = arith.constant 0 : i32
    "tpu.region"() ({
      %run_scoped3A_66 = tpu.sem_alloc : memref<!tpu.dma_semaphore, #tpu.memory_space<semaphore_mem>>
      %dma_start3A_67 = arith.constant 0 : i32
      %dma_start3A_68 = arith.constant 0 : i32
      %dma_start3A_69 = tpu.memref_slice %arg3[%arg0, %arg1, %run_scoped3A, %dma_start3A_67, %dma_start3A_68] : memref<2x16x2x44x128xi32, #tpu.memory_space<hbm>> -> memref<1x1x1x44x128xi32, #tpu.memory_space<hbm>>
      %dma_start3A_70 = tpu.memref_squeeze %dma_start3A_69 : memref<1x1x1x44x128xi32, #tpu.memory_space<hbm>> -> memref<44x128xi32, #tpu.memory_space<hbm>>
      %dma_start3A_71 = arith.constant 0 : i32
      %dma_start3A_72 = arith.constant 0 : i32
      %dma_start3A_73 = tpu.memref_slice %arg3[%arg0, %arg1, %run_scoped3A, %dma_start3A_71, %dma_start3A_72] : memref<2x16x2x44x128xi32, #tpu.memory_space<hbm>> -> memref<1x1x1x44x128xi32, #tpu.memory_space<hbm>>
      %dma_start3A_74 = tpu.memref_squeeze %dma_start3A_73 : memref<1x1x1x44x128xi32, #tpu.memory_space<hbm>> -> memref<44x128xi32, #tpu.memory_space<hbm>>
      tpu.enqueue_dma source(%dma_start3A_74 : memref<44x128xi32, #tpu.memory_space<hbm>>) target(%arg7 : memref<44x128xi32, #tpu.memory_space<vmem>>) target_semaphore(%run_scoped3A_66 : memref<!tpu.dma_semaphore, #tpu.memory_space<semaphore_mem>>)
      %dma_wait3A = arith.constant 0 : i32
      %dma_wait3A_75 = arith.constant 0 : i32
      %dma_wait3A_76 = tpu.memref_slice %arg3[%arg0, %arg1, %run_scoped3A, %dma_wait3A, %dma_wait3A_75] : memref<2x16x2x44x128xi32, #tpu.memory_space<hbm>> -> memref<1x1x1x44x128xi32, #tpu.memory_space<hbm>>
      %dma_wait3A_77 = tpu.memref_squeeze %dma_wait3A_76 : memref<1x1x1x44x128xi32, #tpu.memory_space<hbm>> -> memref<44x128xi32, #tpu.memory_space<hbm>>
      %dma_wait3A_78 = arith.constant 0 : i32
      %dma_wait3A_79 = arith.constant 0 : i32
      %dma_wait3A_80 = tpu.memref_slice %arg3[%arg0, %arg1, %run_scoped3A, %dma_wait3A_78, %dma_wait3A_79] : memref<2x16x2x44x128xi32, #tpu.memory_space<hbm>> -> memref<1x1x1x44x128xi32, #tpu.memory_space<hbm>>
      %dma_wait3A_81 = tpu.memref_squeeze %dma_wait3A_80 : memref<1x1x1x44x128xi32, #tpu.memory_space<hbm>> -> memref<44x128xi32, #tpu.memory_space<hbm>>
      tpu.wait_dma2 semaphore(%run_scoped3A_66 : memref<!tpu.dma_semaphore, #tpu.memory_space<semaphore_mem>>) src(%dma_wait3A_81 : memref<44x128xi32, #tpu.memory_space<hbm>>) dst(%arg7 : memref<44x128xi32, #tpu.memory_space<vmem>>)
      tpu.yield
    }) : () -> ()
    %run_scoped3A_0 = arith.constant 0 : i32
    "tpu.region"() ({
      %run_scoped3A_66 = tpu.sem_alloc : memref<!tpu.dma_semaphore, #tpu.memory_space<semaphore_mem>>
      %dma_start3A_67 = arith.constant 0 : i32
      %dma_start3A_68 = arith.constant 0 : i32
      %dma_start3A_69 = tpu.memref_slice %arg4[%arg0, %arg1, %run_scoped3A_0, %dma_start3A_67, %dma_start3A_68] : memref<2x16x2x44x128xi32, #tpu.memory_space<hbm>> -> memref<1x1x1x44x128xi32, #tpu.memory_space<hbm>>
      %dma_start3A_70 = tpu.memref_squeeze %dma_start3A_69 : memref<1x1x1x44x128xi32, #tpu.memory_space<hbm>> -> memref<44x128xi32, #tpu.memory_space<hbm>>
      %dma_start3A_71 = arith.constant 0 : i32
      %dma_start3A_72 = arith.constant 0 : i32
      %dma_start3A_73 = tpu.memref_slice %arg4[%arg0, %arg1, %run_scoped3A_0, %dma_start3A_71, %dma_start3A_72] : memref<2x16x2x44x128xi32, #tpu.memory_space<hbm>> -> memref<1x1x1x44x128xi32, #tpu.memory_space<hbm>>
      %dma_start3A_74 = tpu.memref_squeeze %dma_start3A_73 : memref<1x1x1x44x128xi32, #tpu.memory_space<hbm>> -> memref<44x128xi32, #tpu.memory_space<hbm>>
      tpu.enqueue_dma source(%dma_start3A_74 : memref<44x128xi32, #tpu.memory_space<hbm>>) target(%arg8 : memref<44x128xi32, #tpu.memory_space<vmem>>) target_semaphore(%run_scoped3A_66 : memref<!tpu.dma_semaphore, #tpu.memory_space<semaphore_mem>>)
      %dma_wait3A = arith.constant 0 : i32
      %dma_wait3A_75 = arith.constant 0 : i32
      %dma_wait3A_76 = tpu.memref_slice %arg4[%arg0, %arg1, %run_scoped3A_0, %dma_wait3A, %dma_wait3A_75] : memref<2x16x2x44x128xi32, #tpu.memory_space<hbm>> -> memref<1x1x1x44x128xi32, #tpu.memory_space<hbm>>
      %dma_wait3A_77 = tpu.memref_squeeze %dma_wait3A_76 : memref<1x1x1x44x128xi32, #tpu.memory_space<hbm>> -> memref<44x128xi32, #tpu.memory_space<hbm>>
      %dma_wait3A_78 = arith.constant 0 : i32
      %dma_wait3A_79 = arith.constant 0 : i32
      %dma_wait3A_80 = tpu.memref_slice %arg4[%arg0, %arg1, %run_scoped3A_0, %dma_wait3A_78, %dma_wait3A_79] : memref<2x16x2x44x128xi32, #tpu.memory_space<hbm>> -> memref<1x1x1x44x128xi32, #tpu.memory_space<hbm>>
      %dma_wait3A_81 = tpu.memref_squeeze %dma_wait3A_80 : memref<1x1x1x44x128xi32, #tpu.memory_space<hbm>> -> memref<44x128xi32, #tpu.memory_space<hbm>>
      tpu.wait_dma2 semaphore(%run_scoped3A_66 : memref<!tpu.dma_semaphore, #tpu.memory_space<semaphore_mem>>) src(%dma_wait3A_81 : memref<44x128xi32, #tpu.memory_space<hbm>>) dst(%arg8 : memref<44x128xi32, #tpu.memory_space<vmem>>)
      tpu.yield
    }) : () -> ()
    %mul3A = arith.constant 324 : i32
    %mul3A_1 = arith.muli %arg1, %mul3A : i32
    "tpu.region"() ({
      %run_scoped3A_66 = tpu.sem_alloc : memref<!tpu.dma_semaphore, #tpu.memory_space<semaphore_mem>>
      %dma_start3A_67 = arith.constant 0 : i32
      %dma_start3A_68 = tpu.memref_slice %arg10[%mul3A_1, %dma_start3A_67] : memref<5184x128xf32, #tpu.memory_space<vmem_shared>> -> memref<324x128xf32, #tpu.memory_space<vmem_shared>>
      tpu.enqueue_dma source(%arg5 : memref<324x128xf32, #tpu.memory_space<hbm>>) target(%dma_start3A_68 : memref<324x128xf32, #tpu.memory_space<vmem_shared>>) target_semaphore(%run_scoped3A_66 : memref<!tpu.dma_semaphore, #tpu.memory_space<semaphore_mem>>)
      %dma_wait3A = arith.constant 0 : i32
      %dma_wait3A_69 = tpu.memref_slice %arg10[%mul3A_1, %dma_wait3A] : memref<5184x128xf32, #tpu.memory_space<vmem_shared>> -> memref<324x128xf32, #tpu.memory_space<vmem_shared>>
      tpu.wait_dma2 semaphore(%run_scoped3A_66 : memref<!tpu.dma_semaphore, #tpu.memory_space<semaphore_mem>>) src(%arg5 : memref<324x128xf32, #tpu.memory_space<hbm>>) dst(%dma_wait3A_69 : memref<324x128xf32, #tpu.memory_space<vmem_shared>>)
      tpu.yield
    }) : () -> ()
    %barrier3A = arith.constant 0 : index
    tpu.barrier barrier_id(%barrier3A)
    %dma_start3A = arith.constant 0 : i32
    %dma_start3A_2 = arith.constant 0 : i32
    %dma_start3A_3 = arith.constant 0 : i32
    %dma_start3A_4 = arith.constant 0 : i32
    %dma_start3A_5 = tpu.memref_slice %arg9[%dma_start3A_2, %dma_start3A_3, %dma_start3A_4] : memref<2x128x128xf32, #tpu.memory_space<vmem>> -> memref<1x128x128xf32, #tpu.memory_space<vmem>>
    %dma_start3A_6 = tpu.memref_squeeze %dma_start3A_5 : memref<1x128x128xf32, #tpu.memory_space<vmem>> -> memref<128x128xf32, #tpu.memory_space<vmem>>
    %dma_start3A_7 = arith.constant 0 : i32
    %dma_start3A_8 = tpu.memref_slice %arg7[%dma_start3A, %dma_start3A_7] : memref<44x128xi32, #tpu.memory_space<vmem>> -> memref<1x128xi32, #tpu.memory_space<vmem>>
    %dma_start3A_9 = tpu.memref_squeeze %dma_start3A_8 : memref<1x128xi32, #tpu.memory_space<vmem>> -> memref<128xi32, #tpu.memory_space<vmem>>
    %dma_start3A_10 = arith.constant 0 : i32
    %dma_start3A_11 = arith.constant 0 : i32
    %dma_start3A_12 = tpu.memref_slice %arg2[%dma_start3A_10, %dma_start3A_11] : memref<20480x128xf32, #tpu.memory_space<hbm>> -> memref<20480x128xf32, #tpu.memory_space<hbm>>
    tpu.enqueue_indirect_dma source(%dma_start3A_12 : memref<20480x128xf32, #tpu.memory_space<hbm>>) target(%dma_start3A_6 : memref<128x128xf32, #tpu.memory_space<vmem>>) offsets(%dma_start3A_9 : memref<128xi32, #tpu.memory_space<vmem>>) semaphore(%arg11 : memref<!tpu.dma_semaphore, #tpu.memory_space<semaphore_mem>>)
    %scan3A = arith.constant 0 : i32
    %scan3A_13 = arith.constant 1 : i32
    %scan3A_14 = arith.constant 0 : i32
    %scan3A_15 = arith.constant 0 : i32
    %scan3A_16 = arith.constant 22 : i32
    %scan3A_17 = arith.addi %scan3A_15, %scan3A_16 : i32
    %scan3A_18 = arith.constant 1 : i32
    scf.for %scan3A_66 = %scan3A_15 to %scan3A_17 step %scan3A_18  : i32 {
      %mul3A_67 = arith.constant 2 : i32
      %mul3A_68 = arith.muli %mul3A_67, %scan3A_66 : i32
      %mul3A_69 = arith.constant 2 : i32
      %mul3A_70 = arith.muli %mul3A_69, %scan3A_66 : i32
      %add3A_71 = arith.constant 1 : i32
      %add3A_72 = arith.addi %mul3A_70, %add3A_71 : i32
      %dma_start3A_73 = arith.constant 0 : i32
      %dma_start3A_74 = arith.constant 0 : i32
      %dma_start3A_75 = tpu.memref_slice %arg9[%scan3A_13, %dma_start3A_73, %dma_start3A_74] : memref<2x128x128xf32, #tpu.memory_space<vmem>> -> memref<1x128x128xf32, #tpu.memory_space<vmem>>
      %dma_start3A_76 = tpu.memref_squeeze %dma_start3A_75 : memref<1x128x128xf32, #tpu.memory_space<vmem>> -> memref<128x128xf32, #tpu.memory_space<vmem>>
      %dma_start3A_77 = arith.constant 0 : i32
      %dma_start3A_78 = tpu.memref_slice %arg7[%add3A_72, %dma_start3A_77] : memref<44x128xi32, #tpu.memory_space<vmem>> -> memref<1x128xi32, #tpu.memory_space<vmem>>
      %dma_start3A_79 = tpu.memref_squeeze %dma_start3A_78 : memref<1x128xi32, #tpu.memory_space<vmem>> -> memref<128xi32, #tpu.memory_space<vmem>>
      %dma_start3A_80 = arith.constant 0 : i32
      %dma_start3A_81 = arith.constant 0 : i32
      %dma_start3A_82 = tpu.memref_slice %arg2[%dma_start3A_80, %dma_start3A_81] : memref<20480x128xf32, #tpu.memory_space<hbm>> -> memref<20480x128xf32, #tpu.memory_space<hbm>>
      tpu.enqueue_indirect_dma source(%dma_start3A_82 : memref<20480x128xf32, #tpu.memory_space<hbm>>) target(%dma_start3A_76 : memref<128x128xf32, #tpu.memory_space<vmem>>) offsets(%dma_start3A_79 : memref<128xi32, #tpu.memory_space<vmem>>) semaphore(%arg12 : memref<!tpu.dma_semaphore, #tpu.memory_space<semaphore_mem>>)
      %dma_wait3A = arith.constant 0 : i32
      %dma_wait3A_83 = arith.constant 0 : i32
      %dma_wait3A_84 = tpu.memref_slice %arg9[%scan3A_14, %dma_wait3A, %dma_wait3A_83] : memref<2x128x128xf32, #tpu.memory_space<vmem>> -> memref<1x128x128xf32, #tpu.memory_space<vmem>>
      %dma_wait3A_85 = tpu.memref_squeeze %dma_wait3A_84 : memref<1x128x128xf32, #tpu.memory_space<vmem>> -> memref<128x128xf32, #tpu.memory_space<vmem>>
      %dma_wait3A_86 = arith.constant 0 : i32
      %dma_wait3A_87 = tpu.memref_slice %arg7[%mul3A_68, %dma_wait3A_86] : memref<44x128xi32, #tpu.memory_space<vmem>> -> memref<1x128xi32, #tpu.memory_space<vmem>>
      %dma_wait3A_88 = tpu.memref_squeeze %dma_wait3A_87 : memref<1x128xi32, #tpu.memory_space<vmem>> -> memref<128xi32, #tpu.memory_space<vmem>>
      %dma_wait3A_89 = arith.constant 0 : i32
      %dma_wait3A_90 = arith.constant 0 : i32
      %dma_wait3A_91 = tpu.memref_slice %arg2[%dma_wait3A_89, %dma_wait3A_90] : memref<20480x128xf32, #tpu.memory_space<hbm>> -> memref<20480x128xf32, #tpu.memory_space<hbm>>
      tpu.wait_indirect_dma semaphore(%arg11 : memref<!tpu.dma_semaphore, #tpu.memory_space<semaphore_mem>>) src(%dma_wait3A_91 : memref<20480x128xf32, #tpu.memory_space<hbm>>) dst(%dma_wait3A_85 : memref<128x128xf32, #tpu.memory_space<vmem>>)
      "tpu.region"() ({
        %run_scoped3A_106 = tpu.sem_alloc : memref<!tpu.dma_semaphore, #tpu.memory_space<semaphore_mem>>
        %dma_start3A_107 = arith.constant 0 : i32
        %dma_start3A_108 = arith.constant 0 : i32
        %dma_start3A_109 = tpu.memref_slice %arg9[%scan3A_14, %dma_start3A_107, %dma_start3A_108] : memref<2x128x128xf32, #tpu.memory_space<vmem>> -> memref<1x128x128xf32, #tpu.memory_space<vmem>>
        %dma_start3A_110 = tpu.memref_squeeze %dma_start3A_109 : memref<1x128x128xf32, #tpu.memory_space<vmem>> -> memref<128x128xf32, #tpu.memory_space<vmem>>
        %dma_start3A_111 = arith.constant 0 : i32
        %dma_start3A_112 = tpu.memref_slice %arg8[%mul3A_68, %dma_start3A_111] : memref<44x128xi32, #tpu.memory_space<vmem>> -> memref<1x128xi32, #tpu.memory_space<vmem>>
        %dma_start3A_113 = tpu.memref_squeeze %dma_start3A_112 : memref<1x128xi32, #tpu.memory_space<vmem>> -> memref<128xi32, #tpu.memory_space<vmem>>
        %dma_start3A_114 = arith.constant 0 : i32
        %dma_start3A_115 = arith.constant 0 : i32
        %dma_start3A_116 = tpu.memref_slice %arg10[%dma_start3A_114, %dma_start3A_115] : memref<5184x128xf32, #tpu.memory_space<vmem_shared>> -> memref<5184x128xf32, #tpu.memory_space<vmem_shared>>
        tpu.enqueue_indirect_dma source(%dma_start3A_110 : memref<128x128xf32, #tpu.memory_space<vmem>>) target(%dma_start3A_116 : memref<5184x128xf32, #tpu.memory_space<vmem_shared>>) offsets(%dma_start3A_113 : memref<128xi32, #tpu.memory_space<vmem>>) semaphore(%run_scoped3A_106 : memref<!tpu.dma_semaphore, #tpu.memory_space<semaphore_mem>>) {add = true}
        %dma_wait3A_117 = arith.constant 0 : i32
        %dma_wait3A_118 = arith.constant 0 : i32
        %dma_wait3A_119 = tpu.memref_slice %arg9[%scan3A_14, %dma_wait3A_117, %dma_wait3A_118] : memref<2x128x128xf32, #tpu.memory_space<vmem>> -> memref<1x128x128xf32, #tpu.memory_space<vmem>>
        %dma_wait3A_120 = tpu.memref_squeeze %dma_wait3A_119 : memref<1x128x128xf32, #tpu.memory_space<vmem>> -> memref<128x128xf32, #tpu.memory_space<vmem>>
        %dma_wait3A_121 = arith.constant 0 : i32
        %dma_wait3A_122 = tpu.memref_slice %arg8[%mul3A_68, %dma_wait3A_121] : memref<44x128xi32, #tpu.memory_space<vmem>> -> memref<1x128xi32, #tpu.memory_space<vmem>>
        %dma_wait3A_123 = tpu.memref_squeeze %dma_wait3A_122 : memref<1x128xi32, #tpu.memory_space<vmem>> -> memref<128xi32, #tpu.memory_space<vmem>>
        %dma_wait3A_124 = arith.constant 0 : i32
        %dma_wait3A_125 = arith.constant 0 : i32
        %dma_wait3A_126 = tpu.memref_slice %arg10[%dma_wait3A_124, %dma_wait3A_125] : memref<5184x128xf32, #tpu.memory_space<vmem_shared>> -> memref<5184x128xf32, #tpu.memory_space<vmem_shared>>
        tpu.wait_indirect_dma semaphore(%run_scoped3A_106 : memref<!tpu.dma_semaphore, #tpu.memory_space<semaphore_mem>>) src(%dma_wait3A_120 : memref<128x128xf32, #tpu.memory_space<vmem>>) dst(%dma_wait3A_126 : memref<5184x128xf32, #tpu.memory_space<vmem_shared>>)
        tpu.yield
      }) : () -> ()
      %add3A_92 = arith.constant 1 : i32
      %add3A_93 = arith.addi %scan3A_66, %add3A_92 : i32
      %lt3A = arith.constant 22 : i32
      %lt3A_94 = arith.cmpi slt, %add3A_93, %lt3A : i32
      %convert_element_type3A = arith.extui %lt3A_94 : i1 to i32
      %cond3A = arith.constant 0 : i32
      %cond3A_95 = arith.cmpi ne, %convert_element_type3A, %cond3A : i32
      scf.if %cond3A_95 {
        %add3A_106 = arith.constant 1 : i32
        %add3A_107 = arith.addi %add3A_72, %add3A_106 : i32
        %dma_start3A_108 = arith.constant 0 : i32
        %dma_start3A_109 = arith.constant 0 : i32
        %dma_start3A_110 = tpu.memref_slice %arg9[%scan3A_14, %dma_start3A_108, %dma_start3A_109] : memref<2x128x128xf32, #tpu.memory_space<vmem>> -> memref<1x128x128xf32, #tpu.memory_space<vmem>>
        %dma_start3A_111 = tpu.memref_squeeze %dma_start3A_110 : memref<1x128x128xf32, #tpu.memory_space<vmem>> -> memref<128x128xf32, #tpu.memory_space<vmem>>
        %dma_start3A_112 = arith.constant 0 : i32
        %dma_start3A_113 = tpu.memref_slice %arg7[%add3A_107, %dma_start3A_112] : memref<44x128xi32, #tpu.memory_space<vmem>> -> memref<1x128xi32, #tpu.memory_space<vmem>>
        %dma_start3A_114 = tpu.memref_squeeze %dma_start3A_113 : memref<1x128xi32, #tpu.memory_space<vmem>> -> memref<128xi32, #tpu.memory_space<vmem>>
        %dma_start3A_115 = arith.constant 0 : i32
        %dma_start3A_116 = arith.constant 0 : i32
        %dma_start3A_117 = tpu.memref_slice %arg2[%dma_start3A_115, %dma_start3A_116] : memref<20480x128xf32, #tpu.memory_space<hbm>> -> memref<20480x128xf32, #tpu.memory_space<hbm>>
        tpu.enqueue_indirect_dma source(%dma_start3A_117 : memref<20480x128xf32, #tpu.memory_space<hbm>>) target(%dma_start3A_111 : memref<128x128xf32, #tpu.memory_space<vmem>>) offsets(%dma_start3A_114 : memref<128xi32, #tpu.memory_space<vmem>>) semaphore(%arg11 : memref<!tpu.dma_semaphore, #tpu.memory_space<semaphore_mem>>)
      } else {
      }
      %dma_wait3A_96 = arith.constant 0 : i32
      %dma_wait3A_97 = arith.constant 0 : i32
      %dma_wait3A_98 = tpu.memref_slice %arg9[%scan3A_13, %dma_wait3A_96, %dma_wait3A_97] : memref<2x128x128xf32, #tpu.memory_space<vmem>> -> memref<1x128x128xf32, #tpu.memory_space<vmem>>
      %dma_wait3A_99 = tpu.memref_squeeze %dma_wait3A_98 : memref<1x128x128xf32, #tpu.memory_space<vmem>> -> memref<128x128xf32, #tpu.memory_space<vmem>>
      %dma_wait3A_100 = arith.constant 0 : i32
      %dma_wait3A_101 = tpu.memref_slice %arg7[%add3A_72, %dma_wait3A_100] : memref<44x128xi32, #tpu.memory_space<vmem>> -> memref<1x128xi32, #tpu.memory_space<vmem>>
      %dma_wait3A_102 = tpu.memref_squeeze %dma_wait3A_101 : memref<1x128xi32, #tpu.memory_space<vmem>> -> memref<128xi32, #tpu.memory_space<vmem>>
      %dma_wait3A_103 = arith.constant 0 : i32
      %dma_wait3A_104 = arith.constant 0 : i32
      %dma_wait3A_105 = tpu.memref_slice %arg2[%dma_wait3A_103, %dma_wait3A_104] : memref<20480x128xf32, #tpu.memory_space<hbm>> -> memref<20480x128xf32, #tpu.memory_space<hbm>>
      tpu.wait_indirect_dma semaphore(%arg12 : memref<!tpu.dma_semaphore, #tpu.memory_space<semaphore_mem>>) src(%dma_wait3A_105 : memref<20480x128xf32, #tpu.memory_space<hbm>>) dst(%dma_wait3A_99 : memref<128x128xf32, #tpu.memory_space<vmem>>)
      "tpu.region"() ({
        %run_scoped3A_106 = tpu.sem_alloc : memref<!tpu.dma_semaphore, #tpu.memory_space<semaphore_mem>>
        %dma_start3A_107 = arith.constant 0 : i32
        %dma_start3A_108 = arith.constant 0 : i32
        %dma_start3A_109 = tpu.memref_slice %arg9[%scan3A_13, %dma_start3A_107, %dma_start3A_108] : memref<2x128x128xf32, #tpu.memory_space<vmem>> -> memref<1x128x128xf32, #tpu.memory_space<vmem>>
        %dma_start3A_110 = tpu.memref_squeeze %dma_start3A_109 : memref<1x128x128xf32, #tpu.memory_space<vmem>> -> memref<128x128xf32, #tpu.memory_space<vmem>>
        %dma_start3A_111 = arith.constant 0 : i32
        %dma_start3A_112 = tpu.memref_slice %arg8[%add3A_72, %dma_start3A_111] : memref<44x128xi32, #tpu.memory_space<vmem>> -> memref<1x128xi32, #tpu.memory_space<vmem>>
        %dma_start3A_113 = tpu.memref_squeeze %dma_start3A_112 : memref<1x128xi32, #tpu.memory_space<vmem>> -> memref<128xi32, #tpu.memory_space<vmem>>
        %dma_start3A_114 = arith.constant 0 : i32
        %dma_start3A_115 = arith.constant 0 : i32
        %dma_start3A_116 = tpu.memref_slice %arg10[%dma_start3A_114, %dma_start3A_115] : memref<5184x128xf32, #tpu.memory_space<vmem_shared>> -> memref<5184x128xf32, #tpu.memory_space<vmem_shared>>
        tpu.enqueue_indirect_dma source(%dma_start3A_110 : memref<128x128xf32, #tpu.memory_space<vmem>>) target(%dma_start3A_116 : memref<5184x128xf32, #tpu.memory_space<vmem_shared>>) offsets(%dma_start3A_113 : memref<128xi32, #tpu.memory_space<vmem>>) semaphore(%run_scoped3A_106 : memref<!tpu.dma_semaphore, #tpu.memory_space<semaphore_mem>>) {add = true}
        %dma_wait3A_117 = arith.constant 0 : i32
        %dma_wait3A_118 = arith.constant 0 : i32
        %dma_wait3A_119 = tpu.memref_slice %arg9[%scan3A_13, %dma_wait3A_117, %dma_wait3A_118] : memref<2x128x128xf32, #tpu.memory_space<vmem>> -> memref<1x128x128xf32, #tpu.memory_space<vmem>>
        %dma_wait3A_120 = tpu.memref_squeeze %dma_wait3A_119 : memref<1x128x128xf32, #tpu.memory_space<vmem>> -> memref<128x128xf32, #tpu.memory_space<vmem>>
        %dma_wait3A_121 = arith.constant 0 : i32
        %dma_wait3A_122 = tpu.memref_slice %arg8[%add3A_72, %dma_wait3A_121] : memref<44x128xi32, #tpu.memory_space<vmem>> -> memref<1x128xi32, #tpu.memory_space<vmem>>
        %dma_wait3A_123 = tpu.memref_squeeze %dma_wait3A_122 : memref<1x128xi32, #tpu.memory_space<vmem>> -> memref<128xi32, #tpu.memory_space<vmem>>
        %dma_wait3A_124 = arith.constant 0 : i32
        %dma_wait3A_125 = arith.constant 0 : i32
        %dma_wait3A_126 = tpu.memref_slice %arg10[%dma_wait3A_124, %dma_wait3A_125] : memref<5184x128xf32, #tpu.memory_space<vmem_shared>> -> memref<5184x128xf32, #tpu.memory_space<vmem_shared>>
        tpu.wait_indirect_dma semaphore(%run_scoped3A_106 : memref<!tpu.dma_semaphore, #tpu.memory_space<semaphore_mem>>) src(%dma_wait3A_120 : memref<128x128xf32, #tpu.memory_space<vmem>>) dst(%dma_wait3A_126 : memref<5184x128xf32, #tpu.memory_space<vmem_shared>>)
        tpu.yield
      }) : () -> ()
    }
    %scan3A_19 = arith.constant 22 : i32
    %barrier3A_20 = arith.constant 0 : index
    tpu.barrier barrier_id(%barrier3A_20)
    %mul3A_21 = arith.constant 320 : i32
    %mul3A_22 = arith.muli %arg1, %mul3A_21 : i32
    %mul3A_23 = arith.constant 10240 : i32
    %mul3A_24 = arith.muli %arg0, %mul3A_23 : i32
    %add3A = arith.constant 0 : i32
    %add3A_25 = arith.addi %mul3A_24, %add3A : i32
    %mul3A_26 = arith.constant 320 : i32
    %mul3A_27 = arith.muli %arg1, %mul3A_26 : i32
    %add3A_28 = arith.addi %add3A_25, %mul3A_27 : i32
    "tpu.region"() ({
      %run_scoped3A_66 = tpu.sem_alloc : memref<!tpu.dma_semaphore, #tpu.memory_space<semaphore_mem>>
      %dma_start3A_67 = arith.constant 0 : i32
      %dma_start3A_68 = tpu.memref_slice %arg6[%add3A_28, %dma_start3A_67] : memref<20480x128xf32, #tpu.memory_space<hbm>> -> memref<320x128xf32, #tpu.memory_space<hbm>>
      %dma_start3A_69 = arith.constant 0 : i32
      %dma_start3A_70 = tpu.memref_slice %arg10[%mul3A_22, %dma_start3A_69] : memref<5184x128xf32, #tpu.memory_space<vmem_shared>> -> memref<320x128xf32, #tpu.memory_space<vmem_shared>>
      tpu.enqueue_dma source(%dma_start3A_70 : memref<320x128xf32, #tpu.memory_space<vmem_shared>>) target(%dma_start3A_68 : memref<320x128xf32, #tpu.memory_space<hbm>>) target_semaphore(%run_scoped3A_66 : memref<!tpu.dma_semaphore, #tpu.memory_space<semaphore_mem>>)
      %dma_wait3A = arith.constant 0 : i32
      %dma_wait3A_71 = tpu.memref_slice %arg6[%add3A_28, %dma_wait3A] : memref<20480x128xf32, #tpu.memory_space<hbm>> -> memref<320x128xf32, #tpu.memory_space<hbm>>
      %dma_wait3A_72 = arith.constant 0 : i32
      %dma_wait3A_73 = tpu.memref_slice %arg10[%mul3A_22, %dma_wait3A_72] : memref<5184x128xf32, #tpu.memory_space<vmem_shared>> -> memref<320x128xf32, #tpu.memory_space<vmem_shared>>
      tpu.wait_dma2 semaphore(%run_scoped3A_66 : memref<!tpu.dma_semaphore, #tpu.memory_space<semaphore_mem>>) src(%dma_wait3A_73 : memref<320x128xf32, #tpu.memory_space<vmem_shared>>) dst(%dma_wait3A_71 : memref<320x128xf32, #tpu.memory_space<hbm>>)
      tpu.yield
    }) : () -> ()
    %barrier3A_29 = arith.constant 0 : index
    tpu.barrier barrier_id(%barrier3A_29)
    %run_scoped3A_30 = arith.constant 1 : i32
    "tpu.region"() ({
      %run_scoped3A_66 = tpu.sem_alloc : memref<!tpu.dma_semaphore, #tpu.memory_space<semaphore_mem>>
      %dma_start3A_67 = arith.constant 0 : i32
      %dma_start3A_68 = arith.constant 0 : i32
      %dma_start3A_69 = tpu.memref_slice %arg3[%arg0, %arg1, %run_scoped3A_30, %dma_start3A_67, %dma_start3A_68] : memref<2x16x2x44x128xi32, #tpu.memory_space<hbm>> -> memref<1x1x1x44x128xi32, #tpu.memory_space<hbm>>
      %dma_start3A_70 = tpu.memref_squeeze %dma_start3A_69 : memref<1x1x1x44x128xi32, #tpu.memory_space<hbm>> -> memref<44x128xi32, #tpu.memory_space<hbm>>
      %dma_start3A_71 = arith.constant 0 : i32
      %dma_start3A_72 = arith.constant 0 : i32
      %dma_start3A_73 = tpu.memref_slice %arg3[%arg0, %arg1, %run_scoped3A_30, %dma_start3A_71, %dma_start3A_72] : memref<2x16x2x44x128xi32, #tpu.memory_space<hbm>> -> memref<1x1x1x44x128xi32, #tpu.memory_space<hbm>>
      %dma_start3A_74 = tpu.memref_squeeze %dma_start3A_73 : memref<1x1x1x44x128xi32, #tpu.memory_space<hbm>> -> memref<44x128xi32, #tpu.memory_space<hbm>>
      tpu.enqueue_dma source(%dma_start3A_74 : memref<44x128xi32, #tpu.memory_space<hbm>>) target(%arg7 : memref<44x128xi32, #tpu.memory_space<vmem>>) target_semaphore(%run_scoped3A_66 : memref<!tpu.dma_semaphore, #tpu.memory_space<semaphore_mem>>)
      %dma_wait3A = arith.constant 0 : i32
      %dma_wait3A_75 = arith.constant 0 : i32
      %dma_wait3A_76 = tpu.memref_slice %arg3[%arg0, %arg1, %run_scoped3A_30, %dma_wait3A, %dma_wait3A_75] : memref<2x16x2x44x128xi32, #tpu.memory_space<hbm>> -> memref<1x1x1x44x128xi32, #tpu.memory_space<hbm>>
      %dma_wait3A_77 = tpu.memref_squeeze %dma_wait3A_76 : memref<1x1x1x44x128xi32, #tpu.memory_space<hbm>> -> memref<44x128xi32, #tpu.memory_space<hbm>>
      %dma_wait3A_78 = arith.constant 0 : i32
      %dma_wait3A_79 = arith.constant 0 : i32
      %dma_wait3A_80 = tpu.memref_slice %arg3[%arg0, %arg1, %run_scoped3A_30, %dma_wait3A_78, %dma_wait3A_79] : memref<2x16x2x44x128xi32, #tpu.memory_space<hbm>> -> memref<1x1x1x44x128xi32, #tpu.memory_space<hbm>>
      %dma_wait3A_81 = tpu.memref_squeeze %dma_wait3A_80 : memref<1x1x1x44x128xi32, #tpu.memory_space<hbm>> -> memref<44x128xi32, #tpu.memory_space<hbm>>
      tpu.wait_dma2 semaphore(%run_scoped3A_66 : memref<!tpu.dma_semaphore, #tpu.memory_space<semaphore_mem>>) src(%dma_wait3A_81 : memref<44x128xi32, #tpu.memory_space<hbm>>) dst(%arg7 : memref<44x128xi32, #tpu.memory_space<vmem>>)
      tpu.yield
    }) : () -> ()
    %run_scoped3A_31 = arith.constant 1 : i32
    "tpu.region"() ({
      %run_scoped3A_66 = tpu.sem_alloc : memref<!tpu.dma_semaphore, #tpu.memory_space<semaphore_mem>>
      %dma_start3A_67 = arith.constant 0 : i32
      %dma_start3A_68 = arith.constant 0 : i32
      %dma_start3A_69 = tpu.memref_slice %arg4[%arg0, %arg1, %run_scoped3A_31, %dma_start3A_67, %dma_start3A_68] : memref<2x16x2x44x128xi32, #tpu.memory_space<hbm>> -> memref<1x1x1x44x128xi32, #tpu.memory_space<hbm>>
      %dma_start3A_70 = tpu.memref_squeeze %dma_start3A_69 : memref<1x1x1x44x128xi32, #tpu.memory_space<hbm>> -> memref<44x128xi32, #tpu.memory_space<hbm>>
      %dma_start3A_71 = arith.constant 0 : i32
      %dma_start3A_72 = arith.constant 0 : i32
      %dma_start3A_73 = tpu.memref_slice %arg4[%arg0, %arg1, %run_scoped3A_31, %dma_start3A_71, %dma_start3A_72] : memref<2x16x2x44x128xi32, #tpu.memory_space<hbm>> -> memref<1x1x1x44x128xi32, #tpu.memory_space<hbm>>
      %dma_start3A_74 = tpu.memref_squeeze %dma_start3A_73 : memref<1x1x1x44x128xi32, #tpu.memory_space<hbm>> -> memref<44x128xi32, #tpu.memory_space<hbm>>
      tpu.enqueue_dma source(%dma_start3A_74 : memref<44x128xi32, #tpu.memory_space<hbm>>) target(%arg8 : memref<44x128xi32, #tpu.memory_space<vmem>>) target_semaphore(%run_scoped3A_66 : memref<!tpu.dma_semaphore, #tpu.memory_space<semaphore_mem>>)
      %dma_wait3A = arith.constant 0 : i32
      %dma_wait3A_75 = arith.constant 0 : i32
      %dma_wait3A_76 = tpu.memref_slice %arg4[%arg0, %arg1, %run_scoped3A_31, %dma_wait3A, %dma_wait3A_75] : memref<2x16x2x44x128xi32, #tpu.memory_space<hbm>> -> memref<1x1x1x44x128xi32, #tpu.memory_space<hbm>>
      %dma_wait3A_77 = tpu.memref_squeeze %dma_wait3A_76 : memref<1x1x1x44x128xi32, #tpu.memory_space<hbm>> -> memref<44x128xi32, #tpu.memory_space<hbm>>
      %dma_wait3A_78 = arith.constant 0 : i32
      %dma_wait3A_79 = arith.constant 0 : i32
      %dma_wait3A_80 = tpu.memref_slice %arg4[%arg0, %arg1, %run_scoped3A_31, %dma_wait3A_78, %dma_wait3A_79] : memref<2x16x2x44x128xi32, #tpu.memory_space<hbm>> -> memref<1x1x1x44x128xi32, #tpu.memory_space<hbm>>
      %dma_wait3A_81 = tpu.memref_squeeze %dma_wait3A_80 : memref<1x1x1x44x128xi32, #tpu.memory_space<hbm>> -> memref<44x128xi32, #tpu.memory_space<hbm>>
      tpu.wait_dma2 semaphore(%run_scoped3A_66 : memref<!tpu.dma_semaphore, #tpu.memory_space<semaphore_mem>>) src(%dma_wait3A_81 : memref<44x128xi32, #tpu.memory_space<hbm>>) dst(%arg8 : memref<44x128xi32, #tpu.memory_space<vmem>>)
      tpu.yield
    }) : () -> ()
    %mul3A_32 = arith.constant 324 : i32
    %mul3A_33 = arith.muli %arg1, %mul3A_32 : i32
    "tpu.region"() ({
      %run_scoped3A_66 = tpu.sem_alloc : memref<!tpu.dma_semaphore, #tpu.memory_space<semaphore_mem>>
      %dma_start3A_67 = arith.constant 0 : i32
      %dma_start3A_68 = tpu.memref_slice %arg10[%mul3A_33, %dma_start3A_67] : memref<5184x128xf32, #tpu.memory_space<vmem_shared>> -> memref<324x128xf32, #tpu.memory_space<vmem_shared>>
      tpu.enqueue_dma source(%arg5 : memref<324x128xf32, #tpu.memory_space<hbm>>) target(%dma_start3A_68 : memref<324x128xf32, #tpu.memory_space<vmem_shared>>) target_semaphore(%run_scoped3A_66 : memref<!tpu.dma_semaphore, #tpu.memory_space<semaphore_mem>>)
      %dma_wait3A = arith.constant 0 : i32
      %dma_wait3A_69 = tpu.memref_slice %arg10[%mul3A_33, %dma_wait3A] : memref<5184x128xf32, #tpu.memory_space<vmem_shared>> -> memref<324x128xf32, #tpu.memory_space<vmem_shared>>
      tpu.wait_dma2 semaphore(%run_scoped3A_66 : memref<!tpu.dma_semaphore, #tpu.memory_space<semaphore_mem>>) src(%arg5 : memref<324x128xf32, #tpu.memory_space<hbm>>) dst(%dma_wait3A_69 : memref<324x128xf32, #tpu.memory_space<vmem_shared>>)
      tpu.yield
    }) : () -> ()
    %barrier3A_34 = arith.constant 0 : index
    tpu.barrier barrier_id(%barrier3A_34)
    %dma_start3A_35 = arith.constant 0 : i32
    %dma_start3A_36 = arith.constant 0 : i32
    %dma_start3A_37 = arith.constant 0 : i32
    %dma_start3A_38 = arith.constant 0 : i32
    %dma_start3A_39 = tpu.memref_slice %arg9[%dma_start3A_36, %dma_start3A_37, %dma_start3A_38] : memref<2x128x128xf32, #tpu.memory_space<vmem>> -> memref<1x128x128xf32, #tpu.memory_space<vmem>>
    %dma_start3A_40 = tpu.memref_squeeze %dma_start3A_39 : memref<1x128x128xf32, #tpu.memory_space<vmem>> -> memref<128x128xf32, #tpu.memory_space<vmem>>
    %dma_start3A_41 = arith.constant 0 : i32
    %dma_start3A_42 = tpu.memref_slice %arg7[%dma_start3A_35, %dma_start3A_41] : memref<44x128xi32, #tpu.memory_space<vmem>> -> memref<1x128xi32, #tpu.memory_space<vmem>>
    %dma_start3A_43 = tpu.memref_squeeze %dma_start3A_42 : memref<1x128xi32, #tpu.memory_space<vmem>> -> memref<128xi32, #tpu.memory_space<vmem>>
    %dma_start3A_44 = arith.constant 0 : i32
    %dma_start3A_45 = arith.constant 0 : i32
    %dma_start3A_46 = tpu.memref_slice %arg2[%dma_start3A_44, %dma_start3A_45] : memref<20480x128xf32, #tpu.memory_space<hbm>> -> memref<20480x128xf32, #tpu.memory_space<hbm>>
    tpu.enqueue_indirect_dma source(%dma_start3A_46 : memref<20480x128xf32, #tpu.memory_space<hbm>>) target(%dma_start3A_40 : memref<128x128xf32, #tpu.memory_space<vmem>>) offsets(%dma_start3A_43 : memref<128xi32, #tpu.memory_space<vmem>>) semaphore(%arg11 : memref<!tpu.dma_semaphore, #tpu.memory_space<semaphore_mem>>)
    %scan3A_47 = arith.constant 0 : i32
    %scan3A_48 = arith.constant 1 : i32
    %scan3A_49 = arith.constant 0 : i32
    %scan3A_50 = arith.constant 0 : i32
    %scan3A_51 = arith.constant 22 : i32
    %scan3A_52 = arith.addi %scan3A_50, %scan3A_51 : i32
    %scan3A_53 = arith.constant 1 : i32
    scf.for %scan3A_66 = %scan3A_50 to %scan3A_52 step %scan3A_53  : i32 {
      %mul3A_67 = arith.constant 2 : i32
      %mul3A_68 = arith.muli %mul3A_67, %scan3A_66 : i32
      %mul3A_69 = arith.constant 2 : i32
      %mul3A_70 = arith.muli %mul3A_69, %scan3A_66 : i32
      %add3A_71 = arith.constant 1 : i32
      %add3A_72 = arith.addi %mul3A_70, %add3A_71 : i32
      %dma_start3A_73 = arith.constant 0 : i32
      %dma_start3A_74 = arith.constant 0 : i32
      %dma_start3A_75 = tpu.memref_slice %arg9[%scan3A_48, %dma_start3A_73, %dma_start3A_74] : memref<2x128x128xf32, #tpu.memory_space<vmem>> -> memref<1x128x128xf32, #tpu.memory_space<vmem>>
      %dma_start3A_76 = tpu.memref_squeeze %dma_start3A_75 : memref<1x128x128xf32, #tpu.memory_space<vmem>> -> memref<128x128xf32, #tpu.memory_space<vmem>>
      %dma_start3A_77 = arith.constant 0 : i32
      %dma_start3A_78 = tpu.memref_slice %arg7[%add3A_72, %dma_start3A_77] : memref<44x128xi32, #tpu.memory_space<vmem>> -> memref<1x128xi32, #tpu.memory_space<vmem>>
      %dma_start3A_79 = tpu.memref_squeeze %dma_start3A_78 : memref<1x128xi32, #tpu.memory_space<vmem>> -> memref<128xi32, #tpu.memory_space<vmem>>
      %dma_start3A_80 = arith.constant 0 : i32
      %dma_start3A_81 = arith.constant 0 : i32
      %dma_start3A_82 = tpu.memref_slice %arg2[%dma_start3A_80, %dma_start3A_81] : memref<20480x128xf32, #tpu.memory_space<hbm>> -> memref<20480x128xf32, #tpu.memory_space<hbm>>
      tpu.enqueue_indirect_dma source(%dma_start3A_82 : memref<20480x128xf32, #tpu.memory_space<hbm>>) target(%dma_start3A_76 : memref<128x128xf32, #tpu.memory_space<vmem>>) offsets(%dma_start3A_79 : memref<128xi32, #tpu.memory_space<vmem>>) semaphore(%arg12 : memref<!tpu.dma_semaphore, #tpu.memory_space<semaphore_mem>>)
      %dma_wait3A = arith.constant 0 : i32
      %dma_wait3A_83 = arith.constant 0 : i32
      %dma_wait3A_84 = tpu.memref_slice %arg9[%scan3A_49, %dma_wait3A, %dma_wait3A_83] : memref<2x128x128xf32, #tpu.memory_space<vmem>> -> memref<1x128x128xf32, #tpu.memory_space<vmem>>
      %dma_wait3A_85 = tpu.memref_squeeze %dma_wait3A_84 : memref<1x128x128xf32, #tpu.memory_space<vmem>> -> memref<128x128xf32, #tpu.memory_space<vmem>>
      %dma_wait3A_86 = arith.constant 0 : i32
      %dma_wait3A_87 = tpu.memref_slice %arg7[%mul3A_68, %dma_wait3A_86] : memref<44x128xi32, #tpu.memory_space<vmem>> -> memref<1x128xi32, #tpu.memory_space<vmem>>
      %dma_wait3A_88 = tpu.memref_squeeze %dma_wait3A_87 : memref<1x128xi32, #tpu.memory_space<vmem>> -> memref<128xi32, #tpu.memory_space<vmem>>
      %dma_wait3A_89 = arith.constant 0 : i32
      %dma_wait3A_90 = arith.constant 0 : i32
      %dma_wait3A_91 = tpu.memref_slice %arg2[%dma_wait3A_89, %dma_wait3A_90] : memref<20480x128xf32, #tpu.memory_space<hbm>> -> memref<20480x128xf32, #tpu.memory_space<hbm>>
      tpu.wait_indirect_dma semaphore(%arg11 : memref<!tpu.dma_semaphore, #tpu.memory_space<semaphore_mem>>) src(%dma_wait3A_91 : memref<20480x128xf32, #tpu.memory_space<hbm>>) dst(%dma_wait3A_85 : memref<128x128xf32, #tpu.memory_space<vmem>>)
      "tpu.region"() ({
        %run_scoped3A_106 = tpu.sem_alloc : memref<!tpu.dma_semaphore, #tpu.memory_space<semaphore_mem>>
        %dma_start3A_107 = arith.constant 0 : i32
        %dma_start3A_108 = arith.constant 0 : i32
        %dma_start3A_109 = tpu.memref_slice %arg9[%scan3A_49, %dma_start3A_107, %dma_start3A_108] : memref<2x128x128xf32, #tpu.memory_space<vmem>> -> memref<1x128x128xf32, #tpu.memory_space<vmem>>
        %dma_start3A_110 = tpu.memref_squeeze %dma_start3A_109 : memref<1x128x128xf32, #tpu.memory_space<vmem>> -> memref<128x128xf32, #tpu.memory_space<vmem>>
        %dma_start3A_111 = arith.constant 0 : i32
        %dma_start3A_112 = tpu.memref_slice %arg8[%mul3A_68, %dma_start3A_111] : memref<44x128xi32, #tpu.memory_space<vmem>> -> memref<1x128xi32, #tpu.memory_space<vmem>>
        %dma_start3A_113 = tpu.memref_squeeze %dma_start3A_112 : memref<1x128xi32, #tpu.memory_space<vmem>> -> memref<128xi32, #tpu.memory_space<vmem>>
        %dma_start3A_114 = arith.constant 0 : i32
        %dma_start3A_115 = arith.constant 0 : i32
        %dma_start3A_116 = tpu.memref_slice %arg10[%dma_start3A_114, %dma_start3A_115] : memref<5184x128xf32, #tpu.memory_space<vmem_shared>> -> memref<5184x128xf32, #tpu.memory_space<vmem_shared>>
        tpu.enqueue_indirect_dma source(%dma_start3A_110 : memref<128x128xf32, #tpu.memory_space<vmem>>) target(%dma_start3A_116 : memref<5184x128xf32, #tpu.memory_space<vmem_shared>>) offsets(%dma_start3A_113 : memref<128xi32, #tpu.memory_space<vmem>>) semaphore(%run_scoped3A_106 : memref<!tpu.dma_semaphore, #tpu.memory_space<semaphore_mem>>) {add = true}
        %dma_wait3A_117 = arith.constant 0 : i32
        %dma_wait3A_118 = arith.constant 0 : i32
        %dma_wait3A_119 = tpu.memref_slice %arg9[%scan3A_49, %dma_wait3A_117, %dma_wait3A_118] : memref<2x128x128xf32, #tpu.memory_space<vmem>> -> memref<1x128x128xf32, #tpu.memory_space<vmem>>
        %dma_wait3A_120 = tpu.memref_squeeze %dma_wait3A_119 : memref<1x128x128xf32, #tpu.memory_space<vmem>> -> memref<128x128xf32, #tpu.memory_space<vmem>>
        %dma_wait3A_121 = arith.constant 0 : i32
        %dma_wait3A_122 = tpu.memref_slice %arg8[%mul3A_68, %dma_wait3A_121] : memref<44x128xi32, #tpu.memory_space<vmem>> -> memref<1x128xi32, #tpu.memory_space<vmem>>
        %dma_wait3A_123 = tpu.memref_squeeze %dma_wait3A_122 : memref<1x128xi32, #tpu.memory_space<vmem>> -> memref<128xi32, #tpu.memory_space<vmem>>
        %dma_wait3A_124 = arith.constant 0 : i32
        %dma_wait3A_125 = arith.constant 0 : i32
        %dma_wait3A_126 = tpu.memref_slice %arg10[%dma_wait3A_124, %dma_wait3A_125] : memref<5184x128xf32, #tpu.memory_space<vmem_shared>> -> memref<5184x128xf32, #tpu.memory_space<vmem_shared>>
        tpu.wait_indirect_dma semaphore(%run_scoped3A_106 : memref<!tpu.dma_semaphore, #tpu.memory_space<semaphore_mem>>) src(%dma_wait3A_120 : memref<128x128xf32, #tpu.memory_space<vmem>>) dst(%dma_wait3A_126 : memref<5184x128xf32, #tpu.memory_space<vmem_shared>>)
        tpu.yield
      }) : () -> ()
      %add3A_92 = arith.constant 1 : i32
      %add3A_93 = arith.addi %scan3A_66, %add3A_92 : i32
      %lt3A = arith.constant 22 : i32
      %lt3A_94 = arith.cmpi slt, %add3A_93, %lt3A : i32
      %convert_element_type3A = arith.extui %lt3A_94 : i1 to i32
      %cond3A = arith.constant 0 : i32
      %cond3A_95 = arith.cmpi ne, %convert_element_type3A, %cond3A : i32
      scf.if %cond3A_95 {
        %add3A_106 = arith.constant 1 : i32
        %add3A_107 = arith.addi %add3A_72, %add3A_106 : i32
        %dma_start3A_108 = arith.constant 0 : i32
        %dma_start3A_109 = arith.constant 0 : i32
        %dma_start3A_110 = tpu.memref_slice %arg9[%scan3A_49, %dma_start3A_108, %dma_start3A_109] : memref<2x128x128xf32, #tpu.memory_space<vmem>> -> memref<1x128x128xf32, #tpu.memory_space<vmem>>
        %dma_start3A_111 = tpu.memref_squeeze %dma_start3A_110 : memref<1x128x128xf32, #tpu.memory_space<vmem>> -> memref<128x128xf32, #tpu.memory_space<vmem>>
        %dma_start3A_112 = arith.constant 0 : i32
        %dma_start3A_113 = tpu.memref_slice %arg7[%add3A_107, %dma_start3A_112] : memref<44x128xi32, #tpu.memory_space<vmem>> -> memref<1x128xi32, #tpu.memory_space<vmem>>
        %dma_start3A_114 = tpu.memref_squeeze %dma_start3A_113 : memref<1x128xi32, #tpu.memory_space<vmem>> -> memref<128xi32, #tpu.memory_space<vmem>>
        %dma_start3A_115 = arith.constant 0 : i32
        %dma_start3A_116 = arith.constant 0 : i32
        %dma_start3A_117 = tpu.memref_slice %arg2[%dma_start3A_115, %dma_start3A_116] : memref<20480x128xf32, #tpu.memory_space<hbm>> -> memref<20480x128xf32, #tpu.memory_space<hbm>>
        tpu.enqueue_indirect_dma source(%dma_start3A_117 : memref<20480x128xf32, #tpu.memory_space<hbm>>) target(%dma_start3A_111 : memref<128x128xf32, #tpu.memory_space<vmem>>) offsets(%dma_start3A_114 : memref<128xi32, #tpu.memory_space<vmem>>) semaphore(%arg11 : memref<!tpu.dma_semaphore, #tpu.memory_space<semaphore_mem>>)
      } else {
      }
      %dma_wait3A_96 = arith.constant 0 : i32
      %dma_wait3A_97 = arith.constant 0 : i32
      %dma_wait3A_98 = tpu.memref_slice %arg9[%scan3A_48, %dma_wait3A_96, %dma_wait3A_97] : memref<2x128x128xf32, #tpu.memory_space<vmem>> -> memref<1x128x128xf32, #tpu.memory_space<vmem>>
      %dma_wait3A_99 = tpu.memref_squeeze %dma_wait3A_98 : memref<1x128x128xf32, #tpu.memory_space<vmem>> -> memref<128x128xf32, #tpu.memory_space<vmem>>
      %dma_wait3A_100 = arith.constant 0 : i32
      %dma_wait3A_101 = tpu.memref_slice %arg7[%add3A_72, %dma_wait3A_100] : memref<44x128xi32, #tpu.memory_space<vmem>> -> memref<1x128xi32, #tpu.memory_space<vmem>>
      %dma_wait3A_102 = tpu.memref_squeeze %dma_wait3A_101 : memref<1x128xi32, #tpu.memory_space<vmem>> -> memref<128xi32, #tpu.memory_space<vmem>>
      %dma_wait3A_103 = arith.constant 0 : i32
      %dma_wait3A_104 = arith.constant 0 : i32
      %dma_wait3A_105 = tpu.memref_slice %arg2[%dma_wait3A_103, %dma_wait3A_104] : memref<20480x128xf32, #tpu.memory_space<hbm>> -> memref<20480x128xf32, #tpu.memory_space<hbm>>
      tpu.wait_indirect_dma semaphore(%arg12 : memref<!tpu.dma_semaphore, #tpu.memory_space<semaphore_mem>>) src(%dma_wait3A_105 : memref<20480x128xf32, #tpu.memory_space<hbm>>) dst(%dma_wait3A_99 : memref<128x128xf32, #tpu.memory_space<vmem>>)
      "tpu.region"() ({
        %run_scoped3A_106 = tpu.sem_alloc : memref<!tpu.dma_semaphore, #tpu.memory_space<semaphore_mem>>
        %dma_start3A_107 = arith.constant 0 : i32
        %dma_start3A_108 = arith.constant 0 : i32
        %dma_start3A_109 = tpu.memref_slice %arg9[%scan3A_48, %dma_start3A_107, %dma_start3A_108] : memref<2x128x128xf32, #tpu.memory_space<vmem>> -> memref<1x128x128xf32, #tpu.memory_space<vmem>>
        %dma_start3A_110 = tpu.memref_squeeze %dma_start3A_109 : memref<1x128x128xf32, #tpu.memory_space<vmem>> -> memref<128x128xf32, #tpu.memory_space<vmem>>
        %dma_start3A_111 = arith.constant 0 : i32
        %dma_start3A_112 = tpu.memref_slice %arg8[%add3A_72, %dma_start3A_111] : memref<44x128xi32, #tpu.memory_space<vmem>> -> memref<1x128xi32, #tpu.memory_space<vmem>>
        %dma_start3A_113 = tpu.memref_squeeze %dma_start3A_112 : memref<1x128xi32, #tpu.memory_space<vmem>> -> memref<128xi32, #tpu.memory_space<vmem>>
        %dma_start3A_114 = arith.constant 0 : i32
        %dma_start3A_115 = arith.constant 0 : i32
        %dma_start3A_116 = tpu.memref_slice %arg10[%dma_start3A_114, %dma_start3A_115] : memref<5184x128xf32, #tpu.memory_space<vmem_shared>> -> memref<5184x128xf32, #tpu.memory_space<vmem_shared>>
        tpu.enqueue_indirect_dma source(%dma_start3A_110 : memref<128x128xf32, #tpu.memory_space<vmem>>) target(%dma_start3A_116 : memref<5184x128xf32, #tpu.memory_space<vmem_shared>>) offsets(%dma_start3A_113 : memref<128xi32, #tpu.memory_space<vmem>>) semaphore(%run_scoped3A_106 : memref<!tpu.dma_semaphore, #tpu.memory_space<semaphore_mem>>) {add = true}
        %dma_wait3A_117 = arith.constant 0 : i32
        %dma_wait3A_118 = arith.constant 0 : i32
        %dma_wait3A_119 = tpu.memref_slice %arg9[%scan3A_48, %dma_wait3A_117, %dma_wait3A_118] : memref<2x128x128xf32, #tpu.memory_space<vmem>> -> memref<1x128x128xf32, #tpu.memory_space<vmem>>
        %dma_wait3A_120 = tpu.memref_squeeze %dma_wait3A_119 : memref<1x128x128xf32, #tpu.memory_space<vmem>> -> memref<128x128xf32, #tpu.memory_space<vmem>>
        %dma_wait3A_121 = arith.constant 0 : i32
        %dma_wait3A_122 = tpu.memref_slice %arg8[%add3A_72, %dma_wait3A_121] : memref<44x128xi32, #tpu.memory_space<vmem>> -> memref<1x128xi32, #tpu.memory_space<vmem>>
        %dma_wait3A_123 = tpu.memref_squeeze %dma_wait3A_122 : memref<1x128xi32, #tpu.memory_space<vmem>> -> memref<128xi32, #tpu.memory_space<vmem>>
        %dma_wait3A_124 = arith.constant 0 : i32
        %dma_wait3A_125 = arith.constant 0 : i32
        %dma_wait3A_126 = tpu.memref_slice %arg10[%dma_wait3A_124, %dma_wait3A_125] : memref<5184x128xf32, #tpu.memory_space<vmem_shared>> -> memref<5184x128xf32, #tpu.memory_space<vmem_shared>>
        tpu.wait_indirect_dma semaphore(%run_scoped3A_106 : memref<!tpu.dma_semaphore, #tpu.memory_space<semaphore_mem>>) src(%dma_wait3A_120 : memref<128x128xf32, #tpu.memory_space<vmem>>) dst(%dma_wait3A_126 : memref<5184x128xf32, #tpu.memory_space<vmem_shared>>)
        tpu.yield
      }) : () -> ()
    }
    %scan3A_54 = arith.constant 22 : i32
    %barrier3A_55 = arith.constant 0 : index
    tpu.barrier barrier_id(%barrier3A_55)
    %mul3A_56 = arith.constant 320 : i32
    %mul3A_57 = arith.muli %arg1, %mul3A_56 : i32
    %mul3A_58 = arith.constant 10240 : i32
    %mul3A_59 = arith.muli %arg0, %mul3A_58 : i32
    %add3A_60 = arith.constant 5120 : i32
    %add3A_61 = arith.addi %mul3A_59, %add3A_60 : i32
    %mul3A_62 = arith.constant 320 : i32
    %mul3A_63 = arith.muli %arg1, %mul3A_62 : i32
    %add3A_64 = arith.addi %add3A_61, %mul3A_63 : i32
    "tpu.region"() ({
      %run_scoped3A_66 = tpu.sem_alloc : memref<!tpu.dma_semaphore, #tpu.memory_space<semaphore_mem>>
      %dma_start3A_67 = arith.constant 0 : i32
      %dma_start3A_68 = tpu.memref_slice %arg6[%add3A_64, %dma_start3A_67] : memref<20480x128xf32, #tpu.memory_space<hbm>> -> memref<320x128xf32, #tpu.memory_space<hbm>>
      %dma_start3A_69 = arith.constant 0 : i32
      %dma_start3A_70 = tpu.memref_slice %arg10[%mul3A_57, %dma_start3A_69] : memref<5184x128xf32, #tpu.memory_space<vmem_shared>> -> memref<320x128xf32, #tpu.memory_space<vmem_shared>>
      tpu.enqueue_dma source(%dma_start3A_70 : memref<320x128xf32, #tpu.memory_space<vmem_shared>>) target(%dma_start3A_68 : memref<320x128xf32, #tpu.memory_space<hbm>>) target_semaphore(%run_scoped3A_66 : memref<!tpu.dma_semaphore, #tpu.memory_space<semaphore_mem>>)
      %dma_wait3A = arith.constant 0 : i32
      %dma_wait3A_71 = tpu.memref_slice %arg6[%add3A_64, %dma_wait3A] : memref<20480x128xf32, #tpu.memory_space<hbm>> -> memref<320x128xf32, #tpu.memory_space<hbm>>
      %dma_wait3A_72 = arith.constant 0 : i32
      %dma_wait3A_73 = tpu.memref_slice %arg10[%mul3A_57, %dma_wait3A_72] : memref<5184x128xf32, #tpu.memory_space<vmem_shared>> -> memref<320x128xf32, #tpu.memory_space<vmem_shared>>
      tpu.wait_dma2 semaphore(%run_scoped3A_66 : memref<!tpu.dma_semaphore, #tpu.memory_space<semaphore_mem>>) src(%dma_wait3A_73 : memref<320x128xf32, #tpu.memory_space<vmem_shared>>) dst(%dma_wait3A_71 : memref<320x128xf32, #tpu.memory_space<hbm>>)
      tpu.yield
    }) : () -> ()
    %barrier3A_65 = arith.constant 0 : index
    tpu.barrier barrier_id(%barrier3A_65)
    return
  }
}

#map = affine_map<(d0, d1) -> (0, 0, 0, 0)>
#map1 = affine_map<(d0, d1) -> (0)>
module attributes {stable_mosaic.version = 14 : i64} {
  func.func @_deg_kernel(%arg0: i32, %arg1: i32, %arg2: memref<2x16x40x128xi32, #tpu.memory_space<hbm>>, %arg3: memref<640xf32, #tpu.memory_space<hbm>>, %arg4: memref<20480xf32, #tpu.memory_space<hbm>>, %arg5: memref<40x128xi32, #tpu.memory_space<vmem>>, %arg6: memref<128xf32, #tpu.memory_space<vmem>>, %arg7: memref<10240xf32, #tpu.memory_space<vmem_shared>>) attributes {dimension_semantics = [#tpu.dimension_semantics<core_parallel>, #tpu.dimension_semantics<subcore_parallel>], iteration_bounds = array<i64: 2, 16>, scalar_prefetch = 0 : i64, scratch_operands = 3 : i64, tpu.core_type = #tpu.core_type<sc_vector_subcore>, window_params = [{transform_indices = #map}, {transform_indices = #map1}, {transform_indices = #map1}]} {
    "tpu.region"() ({
      %run_scoped3A = tpu.sem_alloc : memref<!tpu.dma_semaphore, #tpu.memory_space<semaphore_mem>>
      %dma_start3A = arith.constant 0 : i32
      %dma_start3A_59 = arith.constant 0 : i32
      %dma_start3A_60 = tpu.memref_slice %arg2[%arg0, %arg1, %dma_start3A, %dma_start3A_59] : memref<2x16x40x128xi32, #tpu.memory_space<hbm>> -> memref<1x1x40x128xi32, #tpu.memory_space<hbm>>
      %dma_start3A_61 = tpu.memref_squeeze %dma_start3A_60 : memref<1x1x40x128xi32, #tpu.memory_space<hbm>> -> memref<40x128xi32, #tpu.memory_space<hbm>>
      %dma_start3A_62 = arith.constant 0 : i32
      %dma_start3A_63 = arith.constant 0 : i32
      %dma_start3A_64 = tpu.memref_slice %arg2[%arg0, %arg1, %dma_start3A_62, %dma_start3A_63] : memref<2x16x40x128xi32, #tpu.memory_space<hbm>> -> memref<1x1x40x128xi32, #tpu.memory_space<hbm>>
      %dma_start3A_65 = tpu.memref_squeeze %dma_start3A_64 : memref<1x1x40x128xi32, #tpu.memory_space<hbm>> -> memref<40x128xi32, #tpu.memory_space<hbm>>
      tpu.enqueue_dma source(%dma_start3A_65 : memref<40x128xi32, #tpu.memory_space<hbm>>) target(%arg5 : memref<40x128xi32, #tpu.memory_space<vmem>>) target_semaphore(%run_scoped3A : memref<!tpu.dma_semaphore, #tpu.memory_space<semaphore_mem>>)
      %dma_wait3A = arith.constant 0 : i32
      %dma_wait3A_66 = arith.constant 0 : i32
      %dma_wait3A_67 = tpu.memref_slice %arg2[%arg0, %arg1, %dma_wait3A, %dma_wait3A_66] : memref<2x16x40x128xi32, #tpu.memory_space<hbm>> -> memref<1x1x40x128xi32, #tpu.memory_space<hbm>>
      %dma_wait3A_68 = tpu.memref_squeeze %dma_wait3A_67 : memref<1x1x40x128xi32, #tpu.memory_space<hbm>> -> memref<40x128xi32, #tpu.memory_space<hbm>>
      %dma_wait3A_69 = arith.constant 0 : i32
      %dma_wait3A_70 = arith.constant 0 : i32
      %dma_wait3A_71 = tpu.memref_slice %arg2[%arg0, %arg1, %dma_wait3A_69, %dma_wait3A_70] : memref<2x16x40x128xi32, #tpu.memory_space<hbm>> -> memref<1x1x40x128xi32, #tpu.memory_space<hbm>>
      %dma_wait3A_72 = tpu.memref_squeeze %dma_wait3A_71 : memref<1x1x40x128xi32, #tpu.memory_space<hbm>> -> memref<40x128xi32, #tpu.memory_space<hbm>>
      tpu.wait_dma2 semaphore(%run_scoped3A : memref<!tpu.dma_semaphore, #tpu.memory_space<semaphore_mem>>) src(%dma_wait3A_72 : memref<40x128xi32, #tpu.memory_space<hbm>>) dst(%arg5 : memref<40x128xi32, #tpu.memory_space<vmem>>)
      tpu.yield
    }) : () -> ()
    %broadcast_in_dim3A = arith.constant 1.000000e+00 : f32
    %broadcast_in_dim3A_0 = vector.broadcast %broadcast_in_dim3A : f32 to vector<16xf32>
    %swap3A = arith.constant 0 : index
    %swap3A_1 = tpu.vector_load %arg6[%swap3A] {strides = array<i32>} : memref<128xf32, #tpu.memory_space<vmem>>, vector<16xf32>,
    %swap3A_2 = vector.shape_cast %swap3A_1 : vector<16xf32> to vector<16xf32>
    %swap3A_3 = vector.shape_cast %broadcast_in_dim3A_0 : vector<16xf32> to vector<16xf32>
    tpu.vector_store %arg6[%swap3A], %swap3A_3 {strides = array<i32>} : memref<128xf32, #tpu.memory_space<vmem>>, vector<16xf32>,
    %broadcast_in_dim3A_4 = arith.constant 1.000000e+00 : f32
    %broadcast_in_dim3A_5 = vector.broadcast %broadcast_in_dim3A_4 : f32 to vector<16xf32>
    %swap3A_6 = arith.constant 16 : index
    %swap3A_7 = tpu.vector_load %arg6[%swap3A_6] {strides = array<i32>} : memref<128xf32, #tpu.memory_space<vmem>>, vector<16xf32>,
    %swap3A_8 = vector.shape_cast %swap3A_7 : vector<16xf32> to vector<16xf32>
    %swap3A_9 = vector.shape_cast %broadcast_in_dim3A_5 : vector<16xf32> to vector<16xf32>
    tpu.vector_store %arg6[%swap3A_6], %swap3A_9 {strides = array<i32>} : memref<128xf32, #tpu.memory_space<vmem>>, vector<16xf32>,
    %broadcast_in_dim3A_10 = arith.constant 1.000000e+00 : f32
    %broadcast_in_dim3A_11 = vector.broadcast %broadcast_in_dim3A_10 : f32 to vector<16xf32>
    %swap3A_12 = arith.constant 32 : index
    %swap3A_13 = tpu.vector_load %arg6[%swap3A_12] {strides = array<i32>} : memref<128xf32, #tpu.memory_space<vmem>>, vector<16xf32>,
    %swap3A_14 = vector.shape_cast %swap3A_13 : vector<16xf32> to vector<16xf32>
    %swap3A_15 = vector.shape_cast %broadcast_in_dim3A_11 : vector<16xf32> to vector<16xf32>
    tpu.vector_store %arg6[%swap3A_12], %swap3A_15 {strides = array<i32>} : memref<128xf32, #tpu.memory_space<vmem>>, vector<16xf32>,
    %broadcast_in_dim3A_16 = arith.constant 1.000000e+00 : f32
    %broadcast_in_dim3A_17 = vector.broadcast %broadcast_in_dim3A_16 : f32 to vector<16xf32>
    %swap3A_18 = arith.constant 48 : index
    %swap3A_19 = tpu.vector_load %arg6[%swap3A_18] {strides = array<i32>} : memref<128xf32, #tpu.memory_space<vmem>>, vector<16xf32>,
    %swap3A_20 = vector.shape_cast %swap3A_19 : vector<16xf32> to vector<16xf32>
    %swap3A_21 = vector.shape_cast %broadcast_in_dim3A_17 : vector<16xf32> to vector<16xf32>
    tpu.vector_store %arg6[%swap3A_18], %swap3A_21 {strides = array<i32>} : memref<128xf32, #tpu.memory_space<vmem>>, vector<16xf32>,
    %broadcast_in_dim3A_22 = arith.constant 1.000000e+00 : f32
    %broadcast_in_dim3A_23 = vector.broadcast %broadcast_in_dim3A_22 : f32 to vector<16xf32>
    %swap3A_24 = arith.constant 64 : index
    %swap3A_25 = tpu.vector_load %arg6[%swap3A_24] {strides = array<i32>} : memref<128xf32, #tpu.memory_space<vmem>>, vector<16xf32>,
    %swap3A_26 = vector.shape_cast %swap3A_25 : vector<16xf32> to vector<16xf32>
    %swap3A_27 = vector.shape_cast %broadcast_in_dim3A_23 : vector<16xf32> to vector<16xf32>
    tpu.vector_store %arg6[%swap3A_24], %swap3A_27 {strides = array<i32>} : memref<128xf32, #tpu.memory_space<vmem>>, vector<16xf32>,
    %broadcast_in_dim3A_28 = arith.constant 1.000000e+00 : f32
    %broadcast_in_dim3A_29 = vector.broadcast %broadcast_in_dim3A_28 : f32 to vector<16xf32>
    %swap3A_30 = arith.constant 80 : index
    %swap3A_31 = tpu.vector_load %arg6[%swap3A_30] {strides = array<i32>} : memref<128xf32, #tpu.memory_space<vmem>>, vector<16xf32>,
    %swap3A_32 = vector.shape_cast %swap3A_31 : vector<16xf32> to vector<16xf32>
    %swap3A_33 = vector.shape_cast %broadcast_in_dim3A_29 : vector<16xf32> to vector<16xf32>
    tpu.vector_store %arg6[%swap3A_30], %swap3A_33 {strides = array<i32>} : memref<128xf32, #tpu.memory_space<vmem>>, vector<16xf32>,
    %broadcast_in_dim3A_34 = arith.constant 1.000000e+00 : f32
    %broadcast_in_dim3A_35 = vector.broadcast %broadcast_in_dim3A_34 : f32 to vector<16xf32>
    %swap3A_36 = arith.constant 96 : index
    %swap3A_37 = tpu.vector_load %arg6[%swap3A_36] {strides = array<i32>} : memref<128xf32, #tpu.memory_space<vmem>>, vector<16xf32>,
    %swap3A_38 = vector.shape_cast %swap3A_37 : vector<16xf32> to vector<16xf32>
    %swap3A_39 = vector.shape_cast %broadcast_in_dim3A_35 : vector<16xf32> to vector<16xf32>
    tpu.vector_store %arg6[%swap3A_36], %swap3A_39 {strides = array<i32>} : memref<128xf32, #tpu.memory_space<vmem>>, vector<16xf32>,
    %broadcast_in_dim3A_40 = arith.constant 1.000000e+00 : f32
    %broadcast_in_dim3A_41 = vector.broadcast %broadcast_in_dim3A_40 : f32 to vector<16xf32>
    %swap3A_42 = arith.constant 112 : index
    %swap3A_43 = tpu.vector_load %arg6[%swap3A_42] {strides = array<i32>} : memref<128xf32, #tpu.memory_space<vmem>>, vector<16xf32>,
    %swap3A_44 = vector.shape_cast %swap3A_43 : vector<16xf32> to vector<16xf32>
    %swap3A_45 = vector.shape_cast %broadcast_in_dim3A_41 : vector<16xf32> to vector<16xf32>
    tpu.vector_store %arg6[%swap3A_42], %swap3A_45 {strides = array<i32>} : memref<128xf32, #tpu.memory_space<vmem>>, vector<16xf32>,
    %mul3A = arith.constant 640 : i32
    %mul3A_46 = arith.muli %arg1, %mul3A : i32
    "tpu.region"() ({
      %run_scoped3A = tpu.sem_alloc : memref<!tpu.dma_semaphore, #tpu.memory_space<semaphore_mem>>
      %dma_start3A = tpu.memref_slice %arg7[%mul3A_46] : memref<10240xf32, #tpu.memory_space<vmem_shared>> -> memref<640xf32, #tpu.memory_space<vmem_shared>>
      tpu.enqueue_dma source(%arg3 : memref<640xf32, #tpu.memory_space<hbm>>) target(%dma_start3A : memref<640xf32, #tpu.memory_space<vmem_shared>>) target_semaphore(%run_scoped3A : memref<!tpu.dma_semaphore, #tpu.memory_space<semaphore_mem>>)
      %dma_wait3A = tpu.memref_slice %arg7[%mul3A_46] : memref<10240xf32, #tpu.memory_space<vmem_shared>> -> memref<640xf32, #tpu.memory_space<vmem_shared>>
      tpu.wait_dma2 semaphore(%run_scoped3A : memref<!tpu.dma_semaphore, #tpu.memory_space<semaphore_mem>>) src(%arg3 : memref<640xf32, #tpu.memory_space<hbm>>) dst(%dma_wait3A : memref<640xf32, #tpu.memory_space<vmem_shared>>)
      tpu.yield
    }) : () -> ()
    %barrier3A = arith.constant 0 : index
    tpu.barrier barrier_id(%barrier3A)
    %scan3A = arith.constant 0 : i32
    %scan3A_47 = arith.constant 0 : i32
    %scan3A_48 = arith.constant 40 : i32
    %scan3A_49 = arith.addi %scan3A_47, %scan3A_48 : i32
    %scan3A_50 = arith.constant 1 : i32
    scf.for %scan3A_59 = %scan3A_47 to %scan3A_49 step %scan3A_50  : i32 {
      "tpu.region"() ({
        %run_scoped3A = tpu.sem_alloc : memref<!tpu.dma_semaphore, #tpu.memory_space<semaphore_mem>>
        %dma_start3A = arith.constant 0 : i32
        %dma_start3A_60 = tpu.memref_slice %arg5[%scan3A_59, %dma_start3A] : memref<40x128xi32, #tpu.memory_space<vmem>> -> memref<1x128xi32, #tpu.memory_space<vmem>>
        %dma_start3A_61 = tpu.memref_squeeze %dma_start3A_60 : memref<1x128xi32, #tpu.memory_space<vmem>> -> memref<128xi32, #tpu.memory_space<vmem>>
        %dma_start3A_62 = arith.constant 0 : i32
        %dma_start3A_63 = tpu.memref_slice %arg7[%dma_start3A_62] : memref<10240xf32, #tpu.memory_space<vmem_shared>> -> memref<10240xf32, #tpu.memory_space<vmem_shared>>
        tpu.enqueue_indirect_dma source(%arg6 : memref<128xf32, #tpu.memory_space<vmem>>) target(%dma_start3A_63 : memref<10240xf32, #tpu.memory_space<vmem_shared>>) offsets(%dma_start3A_61 : memref<128xi32, #tpu.memory_space<vmem>>) semaphore(%run_scoped3A : memref<!tpu.dma_semaphore, #tpu.memory_space<semaphore_mem>>) {add = true}
        %dma_wait3A = arith.constant 0 : i32
        %dma_wait3A_64 = tpu.memref_slice %arg5[%scan3A_59, %dma_wait3A] : memref<40x128xi32, #tpu.memory_space<vmem>> -> memref<1x128xi32, #tpu.memory_space<vmem>>
        %dma_wait3A_65 = tpu.memref_squeeze %dma_wait3A_64 : memref<1x128xi32, #tpu.memory_space<vmem>> -> memref<128xi32, #tpu.memory_space<vmem>>
        %dma_wait3A_66 = arith.constant 0 : i32
        %dma_wait3A_67 = tpu.memref_slice %arg7[%dma_wait3A_66] : memref<10240xf32, #tpu.memory_space<vmem_shared>> -> memref<10240xf32, #tpu.memory_space<vmem_shared>>
        tpu.wait_indirect_dma semaphore(%run_scoped3A : memref<!tpu.dma_semaphore, #tpu.memory_space<semaphore_mem>>) src(%arg6 : memref<128xf32, #tpu.memory_space<vmem>>) dst(%dma_wait3A_67 : memref<10240xf32, #tpu.memory_space<vmem_shared>>)
        tpu.yield
      }) : () -> ()
    }
    %scan3A_51 = arith.constant 40 : i32
    %barrier3A_52 = arith.constant 0 : index
    tpu.barrier barrier_id(%barrier3A_52)
    %mul3A_53 = arith.constant 640 : i32
    %mul3A_54 = arith.muli %arg1, %mul3A_53 : i32
    %mul3A_55 = arith.constant 10240 : i32
    %mul3A_56 = arith.muli %arg0, %mul3A_55 : i32
    %mul3A_57 = arith.constant 640 : i32
    %mul3A_58 = arith.muli %arg1, %mul3A_57 : i32
    %add3A = arith.addi %mul3A_56, %mul3A_58 : i32
    "tpu.region"() ({
      %run_scoped3A = tpu.sem_alloc : memref<!tpu.dma_semaphore, #tpu.memory_space<semaphore_mem>>
      %dma_start3A = tpu.memref_slice %arg4[%add3A] : memref<20480xf32, #tpu.memory_space<hbm>> -> memref<640xf32, #tpu.memory_space<hbm>>
      %dma_start3A_59 = tpu.memref_slice %arg7[%mul3A_54] : memref<10240xf32, #tpu.memory_space<vmem_shared>> -> memref<640xf32, #tpu.memory_space<vmem_shared>>
      tpu.enqueue_dma source(%dma_start3A_59 : memref<640xf32, #tpu.memory_space<vmem_shared>>) target(%dma_start3A : memref<640xf32, #tpu.memory_space<hbm>>) target_semaphore(%run_scoped3A : memref<!tpu.dma_semaphore, #tpu.memory_space<semaphore_mem>>)
      %dma_wait3A = tpu.memref_slice %arg4[%add3A] : memref<20480xf32, #tpu.memory_space<hbm>> -> memref<640xf32, #tpu.memory_space<hbm>>
      %dma_wait3A_60 = tpu.memref_slice %arg7[%mul3A_54] : memref<10240xf32, #tpu.memory_space<vmem_shared>> -> memref<640xf32, #tpu.memory_space<vmem_shared>>
      tpu.wait_dma2 semaphore(%run_scoped3A : memref<!tpu.dma_semaphore, #tpu.memory_space<semaphore_mem>>) src(%dma_wait3A_60 : memref<640xf32, #tpu.memory_space<vmem_shared>>) dst(%dma_wait3A : memref<640xf32, #tpu.memory_space<hbm>>)
      tpu.yield
    }) : () -> ()
    return
  }
}

module attributes {stable_mosaic.version = 14 : i64} {
  func.func @_tc1_body(%arg0: i32, %arg1: i32, %arg2: memref<512x256xf32, #tpu.memory_space<vmem>>, %arg3: memref<512xf32, #tpu.memory_space<vmem>>, %arg4: memref<512xf32, #tpu.memory_space<vmem>>, %arg5: memref<256xf32, #tpu.memory_space<vmem>>, %arg6: memref<256xf32, #tpu.memory_space<vmem>>, %arg7: memref<1x256x128xf32, #tpu.memory_space<vmem>>, %arg8: memref<512x128xf32, #tpu.memory_space<vmem>>, %arg9: memref<512xf32, #tpu.memory_space<vmem>>) attributes {dimension_semantics = [#tpu.dimension_semantics<arbitrary>, #tpu.dimension_semantics<arbitrary>], iteration_bounds = array<i64: 20, 2>, scalar_prefetch = 0 : i64, scratch_operands = 0 : i64, tpu.core_type = #tpu.core_type<tc>, window_params = [{transform_indices = @transform_0, window_bounds = array<i64: 512, 256>}, {transform_indices = @transform_1, window_bounds = array<i64: 512>}, {transform_indices = @transform_2, window_bounds = array<i64: 512>}, {pipeline_mode = #tpu.pipeline_mode<synchronous>, transform_indices = @transform_3, window_bounds = array<i64: 256>}, {pipeline_mode = #tpu.pipeline_mode<synchronous>, transform_indices = @transform_4, window_bounds = array<i64: 256>}, {transform_indices = @transform_5, window_bounds = array<i64: 1, 256, 128>}, {transform_indices = @transform_6, window_bounds = array<i64: 512, 128>}, {transform_indices = @transform_7, window_bounds = array<i64: 512>}]} {
    %get3A = arith.constant 0 : index
    %get3A_0 = arith.constant 0 : index
    %get3A_1 = vector.load %arg2[%get3A, %get3A_0] : memref<512x256xf32, #tpu.memory_space<vmem>>, vector<512x256xf32>
    %reduce_sum3A = arith.constant dense<0.000000e+00> : vector<512xf32>
    %reduce_sum3A_2 = vector.multi_reduction <add>, %get3A_1, %reduce_sum3A [1] : vector<512x256xf32> to vector<512xf32>
    %broadcast_in_dim3A = vector.shape_cast %reduce_sum3A_2 : vector<512xf32> to vector<512x1xf32>
    %div3A = arith.constant 2.560000e+02 : f32
    %div3A_3 = vector.broadcast %div3A : f32 to vector<512x1xf32>
    %div3A_4 = arith.divf %broadcast_in_dim3A, %div3A_3 : vector<512x1xf32>
    %sub3A = vector.broadcast %div3A_4 : vector<512x1xf32> to vector<512x256xf32>
    %sub3A_5 = arith.subf %get3A_1, %sub3A : vector<512x256xf32>
    %integer_pow3A = arith.mulf %sub3A_5, %sub3A_5 : vector<512x256xf32>
    %reduce_sum3A_6 = arith.constant dense<0.000000e+00> : vector<512xf32>
    %reduce_sum3A_7 = vector.multi_reduction <add>, %integer_pow3A, %reduce_sum3A_6 [1] : vector<512x256xf32> to vector<512xf32>
    %broadcast_in_dim3A_8 = vector.shape_cast %reduce_sum3A_7 : vector<512xf32> to vector<512x1xf32>
    %div3A_9 = arith.constant 2.560000e+02 : f32
    %div3A_10 = vector.broadcast %div3A_9 : f32 to vector<512x1xf32>
    %div3A_11 = arith.divf %broadcast_in_dim3A_8, %div3A_10 : vector<512x1xf32>
    %sub3A_12 = vector.broadcast %div3A_4 : vector<512x1xf32> to vector<512x256xf32>
    %sub3A_13 = arith.subf %get3A_1, %sub3A_12 : vector<512x256xf32>
    %add3A = arith.constant 9.99999974E-6 : f32
    %add3A_14 = vector.broadcast %add3A : f32 to vector<512x1xf32>
    %add3A_15 = arith.addf %div3A_11, %add3A_14 : vector<512x1xf32>
    %rsqrt3A = math.rsqrt %add3A_15 : vector<512x1xf32>
    %mul3A = vector.broadcast %rsqrt3A : vector<512x1xf32> to vector<512x256xf32>
    %mul3A_16 = arith.mulf %sub3A_13, %mul3A : vector<512x256xf32>
    %get3A_17 = arith.constant 0 : index
    %get3A_18 = vector.load %arg5[%get3A_17] : memref<256xf32, #tpu.memory_space<vmem>>, vector<256xf32>
    %broadcast_in_dim3A_19 = vector.shape_cast %get3A_18 : vector<256xf32> to vector<1x256xf32>
    %mul3A_20 = vector.broadcast %broadcast_in_dim3A_19 : vector<1x256xf32> to vector<512x256xf32>
    %mul3A_21 = arith.mulf %mul3A_16, %mul3A_20 : vector<512x256xf32>
    %get3A_22 = arith.constant 0 : index
    %get3A_23 = vector.load %arg6[%get3A_22] : memref<256xf32, #tpu.memory_space<vmem>>, vector<256xf32>
    %broadcast_in_dim3A_24 = vector.shape_cast %get3A_23 : vector<256xf32> to vector<1x256xf32>
    %add3A_25 = vector.broadcast %broadcast_in_dim3A_24 : vector<1x256xf32> to vector<512x256xf32>
    %add3A_26 = arith.addf %mul3A_21, %add3A_25 : vector<512x256xf32>
    %get3A_27 = arith.constant 0 : index
    %get3A_28 = vector.load %arg3[%get3A_27] : memref<512xf32, #tpu.memory_space<vmem>>, vector<512xf32>
    %get3A_29 = arith.constant 0 : index
    %get3A_30 = vector.load %arg4[%get3A_29] : memref<512xf32, #tpu.memory_space<vmem>>, vector<512xf32>
    %add3A_31 = arith.addf %get3A_28, %get3A_30 : vector<512xf32>
    %add3A_32 = arith.constant 1.000000e+00 : f32
    %add3A_33 = vector.broadcast %add3A_32 : f32 to vector<512xf32>
    %add3A_34 = arith.addf %add3A_31, %add3A_33 : vector<512xf32>
    %rsqrt3A_35 = math.rsqrt %add3A_34 : vector<512xf32>
    %get3A_36 = arith.constant 0 : index
    %get3A_37 = arith.constant 0 : index
    %get3A_38 = arith.constant 0 : index
    %get3A_39 = vector.load %arg7[%get3A_36, %get3A_37, %get3A_38] : memref<1x256x128xf32, #tpu.memory_space<vmem>>, vector<1x256x128xf32>
    %get3A_40 = vector.shape_cast %get3A_39 : vector<1x256x128xf32> to vector<256x128xf32>
    %dot_general3A = arith.constant dense<0.000000e+00> : vector<512x128xf32>
    %dot_general3A_41 = tpu.matmul %add3A_26, %get3A_40, %dot_general3A {dimension_numbers = #tpu.dot_dimension_numbers<[1], [0], [0], [1], [0, 0, 1, 1], [], []>, transpose_lhs_hint = false} : vector<512x256xf32>, vector<256x128xf32>, vector<512x128xf32> -> vector<512x128xf32>
    %broadcast_in_dim3A_42 = vector.shape_cast %rsqrt3A_35 : vector<512xf32> to vector<512x1xf32>
    %mul3A_43 = vector.broadcast %broadcast_in_dim3A_42 : vector<512x1xf32> to vector<512x128xf32>
    %mul3A_44 = arith.mulf %mul3A_43, %dot_general3A_41 : vector<512x128xf32>
    %swap3A = arith.constant 0 : index
    %swap3A_45 = arith.constant 0 : index
    %swap3A_46 = vector.load %arg8[%swap3A, %swap3A_45] : memref<512x128xf32, #tpu.memory_space<vmem>>, vector<512x128xf32>
    tpu.vector_store %arg8[%swap3A, %swap3A_45], %mul3A_44 {strides = array<i32>} : memref<512x128xf32, #tpu.memory_space<vmem>>, vector<512x128xf32>,
    %swap3A_47 = arith.constant 0 : index
    %swap3A_48 = vector.load %arg9[%swap3A_47] : memref<512xf32, #tpu.memory_space<vmem>>, vector<512xf32>
    tpu.vector_store %arg9[%swap3A_47], %rsqrt3A_35 {strides = array<i32>} : memref<512xf32, #tpu.memory_space<vmem>>, vector<512xf32>,
    return
  }
  func.func @transform_0(%arg0: i32, %arg1: i32) -> (i32, i32) {
    %c0_i32 = arith.constant 0 : i32
    %c0_i32_0 = arith.constant 0 : i32
    return %arg0, %c0_i32 : i32, i32
  }
  func.func @transform_1(%arg0: i32, %arg1: i32) -> i32 {
    %c0_i32 = arith.constant 0 : i32
    return %arg0 : i32
  }
  func.func @transform_2(%arg0: i32, %arg1: i32) -> i32 {
    %add3A = arith.constant 20 : i32
    %add3A_0 = arith.addi %arg0, %add3A : i32
    %c0_i32 = arith.constant 0 : i32
    return %add3A_0 : i32
  }
  func.func @transform_3(%arg0: i32, %arg1: i32) -> i32 {
    %c0_i32 = arith.constant 0 : i32
    %c0_i32_0 = arith.constant 0 : i32
    return %c0_i32 : i32
  }
  func.func @transform_4(%arg0: i32, %arg1: i32) -> i32 {
    %c0_i32 = arith.constant 0 : i32
    %c0_i32_0 = arith.constant 0 : i32
    return %c0_i32 : i32
  }
  func.func @transform_5(%arg0: i32, %arg1: i32) -> (i32, i32, i32) {
    %c0_i32 = arith.constant 0 : i32
    %c0_i32_0 = arith.constant 0 : i32
    %c0_i32_1 = arith.constant 0 : i32
    return %arg1, %c0_i32, %c0_i32_0 : i32, i32, i32
  }
  func.func @transform_6(%arg0: i32, %arg1: i32) -> (i32, i32) {
    %mul3A = arith.constant 20 : i32
    %mul3A_0 = arith.muli %arg1, %mul3A : i32
    %add3A = arith.addi %mul3A_0, %arg0 : i32
    %c0_i32 = arith.constant 0 : i32
    %c0_i32_1 = arith.constant 0 : i32
    return %add3A, %c0_i32 : i32, i32
  }
  func.func @transform_7(%arg0: i32, %arg1: i32) -> i32 {
    %c0_i32 = arith.constant 0 : i32
    return %arg0 : i32
  }
}

module attributes {stable_mosaic.version = 14 : i64} {
  func.func @_tc2_body(%arg0: i32, %arg1: i32, %arg2: memref<512x128xf32, #tpu.memory_space<vmem>>, %arg3: memref<512x128xf32, #tpu.memory_space<vmem>>, %arg4: memref<512x128xf32, #tpu.memory_space<vmem>>, %arg5: memref<512x128xf32, #tpu.memory_space<vmem>>, %arg6: memref<512xf32, #tpu.memory_space<vmem>>, %arg7: memref<1x256x128xf32, #tpu.memory_space<vmem>>, %arg8: memref<256xf32, #tpu.memory_space<vmem>>, %arg9: memref<512x128xf32, #tpu.memory_space<vmem>>) attributes {dimension_semantics = [#tpu.dimension_semantics<arbitrary>, #tpu.dimension_semantics<arbitrary>], iteration_bounds = array<i64: 20, 2>, scalar_prefetch = 0 : i64, scratch_operands = 0 : i64, tpu.core_type = #tpu.core_type<tc>, window_params = [{transform_indices = @transform_0, window_bounds = array<i64: 512, 128>}, {transform_indices = @transform_1, window_bounds = array<i64: 512, 128>}, {transform_indices = @transform_2, window_bounds = array<i64: 512, 128>}, {transform_indices = @transform_3, window_bounds = array<i64: 512, 128>}, {transform_indices = @transform_4, window_bounds = array<i64: 512>}, {transform_indices = @transform_5, window_bounds = array<i64: 1, 256, 128>}, {pipeline_mode = #tpu.pipeline_mode<synchronous>, transform_indices = @transform_6, window_bounds = array<i64: 256>}, {transform_indices = @transform_7, window_bounds = array<i64: 512, 128>}]} {
    %get3A = arith.constant 0 : index
    %get3A_0 = vector.load %arg6[%get3A] : memref<512xf32, #tpu.memory_space<vmem>>, vector<512xf32>
    %broadcast_in_dim3A = vector.shape_cast %get3A_0 : vector<512xf32> to vector<512x1xf32>
    %get3A_1 = arith.constant 0 : index
    %get3A_2 = vector.load %arg8[%get3A_1] : memref<256xf32, #tpu.memory_space<vmem>>, vector<256xf32>
    %get3A_3 = arith.constant 0 : index
    %get3A_4 = arith.constant 0 : index
    %get3A_5 = arith.constant 0 : index
    %get3A_6 = vector.load %arg7[%get3A_3, %get3A_4, %get3A_5] : memref<1x256x128xf32, #tpu.memory_space<vmem>>, vector<1x256x128xf32>
    %get3A_7 = vector.shape_cast %get3A_6 : vector<1x256x128xf32> to vector<256x128xf32>
    %get3A_8 = arith.constant 0 : index
    %get3A_9 = arith.constant 0 : index
    %get3A_10 = vector.load %arg2[%get3A_8, %get3A_9] : memref<512x128xf32, #tpu.memory_space<vmem>>, vector<512x128xf32>
    %get3A_11 = arith.constant 0 : index
    %get3A_12 = arith.constant 0 : index
    %get3A_13 = vector.load %arg4[%get3A_11, %get3A_12] : memref<512x128xf32, #tpu.memory_space<vmem>>, vector<512x128xf32>
    %add3A = arith.addf %get3A_10, %get3A_13 : vector<512x128xf32>
    %mul3A = vector.broadcast %broadcast_in_dim3A : vector<512x1xf32> to vector<512x128xf32>
    %mul3A_14 = arith.mulf %mul3A, %add3A : vector<512x128xf32>
    %slice3A = vector.extract_strided_slice %get3A_2 {offsets = [0], sizes = [128], strides = [1]} : vector<256xf32> to vector<128xf32>
    %broadcast_in_dim3A_15 = vector.shape_cast %slice3A : vector<128xf32> to vector<1x128xf32>
    %add3A_16 = vector.broadcast %broadcast_in_dim3A_15 : vector<1x128xf32> to vector<512x128xf32>
    %add3A_17 = arith.addf %mul3A_14, %add3A_16 : vector<512x128xf32>
    %get3A_18 = arith.constant 0 : index
    %get3A_19 = arith.constant 0 : index
    %get3A_20 = vector.load %arg3[%get3A_18, %get3A_19] : memref<512x128xf32, #tpu.memory_space<vmem>>, vector<512x128xf32>
    %get3A_21 = arith.constant 0 : index
    %get3A_22 = arith.constant 0 : index
    %get3A_23 = vector.load %arg5[%get3A_21, %get3A_22] : memref<512x128xf32, #tpu.memory_space<vmem>>, vector<512x128xf32>
    %add3A_24 = arith.addf %get3A_20, %get3A_23 : vector<512x128xf32>
    %mul3A_25 = vector.broadcast %broadcast_in_dim3A : vector<512x1xf32> to vector<512x128xf32>
    %mul3A_26 = arith.mulf %mul3A_25, %add3A_24 : vector<512x128xf32>
    %slice3A_27 = vector.extract_strided_slice %get3A_2 {offsets = [128], sizes = [128], strides = [1]} : vector<256xf32> to vector<128xf32>
    %broadcast_in_dim3A_28 = vector.shape_cast %slice3A_27 : vector<128xf32> to vector<1x128xf32>
    %add3A_29 = vector.broadcast %broadcast_in_dim3A_28 : vector<1x128xf32> to vector<512x128xf32>
    %add3A_30 = arith.addf %mul3A_26, %add3A_29 : vector<512x128xf32>
    %slice3A_31 = vector.extract_strided_slice %get3A_7 {offsets = [0, 0], sizes = [128, 128], strides = [1, 1]} : vector<256x128xf32> to vector<128x128xf32>
    %dot_general3A = arith.constant dense<0.000000e+00> : vector<512x128xf32>
    %dot_general3A_32 = tpu.matmul %add3A_17, %slice3A_31, %dot_general3A {dimension_numbers = #tpu.dot_dimension_numbers<[1], [0], [0], [1], [0, 0, 1, 1], [], []>, transpose_lhs_hint = false} : vector<512x128xf32>, vector<128x128xf32>, vector<512x128xf32> -> vector<512x128xf32>
    %slice3A_33 = vector.extract_strided_slice %get3A_7 {offsets = [128, 0], sizes = [128, 128], strides = [1, 1]} : vector<256x128xf32> to vector<128x128xf32>
    %dot_general3A_34 = arith.constant dense<0.000000e+00> : vector<512x128xf32>
    %dot_general3A_35 = tpu.matmul %add3A_30, %slice3A_33, %dot_general3A_34 {dimension_numbers = #tpu.dot_dimension_numbers<[1], [0], [0], [1], [0, 0, 1, 1], [], []>, transpose_lhs_hint = false} : vector<512x128xf32>, vector<128x128xf32>, vector<512x128xf32> -> vector<512x128xf32>
    %add3A_36 = arith.addf %dot_general3A_32, %dot_general3A_35 : vector<512x128xf32>
    %mul3A_37 = vector.broadcast %broadcast_in_dim3A : vector<512x1xf32> to vector<512x128xf32>
    %mul3A_38 = arith.mulf %mul3A_37, %add3A_36 : vector<512x128xf32>
    %swap3A = arith.constant 0 : index
    %swap3A_39 = arith.constant 0 : index
    %swap3A_40 = vector.load %arg9[%swap3A, %swap3A_39] : memref<512x128xf32, #tpu.memory_space<vmem>>, vector<512x128xf32>
    tpu.vector_store %arg9[%swap3A, %swap3A_39], %mul3A_38 {strides = array<i32>} : memref<512x128xf32, #tpu.memory_space<vmem>>, vector<512x128xf32>,
    return
  }
  func.func @transform_0(%arg0: i32, %arg1: i32) -> (i32, i32) {
    %c0_i32 = arith.constant 0 : i32
    %c0_i32_0 = arith.constant 0 : i32
    return %arg0, %c0_i32 : i32, i32
  }
  func.func @transform_1(%arg0: i32, %arg1: i32) -> (i32, i32) {
    %add3A = arith.constant 20 : i32
    %add3A_0 = arith.addi %arg0, %add3A : i32
    %c0_i32 = arith.constant 0 : i32
    %c0_i32_1 = arith.constant 0 : i32
    return %add3A_0, %c0_i32 : i32, i32
  }
  func.func @transform_2(%arg0: i32, %arg1: i32) -> (i32, i32) {
    %c0_i32 = arith.constant 0 : i32
    %c0_i32_0 = arith.constant 0 : i32
    return %arg0, %c0_i32 : i32, i32
  }
  func.func @transform_3(%arg0: i32, %arg1: i32) -> (i32, i32) {
    %add3A = arith.constant 20 : i32
    %add3A_0 = arith.addi %arg0, %add3A : i32
    %c0_i32 = arith.constant 0 : i32
    %c0_i32_1 = arith.constant 0 : i32
    return %add3A_0, %c0_i32 : i32, i32
  }
  func.func @transform_4(%arg0: i32, %arg1: i32) -> i32 {
    %c0_i32 = arith.constant 0 : i32
    return %arg0 : i32
  }
  func.func @transform_5(%arg0: i32, %arg1: i32) -> (i32, i32, i32) {
    %c0_i32 = arith.constant 0 : i32
    %c0_i32_0 = arith.constant 0 : i32
    %c0_i32_1 = arith.constant 0 : i32
    return %arg1, %c0_i32, %c0_i32_0 : i32, i32, i32
  }
  func.func @transform_6(%arg0: i32, %arg1: i32) -> i32 {
    %c0_i32 = arith.constant 0 : i32
    %c0_i32_0 = arith.constant 0 : i32
    return %c0_i32 : i32
  }
  func.func @transform_7(%arg0: i32, %arg1: i32) -> (i32, i32) {
    %mul3A = arith.constant 20 : i32
    %mul3A_0 = arith.muli %arg1, %mul3A : i32
    %add3A = arith.addi %mul3A_0, %arg0 : i32
    %c0_i32 = arith.constant 0 : i32
    %c0_i32_1 = arith.constant 0 : i32
    return %add3A, %c0_i32 : i32, i32
  }
}

module attributes {stable_mosaic.version = 14 : i64} {
  func.func @_tc3_body(%arg0: i32, %arg1: memref<512x128xf32, #tpu.memory_space<vmem>>, %arg2: memref<512x128xf32, #tpu.memory_space<vmem>>, %arg3: memref<512x128xf32, #tpu.memory_space<vmem>>, %arg4: memref<512x128xf32, #tpu.memory_space<vmem>>, %arg5: memref<512xf32, #tpu.memory_space<vmem>>, %arg6: memref<256xf32, #tpu.memory_space<vmem>>, %arg7: memref<512x256xf32, #tpu.memory_space<vmem>>) attributes {dimension_semantics = [#tpu.dimension_semantics<arbitrary>], iteration_bounds = array<i64: 20>, scalar_prefetch = 0 : i64, scratch_operands = 0 : i64, tpu.core_type = #tpu.core_type<tc>, window_params = [{transform_indices = @transform_0, window_bounds = array<i64: 512, 128>}, {transform_indices = @transform_1, window_bounds = array<i64: 512, 128>}, {transform_indices = @transform_2, window_bounds = array<i64: 512, 128>}, {transform_indices = @transform_3, window_bounds = array<i64: 512, 128>}, {transform_indices = @transform_4, window_bounds = array<i64: 512>}, {pipeline_mode = #tpu.pipeline_mode<synchronous>, transform_indices = @transform_5, window_bounds = array<i64: 256>}, {transform_indices = @transform_6, window_bounds = array<i64: 512, 256>}]} {
    %get3A = arith.constant 0 : index
    %get3A_0 = vector.load %arg5[%get3A] : memref<512xf32, #tpu.memory_space<vmem>>, vector<512xf32>
    %broadcast_in_dim3A = vector.shape_cast %get3A_0 : vector<512xf32> to vector<512x1xf32>
    %get3A_1 = arith.constant 0 : index
    %get3A_2 = vector.load %arg6[%get3A_1] : memref<256xf32, #tpu.memory_space<vmem>>, vector<256xf32>
    %get3A_3 = arith.constant 0 : index
    %get3A_4 = arith.constant 0 : index
    %get3A_5 = vector.load %arg1[%get3A_3, %get3A_4] : memref<512x128xf32, #tpu.memory_space<vmem>>, vector<512x128xf32>
    %get3A_6 = arith.constant 0 : index
    %get3A_7 = arith.constant 0 : index
    %get3A_8 = vector.load %arg3[%get3A_6, %get3A_7] : memref<512x128xf32, #tpu.memory_space<vmem>>, vector<512x128xf32>
    %add3A = arith.addf %get3A_5, %get3A_8 : vector<512x128xf32>
    %mul3A = vector.broadcast %broadcast_in_dim3A : vector<512x1xf32> to vector<512x128xf32>
    %mul3A_9 = arith.mulf %mul3A, %add3A : vector<512x128xf32>
    %slice3A = vector.extract_strided_slice %get3A_2 {offsets = [0], sizes = [128], strides = [1]} : vector<256xf32> to vector<128xf32>
    %broadcast_in_dim3A_10 = vector.shape_cast %slice3A : vector<128xf32> to vector<1x128xf32>
    %add3A_11 = vector.broadcast %broadcast_in_dim3A_10 : vector<1x128xf32> to vector<512x128xf32>
    %add3A_12 = arith.addf %mul3A_9, %add3A_11 : vector<512x128xf32>
    %swap3A = arith.constant 0 : index
    %swap3A_13 = arith.constant 0 : index
    %swap3A_14 = vector.load %arg7[%swap3A, %swap3A_13] : memref<512x256xf32, #tpu.memory_space<vmem>>, vector<512x128xf32>
    tpu.vector_store %arg7[%swap3A, %swap3A_13], %add3A_12 {strides = array<i32>} : memref<512x256xf32, #tpu.memory_space<vmem>>, vector<512x128xf32>,
    %get3A_15 = arith.constant 0 : index
    %get3A_16 = arith.constant 0 : index
    %get3A_17 = vector.load %arg2[%get3A_15, %get3A_16] : memref<512x128xf32, #tpu.memory_space<vmem>>, vector<512x128xf32>
    %get3A_18 = arith.constant 0 : index
    %get3A_19 = arith.constant 0 : index
    %get3A_20 = vector.load %arg4[%get3A_18, %get3A_19] : memref<512x128xf32, #tpu.memory_space<vmem>>, vector<512x128xf32>
    %add3A_21 = arith.addf %get3A_17, %get3A_20 : vector<512x128xf32>
    %mul3A_22 = vector.broadcast %broadcast_in_dim3A : vector<512x1xf32> to vector<512x128xf32>
    %mul3A_23 = arith.mulf %mul3A_22, %add3A_21 : vector<512x128xf32>
    %slice3A_24 = vector.extract_strided_slice %get3A_2 {offsets = [128], sizes = [128], strides = [1]} : vector<256xf32> to vector<128xf32>
    %broadcast_in_dim3A_25 = vector.shape_cast %slice3A_24 : vector<128xf32> to vector<1x128xf32>
    %add3A_26 = vector.broadcast %broadcast_in_dim3A_25 : vector<1x128xf32> to vector<512x128xf32>
    %add3A_27 = arith.addf %mul3A_23, %add3A_26 : vector<512x128xf32>
    %swap3A_28 = arith.constant 0 : index
    %swap3A_29 = arith.constant 128 : index
    %swap3A_30 = vector.load %arg7[%swap3A_28, %swap3A_29] : memref<512x256xf32, #tpu.memory_space<vmem>>, vector<512x128xf32>
    tpu.vector_store %arg7[%swap3A_28, %swap3A_29], %add3A_27 {strides = array<i32>} : memref<512x256xf32, #tpu.memory_space<vmem>>, vector<512x128xf32>,
    return
  }
  func.func @transform_0(%arg0: i32) -> (i32, i32) {
    %c0_i32 = arith.constant 0 : i32
    %c0_i32_0 = arith.constant 0 : i32
    return %arg0, %c0_i32 : i32, i32
  }
  func.func @transform_1(%arg0: i32) -> (i32, i32) {
    %add3A = arith.constant 20 : i32
    %add3A_0 = arith.addi %arg0, %add3A : i32
    %c0_i32 = arith.constant 0 : i32
    %c0_i32_1 = arith.constant 0 : i32
    return %add3A_0, %c0_i32 : i32, i32
  }
  func.func @transform_2(%arg0: i32) -> (i32, i32) {
    %c0_i32 = arith.constant 0 : i32
    %c0_i32_0 = arith.constant 0 : i32
    return %arg0, %c0_i32 : i32, i32
  }
  func.func @transform_3(%arg0: i32) -> (i32, i32) {
    %add3A = arith.constant 20 : i32
    %add3A_0 = arith.addi %arg0, %add3A : i32
    %c0_i32 = arith.constant 0 : i32
    %c0_i32_1 = arith.constant 0 : i32
    return %add3A_0, %c0_i32 : i32, i32
  }
  func.func @transform_4(%arg0: i32) -> i32 {
    %c0_i32 = arith.constant 0 : i32
    return %arg0 : i32
  }
  func.func @transform_5(%arg0: i32) -> i32 {
    %c0_i32 = arith.constant 0 : i32
    %c0_i32_0 = arith.constant 0 : i32
    return %c0_i32 : i32
  }
  func.func @transform_6(%arg0: i32) -> (i32, i32) {
    %c0_i32 = arith.constant 0 : i32
    %c0_i32_0 = arith.constant 0 : i32
    return %arg0, %c0_i32 : i32, i32
  }
}

</mosaic_0001>

<sc_bundles>
// kernel: kernel.12.cloned.1.call-start
scs
__scs_entry_jumppad:
0x0: {  	(pc) =	sbr.rel $0x88, $3  }
0x1: {  	(tag) =	ssettag $0x0;
	lr =	simm.s32 $0x1  }
0x2: {  	[smem:$0x3F99] =	sst lr;
	_ =	strace $0xD0000000  }
0x3: {  	_ = 	snop  }
0x4: {  	_ = 	snop  }
0x5: {  	_ = 	snop  }
0x6: {  	_ = 	snop  }
0x7: {  	_ = 	snop  }
__scs_overlays_trampoline_lowered:
0x8: {  	[smem:$0x3FA8] =	sst s0  }
0x9: {  	[smem:$0x3FA9] =	sst s1  }
0xa: {  	[smem:$0x3FAA] =	sst s2  }
0xb: {  	[smem:$0x3FAB] =	sst s3  }
0xc: {  	[smem:$0x3FAC] =	sst s4  }
0xd: {  	[smem:$0x3FAD] =	sst s5  }
0xe: {  	[smem:$0x3FAE] =	sst s6  }
0xf: {  	[smem:$0x3FAF] =	sst s7  }
0x10: {  	[smem:$0x3FB0] =	sst s8  }
0x11: {  	[smem:$0x3FB1] =	sst s9;
	s0 =	simm.s32 @!p0 $0x0  }
0x12: {  	s1 =	sld [smem:$0x3F97];
	s0 =	simm.s32 @p0 $0x1  }
0x13: {  	[smem:$0x3FB2] =	sst s0;
	s0 =	simm.s32 @!p1 $0x0  }
0x14: {  	s2 =	sld [smem:$0x3F96];
	s0 =	simm.s32 @p1 $0x1  }
0x15: {  	[smem:$0x3FB3] =	sst s0;
	s0 =	simm.s32 @!p2 $0x0  }
0x16: {  	s3 =	sld [smem:$0x3FDB];
	s0 =	simm.s32 @p2 $0x1  }
0x17: {  	s4 =	simm.s32 $0x1BF5;
	[smem:$0x3FB5] =	sst s0  }
0x18: {  	s0 =	sld [smem:$0x3F98];
	_ =	swait.ge [sflag:s4], $0x0  }
0x19: {  	s7 =	sld [smem:$0x3F99]  }
0x1a: {  	s8 =	sadd.s32 $0xFFFFE003, lr  }
0x1b: {  	s9 =	sadd.s32 $0xFFFFFEF7, lr;
	s5 =	simm.s32 $0xFFFFFFFF;
	p2 =	slt.u32 s8, $0xFFFFF086  }
0x1c: {  	p1 =	slt.u32 s9, $0xF7A;
	s5 =	simm.s32 @!p2 $0x0  }
0x1d: {  	s5 =	simm.s32 @p1 $0x1;
	p0 =	seq.s32 s7, s2  }
0x1e: {  	s7 =	smul.u32 @!p0 $0xF7A, s2;
	p2 =	seq.s32 @!p0 s5, $0x0  }
0x1f: {  	s9 =	smul.u32 $0xF7A, s1;
	s8 =	simm.s32 @!p0 $0x1BF5;
	p2 =	por !p2, p0  }
0x20: {  	[sflag:s8] =	ssyncset.s32 @!p0 $0xFFFFF086;
	s6 =	sadd.s32 @!p0 s3, s7;
	s7 =	simm.s32 @!p0 $0x108  }
0x21: {  	s3 =	sadd.s32 s3, s9;
	s6 =	sadd.s32 @!p0 $0x88, s6;
	s7 =	simm.s32 @p2 $0x1082  }
0x22: {  	[simem:s7], [sflag:s8] =	dma.local @!p0 [hbm:s6], $0xF7A  }
0x23: {  	s9 =	sor.u32 $0xD0000000, s2;
	s6 =	simm.s32 $0x108;
	_ =	swait.ge @!p0 [sflag:s8], $0x0  }
0x24: {  	s3 =	sadd.s32 $0x88, s3;
	s6 =	simm.s32 @!p1 $0x1082;
	[sflag:s4] =	ssyncset.s32 $0xFFFFF086  }
0x25: {  	[simem:s6], [sflag:s4] =	dma.local [hbm:s3], $0xF7A  }
0x26: {  	[smem:$0x3F99] =	sst s1;
	(tag) =	ssettag s2;
	_ =	strace s9  }
0x27: {  	s1 =	sld [smem:$0x3FA9]  }
0x28: {  	s2 =	sld [smem:$0x3FAA]  }
0x29: {  	s4 =	sld [smem:$0x3FAC]  }
0x2a: {  	p0 =	seq.s32 s5, $0x0;
	s5 =	sld [smem:$0x3FAD]  }
0x2b: {  	s6 =	sld [smem:$0x3FAE]  }
0x2c: {  	s7 =	sld [smem:$0x3FAF]  }
0x2d: {  	s3 =	simm.s32 $0x108;
	s8 =	sld [smem:$0x3FB0]  }
0x2e: {  	s3 =	simm.s32 @!p0 $0x1082;
	s9 =	sld [smem:$0x3FB1]  }
0x2f: {  	lr =	sadd.s32 s0, s3;
	s0 =	sld [smem:$0x3FA8]  }
0x30: {  	s3 =	sld [smem:$0x3FAB]  }
0x31: {  	[smem:$0x3FB4] =	sst s10  }
0x32: {  	s10 =	sld [smem:$0x3FB2];
	_ =	sdelay $0x3  }
0x33: {  	p0 =	seq.s32 s10, $0x1;
	s10 =	sld [smem:$0x3FB4];
	_ =	sdelay $0x3  }
0x34: {  	[smem:$0x3FB4] =	sst s10  }
0x35: {  	s10 =	sld [smem:$0x3FB3];
	_ =	sdelay $0x3  }
0x36: {  	p1 =	seq.s32 s10, $0x1;
	s10 =	sld [smem:$0x3FB4];
	_ =	sdelay $0x3  }
0x37: {  	[smem:$0x3FB4] =	sst s10  }
0x38: {  	s10 =	sld [smem:$0x3FB5]  }
0x39: {  	_ = 	snop;
	(pc) =	sbr.ind lr, $3  }
0x3a: {  	_ = 	snop  }
0x3b: {  	_ = 	snop  }
0x3c: {  	p2 =	seq.s32 s10, $0x1;
	s10 =	sld [smem:$0x3FB4]  }
0x3d: {  	_ =	shalt  }
0x3e: {  	_ =	shalt  }
0x3f: {  	_ =	shalt  }
0x40: {  	_ =	shalt  }
0x41: {  	_ =	shalt  }
0x42: {  	_ =	shalt  }
0x43: {  	_ =	shalt  }
0x44: {  	_ =	shalt  }
0x45: {  	_ =	shalt  }
0x46: {  	_ =	shalt  }
0x47: {  	_ =	shalt  }
0x48: {  	_ =	shalt  }
0x49: {  	_ =	shalt  }
0x4a: {  	_ =	shalt  }
0x4b: {  	_ =	shalt  }
0x4c: {  	_ =	shalt  }
0x4d: {  	_ =	shalt  }
0x4e: {  	_ =	shalt  }
0x4f: {  	_ =	shalt  }
0x50: {  	_ =	shalt  }
0x51: {  	_ =	shalt  }
0x52: {  	_ =	shalt  }
0x53: {  	_ =	shalt  }
0x54: {  	_ =	shalt  }
0x55: {  	_ =	shalt  }
0x56: {  	_ =	shalt  }
0x57: {  	_ =	shalt  }
0x58: {  	_ =	shalt  }
0x59: {  	_ =	shalt  }
0x5a: {  	_ =	shalt  }
0x5b: {  	_ =	shalt  }
0x5c: {  	_ =	shalt  }
0x5d: {  	_ =	shalt  }
0x5e: {  	_ =	shalt  }
0x5f: {  	_ =	shalt  }
0x60: {  	_ =	shalt  }
0x61: {  	_ =	shalt  }
0x62: {  	_ =	shalt  }
0x63: {  	_ =	shalt  }
0x64: {  	_ =	shalt  }
0x65: {  	_ =	shalt  }
0x66: {  	_ =	shalt  }
0x67: {  	_ =	shalt  }
0x68: {  	_ =	shalt  }
0x69: {  	_ =	shalt  }
0x6a: {  	_ =	shalt  }
0x6b: {  	_ =	shalt  }
0x6c: {  	_ =	shalt  }
0x6d: {  	_ =	shalt  }
0x6e: {  	_ =	shalt  }
0x6f: {  	_ =	shalt  }
0x70: {  	_ =	shalt  }
0x71: {  	_ =	shalt  }
0x72: {  	_ =	shalt  }
0x73: {  	_ =	shalt  }
0x74: {  	_ =	shalt  }
0x75: {  	_ =	shalt  }
0x76: {  	_ =	shalt  }
0x77: {  	_ =	shalt  }
0x78: {  	_ =	shalt  }
0x79: {  	_ =	shalt  }
0x7a: {  	_ =	shalt  }
0x7b: {  	_ =	shalt  }
0x7c: {  	_ =	shalt  }
0x7d: {  	_ =	shalt  }
0x7e: {  	_ =	shalt  }
0x7f: {  	_ =	shalt  }
0x80: {  	_ =	shalt  }
0x81: {  	_ =	shalt  }
0x82: {  	_ =	shalt  }
0x83: {  	_ =	shalt  }
0x84: {  	_ =	shalt  }
0x85: {  	_ =	shalt  }
0x86: {  	_ =	shalt  }
0x87: {  	_ =	shalt  }
.Lfunc_end0:
.L_simem_size_0:
called_computation.1_lowered:
.L_overlay_start_0:
0x88: {  	s2 =	sld [smem:$0x3FD9]  }
0x89: {  	s3 =	sld [smem:$0x3FFE];
	_ =	sdelay $0x1  }
0x8a: {  	s1 =	srdreg.scid  }
0x8b: {  	s0 =	sand.u32 $0x1, s1  }
0x8c: {  	s17 =	sshll.u32 s0, $0xA;
	s2 =	sadd.s32 s3, s2  }
0x8d: {  	s2 =	sadd.s32 s2, s17  }
0x8e: {  	[smem:$0x3FC0] =	sst s2  }
0x8f: {  	_ = 	snop  }
0x90: {  	(tm) =	ssettm $0x1  }
0x91: {  	s18 =	sld [smem:$0x3FFB];
	_ =	sdelay $0x3  }
0x92: {  	_ =	strace s18  }
0x93: {  	s2 =	sld [smem:$0x3FFC];
	_ =	sdelay $0x3  }
0x94: {  	_ =	strace s2  }
0x95: {  	s2 =	sld [smem:$0x3FFD];
	_ =	sdelay $0x3  }
0x96: {  	_ =	strace s2  }
0x97: {  	_ =	strace $0x8FFFFFFF  }
0x98: {  	s19 =	sld [smem:$0x3FDB];
	_ =	sdelay $0x1  }
0x99: {  	s20 =	simm.s32 $_scs_section_size  }
0x9a: {  	s4 =	simm.s32 $_size__tile_overlayer_lowered;
	s5 =	simm.s32 $_tile_overlayer_lowered  }
0x9b: {  	s6 =	simm.s32 $0x1BFF;
	s21 =	sshll.u32 s5, $0x1;
	s3 =	sadd.s32 s20, s19  }
0x9c: {  	s22 =	simm.s32 $0x0;
	s4 =	sshll.u32 s4, $0x1;
	s5 =	sadd.s32 s21, s3  }
0x9d: {  	[timem:s22], [sflag:s6] =	dma.local [hbm:s5], s4  }
0x9e: {  	_ =	swait.ge [sflag:s6], s4  }
0x9f: {  	s4 =	ssub.s32 $0x0, s4;
	[sflag:s6] =	ssyncset.done $0x0  }
0xa0: {  	[sflag:s6] =	ssyncadd.s32 s4;
	_ =	sdelay $0x1  }
0xa1: {  	s23 =	simm.s32 $0x1B8B  }
0xa2: {  	_ =	swait.ge [sflag:s23], $0x1  }
0xa3: {  	[sflag:s23] =	ssyncset.done $0x0  }
0xa4: {  	[sflag:s23] =	ssyncadd.s32 $0xFFFFFFFF  }
0xa5: {  	s4 =	sld [smem:$0x0]  }
0xa6: {  	s5 =	sand.u32 $0xFFFFFFFE, s1  }
0xa7: {  	p0 =	sne.s32 s1, s5  }
0xa8: {  	s5 =	sshll.u32 @p0 s5, $0xE  }
0xa9: {  	s5 =	sadd.s32 @p0 $0x11B8D, s5;
	s6 =	sshll.u32 @p0 s4, $0x11  }
0xaa: {  	s5 =	sor.u32 @p0 s6, s5  }
0xab: {  	[sflag:s5] =	ssyncadd.remote.s32 @p0 $0x1;
	_ =	sdelay $0x1  }
0xac: {  	s5 =	simm.s32 @p0 $0x1B8D  }
0xad: {  	_ =	swait.eq @p0 [sflag:s5], $0x1  }
0xae: {  	[sflag:s5] =	ssyncadd.s32 @p0 $0xFFFFFFFF  }
0xaf: {  	s6 =	sshll.u32 @!p0 s1, $0xE  }
0xb0: {  	s6 =	sor.u32 @!p0 $0x4000, s6;
	s5 =	simm.s32 @!p0 $0x1B8D  }
0xb1: {  	s4 =	sshll.u32 @!p0 s4, $0x11;
	s6 =	sadd.s32 @!p0 $0x11B8D, s6;
	_ =	swait.eq @!p0 [sflag:s5], $0x1  }
0xb2: {  	s4 =	sor.u32 @!p0 s4, s6;
	[sflag:s5] =	ssyncadd.s32 @!p0 $0xFFFFFFFF  }
0xb3: {  	s25 =	simm.s32 $0x1B8E;
	s24 =	sld [smem:$0x3FFE];
	[sflag:s4] =	ssyncadd.remote.s32 @!p0 $0x1  }
0xb4: {  	s26 =	simm.s32 $execute0_lowered;
	[smem:$0x3FD2] =	sst s25  }
0xb5: {  	s5 =	sshll.u32 s26, $0x1;
	_ =	strace $0x80000049;
	[dreg:$0x1] =	wrdreg $0xFFFFFFFF  }
0xb6: {  	s28 =	simm.s32 $_size_execute0_lowered;
	s3 =	sadd.s32 s3, s5;
	[dreg:$0x0] =	wrdreg $0x0  }
0xb7: {  	s5 =	sshll.u32 s28, $0x1;
	[dreg:$0x2] =	wrdreg s3  }
0xb8: {  	[dreg:$0x3] =	wrdreg s5  }
0xb9: {  	[dreg:$0x4] =	wrdreg $0xC0  }
0xba: {  	_ =	task [dreg:s22], $0x5FFFF  }
0xbb: {  	[dreg:$0x1] =	wrdreg $0xFFFFFFFF  }
0xbc: {  	[dreg:$0x0] =	wrdreg $0x60  }
0xbd: {  	[dreg:$0x2] =	wrdreg s24  }
0xbe: {  	[dreg:$0x3] =	wrdreg $0x14800  }
0xbf: {  	[dreg:$0x4] =	wrdreg $0xA  }
0xc0: {  	_ =	task.clear_ibuf [dreg:s22], $0x5FFFF;
	_ =	strace $0x90000049  }
0xc1: {  	s29 =	simm.s32 $0xA;
	_ =	strace $0x8000004B  }
0xc2: {  	_ =	swait.ge [sflag:s29], $0x1  }
0xc3: {  	[sflag:s29] =	ssyncadd.s32 $0xFFFFFFFF  }
0xc4: {  	_ =	strace $0x9000004B  }
0xc5: {  	_ =	sfence  }
0xc6: {  	s30 =	sld [smem:$0x0];
	_ =	sdelay $0x2  }
0xc7: {  	s31 =	sshll.u32 s1, $0xD;
	s1 =	sshrl.u32 s1, $0x2  }
0xc8: {  	s4 =	sand.u32 $0x4000, s31;
	s1 =	sadd.s32 s1, s30  }
0xc9: {  	s0 =	sor.u32 s4, s0;
	s1 =	sshll.u32 s1, $0x11  }
0xca: {  	s0 =	sor.u32 s1, s0  }
0xcb: {  	s0 =	sadd.s32 $0x8F2B, s0  }
0xcc: {  	[sflag:s0] =	ssyncadd.remote.s32 $0x1  }
0xcd: {  	_ =	sfence.sel $0xFFFF  }
0xce: {  	[dreg:$0x0] =	wrdreg $0xFFFFFFFF;
	(pc) =	sbr.abs _section_cstart, $3  }
0xcf: {  	[dreg:$0x1] =	wrdreg $0xFFFFFFFF  }
0xd0: {  	_ =	task.clear_ibuf [dreg:s22], $0x2FFFF;
	_ =	strace $0x9FFFFFFF  }
0xd1: {  	(tm) =	ssettm $0x7FFFFFFF  }
tec
execute0_lowered:
.L_overlay_start_1:
0x0: {  	(tag) =	ssettag $0x1  }
0x1: {  	s6 =	rddreg [dreg:$0x0]  }
0x2: {  	s0 =	srdreg.scid;
	s2 =	rddreg [dreg:$0x1]  }
0x3: {  	s1 =	rddreg [dreg:$0x2];
	s4 =	sand.u32 $0x1, s0  }
0x4: {  	s0 =	stileid.u32;
	s5 =	smul.u32 $0x14000, s4  }
0x5: {  	s3 =	simm.s32 $0x0;
	s11 =	simm.s32 $0x80;
	s7 =	smul.u32 $0x1400, s0  }
0x6: {  	s12 =	simm.s32 $0x1400;
	[smem:$0x7FF] =	sst s3;
	s8 =	smul.u32 $0x280, s0  }
0x7: {  	s13 =	simm.s32 $0x0;
	s9 =	smul.u32 $0x2800, s4;
	_ =	strace $0x8000004A  }
0x8: {  	s29 =	ssub.s32 $0x2, s4;
	s4 =	sadd.s32 $0x28400, s6;
	s31 =	sshll.u32 s0, $0x6  }
0x9: {  	s30 =	sshrl.u32 s29, $0x1;
	s5 =	sadd.s32 s7, s5;
	s28 =	sadd.s32 s8, s9  }
0xa: {  	s10 =	sadd.s32 s8, s2;
	s8 =	simm.s32 $0x1;
	s9 =	sor.u32 $0x1C01, s31  }
0xb: {  	s5 =	sshrl.u32 s5, $0x3;
	s7 =	sshrl.u32 s28, $0x3;
	s10 =	sshrl.u32 s10, $0x3  }
0xc: {  	s5 =	sadd.s32 s5, s6;
	s6 =	sadd.s32 s7, s6;
	s7 =	ssub.s32 s29, s30  }
0xd: {  	v0 =	vimm.f32 $1.000000000e+00;
	s5 =	sadd.s32 $0x23400, s5;
	s6 =	sadd.s32 $0x28600, s6;
	s7 =	smax.u32 s7, $0x1  }
.LBB2_1:
0xe: {  	[tilespmem:s3], [sflag:$0x1] =	stream.linear.gather [hbm4b:s5+s3], $0x1400, $0x38;
	[tilespmem:$0x1700] =	vst v63  }
0xf: {  	_ =	swait.ge [sflag:s8], $0x1400  }
0x10: {  	[sflag:s8] =	ssyncset.done $0x0  }
0x11: {  	[sflag:s8] =	ssyncadd.s32 $0xFFFFEC00  }
0x12: {  	[tilespmem:$0x1400] =	vst v0  }
0x13: {  	[tilespmem:$0x1410] =	vst v0  }
0x14: {  	[tilespmem:$0x1420] =	vst v0  }
0x15: {  	[tilespmem:$0x1430] =	vst v0  }
0x16: {  	[tilespmem:$0x1440] =	vst v0  }
0x17: {  	[tilespmem:$0x1450] =	vst v0  }
0x18: {  	[tilespmem:$0x1460] =	vst v0  }
0x19: {  	[tilespmem:$0x1470] =	vst v0  }
0x1a: {  	[spmem:s10], [sflag:s9] =	dma.local [hbm:s4], $0x50  }
0x1b: {  	_ =	swait.ge [sflag:s8], $0x50  }
0x1c: {  	[sflag:s8] =	ssyncset.done $0x0  }
0x1d: {  	[sflag:s8] =	ssyncadd.s32 $0xFFFFFFB0  }
0x1e: {  	s14 =	simm.s32 $0x0;
	[bflag:$0x0] =	sbarrier.arrive $0xFFFF  }
0x1f: {  	[spmem:s2] =	stream.indirect.scatter.add.f32 [tilespmem:s12], [sflag:$0x1], $0x1, s14, s11, $0xb8;
	[tilespmem:$0x1700] =	vst v63  }
0x20: {  	_ =	swait.ge [sflag:s8], $0x80  }
0x21: {  	s14 =	simm.s32 $0x200;
	[sflag:s8] =	ssyncset.done $0x0  }
.LBB2_2:
0x22: {  	s15 =	sshra.s32 s14, $0x2;
	[sflag:s8] =	ssyncadd.s32 $0xFFFFFF80;
	p0 =	sne.s32 s14, $0x4E00  }
0x23: {  	[spmem:s2] =	stream.indirect.scatter.add.f32 [tilespmem:s12], [sflag:$0x1], $0x1, s15, s11, $0xb8;
	[tilespmem:$0x1700] =	vst v63  }
.Ltmp0:
0x24: {  	_ = 	snop;
	(pc) =	sbr.rel @p0 .LBB2_2-.Ltmp0, $4  }
0x25: {  	_ = 	snop  }
0x26: {  	s14 =	sadd.s32 $0x200, s14  }
0x27: {  	_ =	swait.ge [sflag:s8], $0x80  }
0x28: {  	[sflag:s8] =	ssyncset.done $0x0  }
0x29: {  	s13 =	sadd.s32 $0x1, s13  }
0x2a: {  	[sflag:s8] =	ssyncadd.s32 $0xFFFFFF80;
	p0 =	sne.s32 s13, s7  }
.Ltmp1:
0x2b: {  	[bflag:$0x0] =	sbarrier.arrive $0xFFFF;
	(pc) =	sbr.rel @p0 .LBB2_1-.Ltmp1, $4  }
0x2c: {  	[hbm:s6], [sflag:s9] =	dma.local [spmem:s10], $0x50  }
0x2d: {  	_ =	swait.ge [sflag:s8], $0x50  }
0x2e: {  	[sflag:s8] =	ssyncset.done $0x0  }
0x2f: {  	[sflag:s8] =	ssyncadd.s32 $0xFFFFFFB0  }
0x30: {  	_ =	sfence.sel $0x180000  }
0x31: {  	[bflag:$0x0] =	sbarrier.arrive $0xFFFF  }
0x32: {  	p0 =	sne.s32 s0, $0x0;
	_ =	strace $0x9000004A  }
0x33: {  	s0 =	sadd.s32 @!p0 $0x100000, s1;
	[bflag:$0x2] =	sbarrier.arrive $0xFFFF  }
0x34: {  	[sflag:s0] =	ssyncadd.tile.s32 @!p0 $0x1;
	_ =	shalt  }
.Lfunc_end2:
_tile_overlayer_lowered:
.L_overlay_start_2:
0x35: {  	(tag) =	ssettag $0x2  }
0x36: {  	s0 =	rddreg [dreg:$0x0];
	s2 =	stileid.u32  }
0x37: {  	s1 =	rddreg [dreg:$0x1];
	p0 =	sne.s32 s2, $0x0  }
0x38: {  	s3 =	rddreg [dreg:$0x2];
	[bflag:$0x3] =	sbarrier.arrive $0xFFFF;
	s2 =	simm.s32 @!p0 $0x1C01  }
0x39: {  	[timem:s3], [sflag:s2] =	dma.local @!p0 [hbm:s0], s1  }
0x3a: {  	s0 =	simm.s32 @!p0 $0x1  }
0x3b: {  	_ =	swait.ge @!p0 [sflag:s0], s1  }
0x3c: {  	s1 =	ssub.s32 @!p0 $0x0, s1;
	[sflag:s0] =	ssyncset.done @!p0 $0x0  }
0x3d: {  	[sflag:s0] =	ssyncadd.s32 @!p0 s1  }
0x3e: {  	[bflag:$0x3] =	sbarrier.arrive $0xFFFF  }
0x3f: {  	_ =	shalt  }

// kernel: kernel.15.cloned.1.call-start
scs
__scs_entry_jumppad:
0x0: {  	(pc) =	sbr.rel $0x88, $3  }
0x1: {  	(tag) =	ssettag $0x0;
	lr =	simm.s32 $0x1  }
0x2: {  	[smem:$0x3F99] =	sst lr;
	_ =	strace $0xD0000000  }
0x3: {  	_ = 	snop  }
0x4: {  	_ = 	snop  }
0x5: {  	_ = 	snop  }
0x6: {  	_ = 	snop  }
0x7: {  	_ = 	snop  }
__scs_overlays_trampoline_lowered:
0x8: {  	[smem:$0x3FA8] =	sst s0  }
0x9: {  	[smem:$0x3FA9] =	sst s1  }
0xa: {  	[smem:$0x3FAA] =	sst s2  }
0xb: {  	[smem:$0x3FAB] =	sst s3  }
0xc: {  	[smem:$0x3FAC] =	sst s4  }
0xd: {  	[smem:$0x3FAD] =	sst s5  }
0xe: {  	[smem:$0x3FAE] =	sst s6  }
0xf: {  	[smem:$0x3FAF] =	sst s7  }
0x10: {  	[smem:$0x3FB0] =	sst s8  }
0x11: {  	[smem:$0x3FB1] =	sst s9;
	s0 =	simm.s32 @!p0 $0x0  }
0x12: {  	s1 =	sld [smem:$0x3F97];
	s0 =	simm.s32 @p0 $0x1  }
0x13: {  	[smem:$0x3FB2] =	sst s0;
	s0 =	simm.s32 @!p1 $0x0  }
0x14: {  	s2 =	sld [smem:$0x3F96];
	s0 =	simm.s32 @p1 $0x1  }
0x15: {  	[smem:$0x3FB3] =	sst s0;
	s0 =	simm.s32 @!p2 $0x0  }
0x16: {  	s3 =	sld [smem:$0x3FDB];
	s0 =	simm.s32 @p2 $0x1  }
0x17: {  	s4 =	simm.s32 $0x1BF5;
	[smem:$0x3FB5] =	sst s0  }
0x18: {  	s0 =	sld [smem:$0x3F98];
	_ =	swait.ge [sflag:s4], $0x0  }
0x19: {  	s7 =	sld [smem:$0x3F99]  }
0x1a: {  	s8 =	sadd.s32 $0xFFFFE003, lr  }
0x1b: {  	s9 =	sadd.s32 $0xFFFFFEF7, lr;
	s5 =	simm.s32 $0xFFFFFFFF;
	p2 =	slt.u32 s8, $0xFFFFF086  }
0x1c: {  	p1 =	slt.u32 s9, $0xF7A;
	s5 =	simm.s32 @!p2 $0x0  }
0x1d: {  	s5 =	simm.s32 @p1 $0x1;
	p0 =	seq.s32 s7, s2  }
0x1e: {  	s7 =	smul.u32 @!p0 $0xF7A, s2;
	p2 =	seq.s32 @!p0 s5, $0x0  }
0x1f: {  	s9 =	smul.u32 $0xF7A, s1;
	s8 =	simm.s32 @!p0 $0x1BF5;
	p2 =	por !p2, p0  }
0x20: {  	[sflag:s8] =	ssyncset.s32 @!p0 $0xFFFFF086;
	s6 =	sadd.s32 @!p0 s3, s7;
	s7 =	simm.s32 @!p0 $0x108  }
0x21: {  	s3 =	sadd.s32 s3, s9;
	s6 =	sadd.s32 @!p0 $0x88, s6;
	s7 =	simm.s32 @p2 $0x1082  }
0x22: {  	[simem:s7], [sflag:s8] =	dma.local @!p0 [hbm:s6], $0xF7A  }
0x23: {  	s9 =	sor.u32 $0xD0000000, s2;
	s6 =	simm.s32 $0x108;
	_ =	swait.ge @!p0 [sflag:s8], $0x0  }
0x24: {  	s3 =	sadd.s32 $0x88, s3;
	s6 =	simm.s32 @!p1 $0x1082;
	[sflag:s4] =	ssyncset.s32 $0xFFFFF086  }
0x25: {  	[simem:s6], [sflag:s4] =	dma.local [hbm:s3], $0xF7A  }
0x26: {  	[smem:$0x3F99] =	sst s1;
	(tag) =	ssettag s2;
	_ =	strace s9  }
0x27: {  	s1 =	sld [smem:$0x3FA9]  }
0x28: {  	s2 =	sld [smem:$0x3FAA]  }
0x29: {  	s4 =	sld [smem:$0x3FAC]  }
0x2a: {  	p0 =	seq.s32 s5, $0x0;
	s5 =	sld [smem:$0x3FAD]  }
0x2b: {  	s6 =	sld [smem:$0x3FAE]  }
0x2c: {  	s7 =	sld [smem:$0x3FAF]  }
0x2d: {  	s3 =	simm.s32 $0x108;
	s8 =	sld [smem:$0x3FB0]  }
0x2e: {  	s3 =	simm.s32 @!p0 $0x1082;
	s9 =	sld [smem:$0x3FB1]  }
0x2f: {  	lr =	sadd.s32 s0, s3;
	s0 =	sld [smem:$0x3FA8]  }
0x30: {  	s3 =	sld [smem:$0x3FAB]  }
0x31: {  	[smem:$0x3FB4] =	sst s10  }
0x32: {  	s10 =	sld [smem:$0x3FB2];
	_ =	sdelay $0x3  }
0x33: {  	p0 =	seq.s32 s10, $0x1;
	s10 =	sld [smem:$0x3FB4];
	_ =	sdelay $0x3  }
0x34: {  	[smem:$0x3FB4] =	sst s10  }
0x35: {  	s10 =	sld [smem:$0x3FB3];
	_ =	sdelay $0x3  }
0x36: {  	p1 =	seq.s32 s10, $0x1;
	s10 =	sld [smem:$0x3FB4];
	_ =	sdelay $0x3  }
0x37: {  	[smem:$0x3FB4] =	sst s10  }
0x38: {  	s10 =	sld [smem:$0x3FB5]  }
0x39: {  	_ = 	snop;
	(pc) =	sbr.ind lr, $3  }
0x3a: {  	_ = 	snop  }
0x3b: {  	_ = 	snop  }
0x3c: {  	p2 =	seq.s32 s10, $0x1;
	s10 =	sld [smem:$0x3FB4]  }
0x3d: {  	_ =	shalt  }
0x3e: {  	_ =	shalt  }
0x3f: {  	_ =	shalt  }
0x40: {  	_ =	shalt  }
0x41: {  	_ =	shalt  }
0x42: {  	_ =	shalt  }
0x43: {  	_ =	shalt  }
0x44: {  	_ =	shalt  }
0x45: {  	_ =	shalt  }
0x46: {  	_ =	shalt  }
0x47: {  	_ =	shalt  }
0x48: {  	_ =	shalt  }
0x49: {  	_ =	shalt  }
0x4a: {  	_ =	shalt  }
0x4b: {  	_ =	shalt  }
0x4c: {  	_ =	shalt  }
0x4d: {  	_ =	shalt  }
0x4e: {  	_ =	shalt  }
0x4f: {  	_ =	shalt  }
0x50: {  	_ =	shalt  }
0x51: {  	_ =	shalt  }
0x52: {  	_ =	shalt  }
0x53: {  	_ =	shalt  }
0x54: {  	_ =	shalt  }
0x55: {  	_ =	shalt  }
0x56: {  	_ =	shalt  }
0x57: {  	_ =	shalt  }
0x58: {  	_ =	shalt  }
0x59: {  	_ =	shalt  }
0x5a: {  	_ =	shalt  }
0x5b: {  	_ =	shalt  }
0x5c: {  	_ =	shalt  }
0x5d: {  	_ =	shalt  }
0x5e: {  	_ =	shalt  }
0x5f: {  	_ =	shalt  }
0x60: {  	_ =	shalt  }
0x61: {  	_ =	shalt  }
0x62: {  	_ =	shalt  }
0x63: {  	_ =	shalt  }
0x64: {  	_ =	shalt  }
0x65: {  	_ =	shalt  }
0x66: {  	_ =	shalt  }
0x67: {  	_ =	shalt  }
0x68: {  	_ =	shalt  }
0x69: {  	_ =	shalt  }
0x6a: {  	_ =	shalt  }
0x6b: {  	_ =	shalt  }
0x6c: {  	_ =	shalt  }
0x6d: {  	_ =	shalt  }
0x6e: {  	_ =	shalt  }
0x6f: {  	_ =	shalt  }
0x70: {  	_ =	shalt  }
0x71: {  	_ =	shalt  }
0x72: {  	_ =	shalt  }
0x73: {  	_ =	shalt  }
0x74: {  	_ =	shalt  }
0x75: {  	_ =	shalt  }
0x76: {  	_ =	shalt  }
0x77: {  	_ =	shalt  }
0x78: {  	_ =	shalt  }
0x79: {  	_ =	shalt  }
0x7a: {  	_ =	shalt  }
0x7b: {  	_ =	shalt  }
0x7c: {  	_ =	shalt  }
0x7d: {  	_ =	shalt  }
0x7e: {  	_ =	shalt  }
0x7f: {  	_ =	shalt  }
0x80: {  	_ =	shalt  }
0x81: {  	_ =	shalt  }
0x82: {  	_ =	shalt  }
0x83: {  	_ =	shalt  }
0x84: {  	_ =	shalt  }
0x85: {  	_ =	shalt  }
0x86: {  	_ =	shalt  }
0x87: {  	_ =	shalt  }
.Lfunc_end0:
.L_simem_size_0:
called_computation.2_lowered:
.L_overlay_start_0:
0x88: {  	s2 =	sld [smem:$0x3FD9]  }
0x89: {  	s3 =	sld [smem:$0x3FFE];
	_ =	sdelay $0x1  }
0x8a: {  	s1 =	srdreg.scid  }
0x8b: {  	s0 =	sand.u32 $0x1, s1  }
0x8c: {  	s17 =	sshll.u32 s0, $0xA;
	s2 =	sadd.s32 s3, s2  }
0x8d: {  	s2 =	sadd.s32 s2, s17  }
0x8e: {  	[smem:$0x3FC0] =	sst s2  }
0x8f: {  	_ = 	snop  }
0x90: {  	s2 =	sld [smem:$0x3FD0];
	(tm) =	ssettm $0x1  }
0x91: {  	s18 =	sld [smem:$0x3FFB];
	_ =	sdelay $0x3  }
0x92: {  	_ =	strace s18  }
0x93: {  	s3 =	sld [smem:$0x3FFC];
	_ =	sdelay $0x3  }
0x94: {  	_ =	strace s3  }
0x95: {  	s3 =	sld [smem:$0x3FFD];
	_ =	sdelay $0x3  }
0x96: {  	_ =	strace s3  }
0x97: {  	_ =	strace $0x8FFFFFFF  }
0x98: {  	s19 =	sld [smem:$0x3FDB];
	_ =	sdelay $0x1  }
0x99: {  	s4 =	simm.s32 $_scs_section_size  }
0x9a: {  	s5 =	simm.s32 $_size__tile_overlayer_lowered;
	s6 =	simm.s32 $_tile_overlayer_lowered  }
0x9b: {  	s22 =	simm.s32 $0x1BFF;
	s21 =	sshll.u32 s6, $0x1;
	s3 =	sadd.s32 s4, s19  }
0x9c: {  	s7 =	simm.s32 $0x0;
	s20 =	sshll.u32 s5, $0x1;
	s5 =	sadd.s32 s21, s3  }
0x9d: {  	[timem:s7], [sflag:s22] =	dma.local [hbm:s5], s20  }
0x9e: {  	_ =	swait.ge [sflag:s22], s20  }
0x9f: {  	s4 =	ssub.s32 $0x0, s20;
	[sflag:s22] =	ssyncset.done $0x0  }
0xa0: {  	[sflag:s22] =	ssyncadd.s32 s4;
	_ =	sdelay $0x1  }
0xa1: {  	s23 =	simm.s32 $0x1B8B  }
0xa2: {  	_ =	swait.ge [sflag:s23], $0x1  }
0xa3: {  	[sflag:s23] =	ssyncset.done $0x0  }
0xa4: {  	s25 =	simm.s32 $0x1B8E;
	s24 =	sld [smem:$0x3FFE];
	[sflag:s23] =	ssyncadd.s32 $0xFFFFFFFF  }
0xa5: {  	s26 =	simm.s32 $execute0_lowered;
	[smem:$0x3FD2] =	sst s25  }
0xa6: {  	s5 =	sshll.u32 s26, $0x1;
	_ =	strace $0x8000004C;
	[dreg:$0x1] =	wrdreg $0xFFFFFFFF  }
0xa7: {  	s28 =	simm.s32 $_size_execute0_lowered;
	s3 =	sadd.s32 s3, s5;
	[dreg:$0x0] =	wrdreg $0x0  }
0xa8: {  	s5 =	sshll.u32 s28, $0x1;
	[dreg:$0x2] =	wrdreg s3  }
0xa9: {  	[dreg:$0x3] =	wrdreg s5  }
0xaa: {  	[dreg:$0x4] =	wrdreg $0xC0  }
0xab: {  	_ =	task [dreg:s7], $0x5FFFF  }
0xac: {  	[dreg:$0x1] =	wrdreg $0xFFFFFFFF  }
0xad: {  	[dreg:$0x0] =	wrdreg $0x60  }
0xae: {  	[dreg:$0x2] =	wrdreg s24  }
0xaf: {  	[dreg:$0x3] =	wrdreg s2  }
0xb0: {  	[dreg:$0x4] =	wrdreg $0xB0000  }
0xb1: {  	[dreg:$0x5] =	wrdreg $0x9  }
0xb2: {  	_ =	task.clear_ibuf [dreg:s7], $0x6FFFF;
	_ =	strace $0x9000004C  }
0xb3: {  	s29 =	simm.s32 $0x9;
	_ =	strace $0x8000004E  }
0xb4: {  	_ =	swait.ge [sflag:s29], $0x1  }
0xb5: {  	[sflag:s29] =	ssyncadd.s32 $0xFFFFFFFF  }
0xb6: {  	_ =	strace $0x9000004E  }
0xb7: {  	_ =	sfence  }
0xb8: {  	s30 =	sld [smem:$0x0];
	_ =	sdelay $0x2  }
0xb9: {  	s31 =	sshll.u32 s1, $0xD;
	s1 =	sshrl.u32 s1, $0x2  }
0xba: {  	s3 =	sand.u32 $0x4000, s31;
	s1 =	sadd.s32 s1, s30  }
0xbb: {  	s0 =	sor.u32 s3, s0;
	s1 =	sshll.u32 s1, $0x11  }
0xbc: {  	s0 =	sor.u32 s1, s0  }
0xbd: {  	s0 =	sadd.s32 $0x8F2B, s0  }
0xbe: {  	[sflag:s0] =	ssyncadd.remote.s32 $0x1  }
0xbf: {  	_ =	sfence.sel $0xFFFF  }
0xc0: {  	[dreg:$0x0] =	wrdreg $0xFFFFFFFF;
	(pc) =	sbr.abs _section_cstart, $3  }
0xc1: {  	[dreg:$0x1] =	wrdreg $0xFFFFFFFF  }
0xc2: {  	_ =	task.clear_ibuf [dreg:s7], $0x2FFFF;
	_ =	strace $0x9FFFFFFF  }
0xc3: {  	(tm) =	ssettm $0x7FFFFFFF  }
tec
execute0_lowered:
.L_overlay_start_1:
0x0: {  	(tag) =	ssettag $0x1  }
0x1: {  	s6 =	rddreg [dreg:$0x0]  }
0x2: {  	s10 =	rddreg [dreg:$0x1]  }
0x3: {  	s1 =	srdreg.scid;
	s0 =	stileid.u32  }
0x4: {  	s2 =	rddreg [dreg:$0x2];
	s3 =	simm.s32 $0x0;
	s18 =	simm.s32 $0x80  }
0x5: {  	s19 =	simm.s32 $0x3000;
	s20 =	simm.s32 $0x7000;
	s21 =	simm.s32 $0x1  }
0x6: {  	s22 =	simm.s32 $0x2;
	s23 =	simm.s32 $0x1580;
	s4 =	smul.u32 $0x140, s0  }
0x7: {  	s24 =	simm.s32 $0x2D00;
	s25 =	simm.s32 $0x2D80;
	s11 =	smul.u32 $0x3000, s0  }
0x8: {  	s7 =	sand.u32 $0x1, s1;
	[smem:$0x7FF] =	sst s3;
	s29 =	smul.u32 $0x28800, s0  }
0x9: {  	s12 =	sadd.s32 $0x2800, s6;
	s14 =	smul.u32 $0x28000, s0;
	s16 =	sshll.u32 s0, $0x6  }
0xa: {  	s5 =	smul.u32 $0x2800, s7;
	_ =	strace $0x8000004D;
	s26 =	ssub.s32 $0x2, s7  }
0xb: {  	s8 =	smul.u32 $0x30000, s7;
	s16 =	sor.u32 $0x1C03, s16;
	s30 =	sshrl.u32 s26, $0x1  }
0xc: {  	s31 =	sshrl.u32 s14, $0x2;
	s14 =	simm.s32 $0x3;
	s5 =	sadd.s32 s4, s5  }
0xd: {  	s4 =	sadd.s32 $0xE800, s6;
	s28 =	sadd.s32 s11, s8;
	s15 =	ssub.s32 s26, s30  }
0xe: {  	s8 =	sshrl.u32 s29, $0x2;
	s26 =	simm.s32 $0x0;
	s9 =	sshll.u32 s5, $0x4  }
0xf: {  	s5 =	sadd.s32 $0x5E800, s6;
	s11 =	sshrl.u32 s28, $0x3;
	s17 =	sadd.s32 s8, s2  }
0x10: {  	s8 =	sadd.s32 s31, s2;
	s13 =	sadd.s32 s9, s6;
	s6 =	sadd.s32 s10, s11  }
0x11: {  	s7 =	sadd.s32 s12, s11;
	s11 =	sadd.s32 $0x300, s11;
	s17 =	sshrl.u32 s17, $0x3  }
0x12: {  	s9 =	sadd.s32 $0x5FE00, s13;
	s10 =	sadd.s32 s10, s11;
	s11 =	sadd.s32 s12, s11  }
0x13: {  	s12 =	sadd.s32 $0x73E00, s13;
	s13 =	smax.u32 s15, $0x1;
	s15 =	simm.s32 $0x1800  }
.LBB2_1:
0x14: {  	[tilespmem:s3], [sflag:$0x3] =	stream.linear.gather [hbm4b:s6+s3], $0x1600, $0x38;
	[tilespmem:$0x15200] =	vst v63  }
0x15: {  	_ =	swait.ge [sflag:s14], $0x1600  }
0x16: {  	[sflag:s14] =	ssyncset.done $0x0  }
0x17: {  	[sflag:s14] =	ssyncadd.s32 $0xFFFFEA00  }
0x18: {  	[tilespmem:s15], [sflag:$0x3] =	stream.linear.gather [hbm4b:s7+s3], $0x1600, $0x38;
	[tilespmem:$0x15200] =	vst v63  }
0x19: {  	_ =	swait.ge [sflag:s14], $0x1600  }
0x1a: {  	[sflag:s14] =	ssyncset.done $0x0  }
0x1b: {  	[sflag:s14] =	ssyncadd.s32 $0xFFFFEA00  }
0x1c: {  	[spmem:s17], [sflag:s16] =	dma.local [hbm:s5], $0x1440  }
0x1d: {  	_ =	swait.ge [sflag:s14], $0x1440  }
0x1e: {  	[sflag:s14] =	ssyncset.done $0x0  }
0x1f: {  	[sflag:s14] =	ssyncadd.s32 $0xFFFFEBC0  }
0x20: {  	[bflag:$0x0] =	sbarrier.arrive $0xFFFF  }
0x21: {  	[tilespmem:s19], [sflag:$0x1] =	stream.indirect.gather [hbm4b:s4+s18], $0x80, s3, s18, $0xb8;
	[tilespmem:$0x15200] =	vst v63  }
0x22: {  	s28 =	simm.s32 $0x80  }
0x23: {  	[tilespmem:s20], [sflag:$0x2] =	stream.indirect.gather [hbm4b:s4+s18], $0x80, s28, s18, $0xb8;
	[tilespmem:$0x15200] =	vst v63  }
0x24: {  	_ =	swait.ge [sflag:s21], $0x4000  }
0x25: {  	[sflag:s21] =	ssyncset.done $0x0  }
0x26: {  	s28 =	simm.s32 $0x1800;
	[sflag:s21] =	ssyncadd.s32 $0xFFFFC000  }
0x27: {  	[spmem:s2] =	stream.indirect.scatter.add.f32 [tilespmem:s19], [sflag:$0x3], $0x80, s28, s18, $0xb8;
	[tilespmem:$0x15200] =	vst v63  }
0x28: {  	_ =	swait.ge [sflag:s14], $0x4000  }
0x29: {  	[sflag:s14] =	ssyncset.done $0x0  }
0x2a: {  	s28 =	simm.s32 $0x100;
	[sflag:s14] =	ssyncadd.s32 $0xFFFFC000  }
0x2b: {  	[tilespmem:s19], [sflag:$0x1] =	stream.indirect.gather [hbm4b:s4+s18], $0x80, s28, s18, $0xb8;
	[tilespmem:$0x15200] =	vst v63  }
0x2c: {  	_ =	swait.ge [sflag:s22], $0x4000  }
0x2d: {  	[sflag:s22] =	ssyncset.done $0x0  }
0x2e: {  	s28 =	simm.s32 $0x1880;
	[sflag:s22] =	ssyncadd.s32 $0xFFFFC000  }
0x2f: {  	[spmem:s2] =	stream.indirect.scatter.add.f32 [tilespmem:s20], [sflag:$0x3], $0x80, s28, s18, $0xb8;
	[tilespmem:$0x15200] =	vst v63  }
0x30: {  	_ =	swait.ge [sflag:s14], $0x4000  }
0x31: {  	s29 =	simm.s32 $0x800;
	s28 =	simm.s32 $0x100;
	[sflag:s14] =	ssyncset.done $0x0  }
.LBB2_2:
0x32: {  	s30 =	sadd.s32 $0x80, s28  }
0x33: {  	[sflag:s14] =	ssyncadd.s32 $0xFFFFC000;
	s31 =	smov.u32 s29;
	s1 =	sadd.s32 $0x400, s29  }
0x34: {  	[tilespmem:s20], [sflag:$0x2] =	stream.indirect.gather [hbm4b:s4+s18], $0x80, s30, s18, $0xb8;
	[tilespmem:$0x15200] =	vst v63  }
0x35: {  	p0 =	sne.s32 s29, $0x5000;
	_ =	swait.ge [sflag:s21], $0x4000  }
0x36: {  	[sflag:s21] =	ssyncset.done $0x0  }
0x37: {  	s29 =	sadd.s32 $0x1800, s28;
	[sflag:s21] =	ssyncadd.s32 $0xFFFFC000  }
0x38: {  	[spmem:s2] =	stream.indirect.scatter.add.f32 [tilespmem:s19], [sflag:$0x3], $0x80, s29, s18, $0xb8;
	[tilespmem:$0x15200] =	vst v63  }
0x39: {  	_ =	swait.ge [sflag:s14], $0x4000  }
0x3a: {  	[sflag:s14] =	ssyncset.done $0x0  }
0x3b: {  	s29 =	sadd.s32 $0x100, s28;
	[sflag:s14] =	ssyncadd.s32 $0xFFFFC000  }
0x3c: {  	[tilespmem:s19], [sflag:$0x1] =	stream.indirect.gather [hbm4b:s4+s18], $0x80, s29, s18, $0xb8;
	[tilespmem:$0x15200] =	vst v63  }
0x3d: {  	_ =	swait.ge [sflag:s22], $0x4000  }
.Ltmp0:
0x3e: {  	[sflag:s22] =	ssyncset.done $0x0;
	(pc) =	sbr.rel @p0 .LBB2_2-.Ltmp0, $4  }
0x3f: {  	s28 =	sadd.s32 $0x1880, s28;
	[sflag:s22] =	ssyncadd.s32 $0xFFFFC000  }
0x40: {  	[spmem:s2] =	stream.indirect.scatter.add.f32 [tilespmem:s20], [sflag:$0x3], $0x80, s28, s18, $0xb8;
	[tilespmem:$0x15200] =	vst v63  }
0x41: {  	_ =	swait.ge [sflag:s14], $0x4000  }
0x42: {  	s29 =	smov.u32 s1;
	s28 =	sshra.s32 s31, $0x2;
	[sflag:s14] =	ssyncset.done $0x0  }
0x43: {  	s1 =	sadd.s32 $0x80, s28;
	[sflag:s14] =	ssyncadd.s32 $0xFFFFC000  }
0x44: {  	[tilespmem:s20], [sflag:$0x2] =	stream.indirect.gather [hbm4b:s4+s18], $0x80, s1, s18, $0xb8;
	[tilespmem:$0x15200] =	vst v63  }
0x45: {  	_ =	swait.ge [sflag:s21], $0x4000  }
0x46: {  	[sflag:s21] =	ssyncset.done $0x0  }
0x47: {  	s0 =	sadd.s32 $0x1800, s28;
	[sflag:s21] =	ssyncadd.s32 $0xFFFFC000  }
0x48: {  	[spmem:s2] =	stream.indirect.scatter.add.f32 [tilespmem:s19], [sflag:$0x3], $0x80, s0, s18, $0xb8;
	[tilespmem:$0x15200] =	vst v63  }
0x49: {  	_ =	swait.ge [sflag:s14], $0x4000  }
0x4a: {  	[sflag:s14] =	ssyncset.done $0x0  }
0x4b: {  	s31 =	sadd.s32 $0x100, s28;
	[sflag:s14] =	ssyncadd.s32 $0xFFFFC000  }
0x4c: {  	[tilespmem:s19], [sflag:$0x1] =	stream.indirect.gather [hbm4b:s4+s18], $0x80, s31, s18, $0xb8;
	[tilespmem:$0x15200] =	vst v63  }
0x4d: {  	_ =	swait.ge [sflag:s22], $0x4000  }
0x4e: {  	[sflag:s22] =	ssyncset.done $0x0  }
0x4f: {  	s0 =	sadd.s32 $0x1880, s28;
	[sflag:s22] =	ssyncadd.s32 $0xFFFFC000  }
0x50: {  	[spmem:s2] =	stream.indirect.scatter.add.f32 [tilespmem:s20], [sflag:$0x3], $0x80, s0, s18, $0xb8;
	[tilespmem:$0x15200] =	vst v63  }
0x51: {  	_ =	swait.ge [sflag:s14], $0x4000  }
0x52: {  	[sflag:s14] =	ssyncset.done $0x0  }
0x53: {  	[sflag:s14] =	ssyncadd.s32 $0xFFFFC000  }
0x54: {  	[tilespmem:s20], [sflag:$0x2] =	stream.indirect.gather [hbm4b:s4+s18], $0x80, s23, s18, $0xb8;
	[tilespmem:$0x15200] =	vst v63  }
0x55: {  	_ =	swait.ge [sflag:s21], $0x4000  }
0x56: {  	[sflag:s21] =	ssyncset.done $0x0  }
0x57: {  	[sflag:s21] =	ssyncadd.s32 $0xFFFFC000  }
0x58: {  	[spmem:s2] =	stream.indirect.scatter.add.f32 [tilespmem:s19], [sflag:$0x3], $0x80, s24, s18, $0xb8;
	[tilespmem:$0x15200] =	vst v63  }
0x59: {  	_ =	swait.ge [sflag:s14], $0x4000  }
0x5a: {  	[sflag:s14] =	ssyncset.done $0x0  }
0x5b: {  	[sflag:s14] =	ssyncadd.s32 $0xFFFFC000  }
0x5c: {  	_ =	swait.ge [sflag:s22], $0x4000  }
0x5d: {  	[sflag:s22] =	ssyncset.done $0x0  }
0x5e: {  	[sflag:s22] =	ssyncadd.s32 $0xFFFFC000  }
0x5f: {  	[spmem:s2] =	stream.indirect.scatter.add.f32 [tilespmem:s20], [sflag:$0x3], $0x80, s25, s18, $0xb8;
	[tilespmem:$0x15200] =	vst v63  }
0x60: {  	_ =	swait.ge [sflag:s14], $0x4000  }
0x61: {  	[sflag:s14] =	ssyncset.done $0x0  }
0x62: {  	[sflag:s14] =	ssyncadd.s32 $0xFFFFC000  }
0x63: {  	s28 =	sshrl.u32 s8, $0x3;
	[bflag:$0x0] =	sbarrier.arrive $0xFFFF  }
0x64: {  	[hbm:s9], [sflag:s16] =	dma.local [spmem:s28], $0x1400  }
0x65: {  	_ =	swait.ge [sflag:s14], $0x1400  }
0x66: {  	[sflag:s14] =	ssyncset.done $0x0  }
0x67: {  	[sflag:s14] =	ssyncadd.s32 $0xFFFFEC00  }
0x68: {  	s31 =	simm.s32 $0x0;
	[bflag:$0x0] =	sbarrier.arrive $0xFFFF  }
0x69: {  	[tilespmem:s31], [sflag:$0x3] =	stream.linear.gather [hbm4b:s10+s31], $0x1600, $0x38;
	[tilespmem:$0x15200] =	vst v63  }
0x6a: {  	_ =	swait.ge [sflag:s14], $0x1600  }
0x6b: {  	[sflag:s14] =	ssyncset.done $0x0  }
0x6c: {  	[sflag:s14] =	ssyncadd.s32 $0xFFFFEA00  }
0x6d: {  	[tilespmem:s15], [sflag:$0x3] =	stream.linear.gather [hbm4b:s11+s31], $0x1600, $0x38;
	[tilespmem:$0x15200] =	vst v63  }
0x6e: {  	_ =	swait.ge [sflag:s14], $0x1600  }
0x6f: {  	[sflag:s14] =	ssyncset.done $0x0  }
0x70: {  	[sflag:s14] =	ssyncadd.s32 $0xFFFFEA00  }
0x71: {  	[spmem:s17], [sflag:s16] =	dma.local [hbm:s5], $0x1440  }
0x72: {  	_ =	swait.ge [sflag:s14], $0x1440  }
0x73: {  	[sflag:s14] =	ssyncset.done $0x0  }
0x74: {  	[sflag:s14] =	ssyncadd.s32 $0xFFFFEBC0  }
0x75: {  	[bflag:$0x0] =	sbarrier.arrive $0xFFFF  }
0x76: {  	[tilespmem:s19], [sflag:$0x1] =	stream.indirect.gather [hbm4b:s4+s18], $0x80, s31, s18, $0xb8;
	[tilespmem:$0x15200] =	vst v63  }
0x77: {  	s0 =	simm.s32 $0x80  }
0x78: {  	[tilespmem:s20], [sflag:$0x2] =	stream.indirect.gather [hbm4b:s4+s18], $0x80, s0, s18, $0xb8;
	[tilespmem:$0x15200] =	vst v63  }
0x79: {  	_ =	swait.ge [sflag:s21], $0x4000  }
0x7a: {  	[sflag:s21] =	ssyncset.done $0x0  }
0x7b: {  	s31 =	simm.s32 $0x1800;
	[sflag:s21] =	ssyncadd.s32 $0xFFFFC000  }
0x7c: {  	[spmem:s2] =	stream.indirect.scatter.add.f32 [tilespmem:s19], [sflag:$0x3], $0x80, s31, s18, $0xb8;
	[tilespmem:$0x15200] =	vst v63  }
0x7d: {  	_ =	swait.ge [sflag:s14], $0x4000  }
0x7e: {  	[sflag:s14] =	ssyncset.done $0x0  }
0x7f: {  	s0 =	simm.s32 $0x100;
	[sflag:s14] =	ssyncadd.s32 $0xFFFFC000  }
0x80: {  	[tilespmem:s19], [sflag:$0x1] =	stream.indirect.gather [hbm4b:s4+s18], $0x80, s0, s18, $0xb8;
	[tilespmem:$0x15200] =	vst v63  }
0x81: {  	_ =	swait.ge [sflag:s22], $0x4000  }
0x82: {  	[sflag:s22] =	ssyncset.done $0x0  }
0x83: {  	s31 =	simm.s32 $0x1880;
	[sflag:s22] =	ssyncadd.s32 $0xFFFFC000  }
0x84: {  	[spmem:s2] =	stream.indirect.scatter.add.f32 [tilespmem:s20], [sflag:$0x3], $0x80, s31, s18, $0xb8;
	[tilespmem:$0x15200] =	vst v63  }
0x85: {  	_ =	swait.ge [sflag:s14], $0x4000  }
0x86: {  	s30 =	simm.s32 $0x800;
	s29 =	simm.s32 $0x100;
	[sflag:s14] =	ssyncset.done $0x0  }
.LBB2_4:
0x87: {  	s1 =	sadd.s32 $0x80, s29  }
0x88: {  	[sflag:s14] =	ssyncadd.s32 $0xFFFFC000;
	s31 =	smov.u32 s30;
	s0 =	sadd.s32 $0x400, s30  }
0x89: {  	[tilespmem:s20], [sflag:$0x2] =	stream.indirect.gather [hbm4b:s4+s18], $0x80, s1, s18, $0xb8;
	[tilespmem:$0x15200] =	vst v63  }
0x8a: {  	p0 =	sne.s32 s30, $0x5000;
	_ =	swait.ge [sflag:s21], $0x4000  }
0x8b: {  	[sflag:s21] =	ssyncset.done $0x0  }
0x8c: {  	s1 =	sadd.s32 $0x1800, s29;
	[sflag:s21] =	ssyncadd.s32 $0xFFFFC000  }
0x8d: {  	[spmem:s2] =	stream.indirect.scatter.add.f32 [tilespmem:s19], [sflag:$0x3], $0x80, s1, s18, $0xb8;
	[tilespmem:$0x15200] =	vst v63  }
0x8e: {  	_ =	swait.ge [sflag:s14], $0x4000  }
0x8f: {  	[sflag:s14] =	ssyncset.done $0x0  }
0x90: {  	s1 =	sadd.s32 $0x100, s29;
	[sflag:s14] =	ssyncadd.s32 $0xFFFFC000  }
0x91: {  	[tilespmem:s19], [sflag:$0x1] =	stream.indirect.gather [hbm4b:s4+s18], $0x80, s1, s18, $0xb8;
	[tilespmem:$0x15200] =	vst v63  }
0x92: {  	_ =	swait.ge [sflag:s22], $0x4000  }
.Ltmp1:
0x93: {  	[sflag:s22] =	ssyncset.done $0x0;
	(pc) =	sbr.rel @p0 .LBB2_4-.Ltmp1, $4  }
0x94: {  	s1 =	sadd.s32 $0x1880, s29;
	[sflag:s22] =	ssyncadd.s32 $0xFFFFC000  }
0x95: {  	[spmem:s2] =	stream.indirect.scatter.add.f32 [tilespmem:s20], [sflag:$0x3], $0x80, s1, s18, $0xb8;
	[tilespmem:$0x15200] =	vst v63  }
0x96: {  	_ =	swait.ge [sflag:s14], $0x4000  }
0x97: {  	s30 =	smov.u32 s0;
	s29 =	sshra.s32 s31, $0x2;
	[sflag:s14] =	ssyncset.done $0x0  }
0x98: {  	s0 =	sadd.s32 $0x80, s29;
	[sflag:s14] =	ssyncadd.s32 $0xFFFFC000  }
0x99: {  	[tilespmem:s20], [sflag:$0x2] =	stream.indirect.gather [hbm4b:s4+s18], $0x80, s0, s18, $0xb8;
	[tilespmem:$0x15200] =	vst v63  }
0x9a: {  	_ =	swait.ge [sflag:s21], $0x4000  }
0x9b: {  	[sflag:s21] =	ssyncset.done $0x0  }
0x9c: {  	s1 =	sadd.s32 $0x1800, s29;
	[sflag:s21] =	ssyncadd.s32 $0xFFFFC000  }
0x9d: {  	[spmem:s2] =	stream.indirect.scatter.add.f32 [tilespmem:s19], [sflag:$0x3], $0x80, s1, s18, $0xb8;
	[tilespmem:$0x15200] =	vst v63  }
0x9e: {  	_ =	swait.ge [sflag:s14], $0x4000  }
0x9f: {  	[sflag:s14] =	ssyncset.done $0x0  }
0xa0: {  	s30 =	sadd.s32 $0x100, s29;
	[sflag:s14] =	ssyncadd.s32 $0xFFFFC000  }
0xa1: {  	[tilespmem:s19], [sflag:$0x1] =	stream.indirect.gather [hbm4b:s4+s18], $0x80, s30, s18, $0xb8;
	[tilespmem:$0x15200] =	vst v63  }
0xa2: {  	_ =	swait.ge [sflag:s22], $0x4000  }
0xa3: {  	[sflag:s22] =	ssyncset.done $0x0  }
0xa4: {  	s31 =	sadd.s32 $0x1880, s29;
	[sflag:s22] =	ssyncadd.s32 $0xFFFFC000  }
0xa5: {  	[spmem:s2] =	stream.indirect.scatter.add.f32 [tilespmem:s20], [sflag:$0x3], $0x80, s31, s18, $0xb8;
	[tilespmem:$0x15200] =	vst v63  }
0xa6: {  	_ =	swait.ge [sflag:s14], $0x4000  }
0xa7: {  	[sflag:s14] =	ssyncset.done $0x0  }
0xa8: {  	[sflag:s14] =	ssyncadd.s32 $0xFFFFC000  }
0xa9: {  	[tilespmem:s20], [sflag:$0x2] =	stream.indirect.gather [hbm4b:s4+s18], $0x80, s23, s18, $0xb8;
	[tilespmem:$0x15200] =	vst v63  }
0xaa: {  	_ =	swait.ge [sflag:s21], $0x4000  }
0xab: {  	[sflag:s21] =	ssyncset.done $0x0  }
0xac: {  	[sflag:s21] =	ssyncadd.s32 $0xFFFFC000  }
0xad: {  	[spmem:s2] =	stream.indirect.scatter.add.f32 [tilespmem:s19], [sflag:$0x3], $0x80, s24, s18, $0xb8;
	[tilespmem:$0x15200] =	vst v63  }
0xae: {  	_ =	swait.ge [sflag:s14], $0x4000  }
0xaf: {  	[sflag:s14] =	ssyncset.done $0x0  }
0xb0: {  	[sflag:s14] =	ssyncadd.s32 $0xFFFFC000  }
0xb1: {  	_ =	swait.ge [sflag:s22], $0x4000  }
0xb2: {  	[sflag:s22] =	ssyncset.done $0x0  }
0xb3: {  	[sflag:s22] =	ssyncadd.s32 $0xFFFFC000  }
0xb4: {  	[spmem:s2] =	stream.indirect.scatter.add.f32 [tilespmem:s20], [sflag:$0x3], $0x80, s25, s18, $0xb8;
	[tilespmem:$0x15200] =	vst v63  }
0xb5: {  	_ =	swait.ge [sflag:s14], $0x4000  }
0xb6: {  	[sflag:s14] =	ssyncset.done $0x0  }
0xb7: {  	s26 =	sadd.s32 $0x1, s26;
	[sflag:s14] =	ssyncadd.s32 $0xFFFFC000  }
0xb8: {  	p0 =	sne.s32 s26, s13;
	[bflag:$0x0] =	sbarrier.arrive $0xFFFF  }
0xb9: {  	[hbm:s12], [sflag:s16] =	dma.local [spmem:s28], $0x1400  }
.Ltmp2:
0xba: {  	_ =	swait.ge [sflag:s14], $0x1400;
	(pc) =	sbr.rel @p0 .LBB2_1-.Ltmp2, $3  }
0xbb: {  	[sflag:s14] =	ssyncset.done $0x0  }
0xbc: {  	[sflag:s14] =	ssyncadd.s32 $0xFFFFEC00  }
0xbd: {  	[bflag:$0x0] =	sbarrier.arrive $0xFFFF;
	_ =	sdelay $0x1  }
0xbe: {  	_ =	sfence.sel $0x180000  }
0xbf: {  	[bflag:$0x0] =	sbarrier.arrive $0xFFFF  }
0xc0: {  	_ =	strace $0x9000004D  }
0xc1: {  	s0 =	stileid.u32;
	[bflag:$0x2] =	sbarrier.arrive $0xFFFF  }
0xc2: {  	p0 =	sne.s32 s0, $0x0;
	s0 =	rddreg [dreg:$0x3]  }
0xc3: {  	s0 =	sadd.s32 @!p0 $0x100000, s0  }
0xc4: {  	[sflag:s0] =	ssyncadd.tile.s32 @!p0 $0x1;
	_ =	shalt  }
.Lfunc_end2:
_tile_overlayer_lowered:
.L_overlay_start_2:
0xc5: {  	(tag) =	ssettag $0x2  }
0xc6: {  	s0 =	rddreg [dreg:$0x0];
	s2 =	stileid.u32  }
0xc7: {  	s1 =	rddreg [dreg:$0x1];
	p0 =	sne.s32 s2, $0x0  }
0xc8: {  	s3 =	rddreg [dreg:$0x2];
	[bflag:$0x3] =	sbarrier.arrive $0xFFFF;
	s2 =	simm.s32 @!p0 $0x1C03  }
0xc9: {  	[timem:s3], [sflag:s2] =	dma.local @!p0 [hbm:s0], s1  }
0xca: {  	s0 =	simm.s32 @!p0 $0x3  }
0xcb: {  	_ =	swait.ge @!p0 [sflag:s0], s1  }
0xcc: {  	s1 =	ssub.s32 @!p0 $0x0, s1;
	[sflag:s0] =	ssyncset.done @!p0 $0x0  }
0xcd: {  	[sflag:s0] =	ssyncadd.s32 @!p0 s1  }
0xce: {  	[bflag:$0x3] =	sbarrier.arrive $0xFFFF  }
0xcf: {  	_ =	shalt  }

// kernel: kernel.18.cloned.1.call-start
scs
__scs_entry_jumppad:
0x0: {  	(pc) =	sbr.rel $0x88, $3  }
0x1: {  	(tag) =	ssettag $0x0;
	lr =	simm.s32 $0x1  }
0x2: {  	[smem:$0x3F99] =	sst lr;
	_ =	strace $0xD0000000  }
0x3: {  	_ = 	snop  }
0x4: {  	_ = 	snop  }
0x5: {  	_ = 	snop  }
0x6: {  	_ = 	snop  }
0x7: {  	_ = 	snop  }
__scs_overlays_trampoline_lowered:
0x8: {  	[smem:$0x3FA8] =	sst s0  }
0x9: {  	[smem:$0x3FA9] =	sst s1  }
0xa: {  	[smem:$0x3FAA] =	sst s2  }
0xb: {  	[smem:$0x3FAB] =	sst s3  }
0xc: {  	[smem:$0x3FAC] =	sst s4  }
0xd: {  	[smem:$0x3FAD] =	sst s5  }
0xe: {  	[smem:$0x3FAE] =	sst s6  }
0xf: {  	[smem:$0x3FAF] =	sst s7  }
0x10: {  	[smem:$0x3FB0] =	sst s8  }
0x11: {  	[smem:$0x3FB1] =	sst s9;
	s0 =	simm.s32 @!p0 $0x0  }
0x12: {  	s1 =	sld [smem:$0x3F97];
	s0 =	simm.s32 @p0 $0x1  }
0x13: {  	[smem:$0x3FB2] =	sst s0;
	s0 =	simm.s32 @!p1 $0x0  }
0x14: {  	s2 =	sld [smem:$0x3F96];
	s0 =	simm.s32 @p1 $0x1  }
0x15: {  	[smem:$0x3FB3] =	sst s0;
	s0 =	simm.s32 @!p2 $0x0  }
0x16: {  	s3 =	sld [smem:$0x3FDB];
	s0 =	simm.s32 @p2 $0x1  }
0x17: {  	s4 =	simm.s32 $0x1BF5;
	[smem:$0x3FB5] =	sst s0  }
0x18: {  	s0 =	sld [smem:$0x3F98];
	_ =	swait.ge [sflag:s4], $0x0  }
0x19: {  	s7 =	sld [smem:$0x3F99]  }
0x1a: {  	s8 =	sadd.s32 $0xFFFFE003, lr  }
0x1b: {  	s9 =	sadd.s32 $0xFFFFFEF7, lr;
	s5 =	simm.s32 $0xFFFFFFFF;
	p2 =	slt.u32 s8, $0xFFFFF086  }
0x1c: {  	p1 =	slt.u32 s9, $0xF7A;
	s5 =	simm.s32 @!p2 $0x0  }
0x1d: {  	s5 =	simm.s32 @p1 $0x1;
	p0 =	seq.s32 s7, s2  }
0x1e: {  	s7 =	smul.u32 @!p0 $0xF7A, s2;
	p2 =	seq.s32 @!p0 s5, $0x0  }
0x1f: {  	s9 =	smul.u32 $0xF7A, s1;
	s8 =	simm.s32 @!p0 $0x1BF5;
	p2 =	por !p2, p0  }
0x20: {  	[sflag:s8] =	ssyncset.s32 @!p0 $0xFFFFF086;
	s6 =	sadd.s32 @!p0 s3, s7;
	s7 =	simm.s32 @!p0 $0x108  }
0x21: {  	s3 =	sadd.s32 s3, s9;
	s6 =	sadd.s32 @!p0 $0x88, s6;
	s7 =	simm.s32 @p2 $0x1082  }
0x22: {  	[simem:s7], [sflag:s8] =	dma.local @!p0 [hbm:s6], $0xF7A  }
0x23: {  	s9 =	sor.u32 $0xD0000000, s2;
	s6 =	simm.s32 $0x108;
	_ =	swait.ge @!p0 [sflag:s8], $0x0  }
0x24: {  	s3 =	sadd.s32 $0x88, s3;
	s6 =	simm.s32 @!p1 $0x1082;
	[sflag:s4] =	ssyncset.s32 $0xFFFFF086  }
0x25: {  	[simem:s6], [sflag:s4] =	dma.local [hbm:s3], $0xF7A  }
0x26: {  	[smem:$0x3F99] =	sst s1;
	(tag) =	ssettag s2;
	_ =	strace s9  }
0x27: {  	s1 =	sld [smem:$0x3FA9]  }
0x28: {  	s2 =	sld [smem:$0x3FAA]  }
0x29: {  	s4 =	sld [smem:$0x3FAC]  }
0x2a: {  	p0 =	seq.s32 s5, $0x0;
	s5 =	sld [smem:$0x3FAD]  }
0x2b: {  	s6 =	sld [smem:$0x3FAE]  }
0x2c: {  	s7 =	sld [smem:$0x3FAF]  }
0x2d: {  	s3 =	simm.s32 $0x108;
	s8 =	sld [smem:$0x3FB0]  }
0x2e: {  	s3 =	simm.s32 @!p0 $0x1082;
	s9 =	sld [smem:$0x3FB1]  }
0x2f: {  	lr =	sadd.s32 s0, s3;
	s0 =	sld [smem:$0x3FA8]  }
0x30: {  	s3 =	sld [smem:$0x3FAB]  }
0x31: {  	[smem:$0x3FB4] =	sst s10  }
0x32: {  	s10 =	sld [smem:$0x3FB2];
	_ =	sdelay $0x3  }
0x33: {  	p0 =	seq.s32 s10, $0x1;
	s10 =	sld [smem:$0x3FB4];
	_ =	sdelay $0x3  }
0x34: {  	[smem:$0x3FB4] =	sst s10  }
0x35: {  	s10 =	sld [smem:$0x3FB3];
	_ =	sdelay $0x3  }
0x36: {  	p1 =	seq.s32 s10, $0x1;
	s10 =	sld [smem:$0x3FB4];
	_ =	sdelay $0x3  }
0x37: {  	[smem:$0x3FB4] =	sst s10  }
0x38: {  	s10 =	sld [smem:$0x3FB5]  }
0x39: {  	_ = 	snop;
	(pc) =	sbr.ind lr, $3  }
0x3a: {  	_ = 	snop  }
0x3b: {  	_ = 	snop  }
0x3c: {  	p2 =	seq.s32 s10, $0x1;
	s10 =	sld [smem:$0x3FB4]  }
0x3d: {  	_ =	shalt  }
0x3e: {  	_ =	shalt  }
0x3f: {  	_ =	shalt  }
0x40: {  	_ =	shalt  }
0x41: {  	_ =	shalt  }
0x42: {  	_ =	shalt  }
0x43: {  	_ =	shalt  }
0x44: {  	_ =	shalt  }
0x45: {  	_ =	shalt  }
0x46: {  	_ =	shalt  }
0x47: {  	_ =	shalt  }
0x48: {  	_ =	shalt  }
0x49: {  	_ =	shalt  }
0x4a: {  	_ =	shalt  }
0x4b: {  	_ =	shalt  }
0x4c: {  	_ =	shalt  }
0x4d: {  	_ =	shalt  }
0x4e: {  	_ =	shalt  }
0x4f: {  	_ =	shalt  }
0x50: {  	_ =	shalt  }
0x51: {  	_ =	shalt  }
0x52: {  	_ =	shalt  }
0x53: {  	_ =	shalt  }
0x54: {  	_ =	shalt  }
0x55: {  	_ =	shalt  }
0x56: {  	_ =	shalt  }
0x57: {  	_ =	shalt  }
0x58: {  	_ =	shalt  }
0x59: {  	_ =	shalt  }
0x5a: {  	_ =	shalt  }
0x5b: {  	_ =	shalt  }
0x5c: {  	_ =	shalt  }
0x5d: {  	_ =	shalt  }
0x5e: {  	_ =	shalt  }
0x5f: {  	_ =	shalt  }
0x60: {  	_ =	shalt  }
0x61: {  	_ =	shalt  }
0x62: {  	_ =	shalt  }
0x63: {  	_ =	shalt  }
0x64: {  	_ =	shalt  }
0x65: {  	_ =	shalt  }
0x66: {  	_ =	shalt  }
0x67: {  	_ =	shalt  }
0x68: {  	_ =	shalt  }
0x69: {  	_ =	shalt  }
0x6a: {  	_ =	shalt  }
0x6b: {  	_ =	shalt  }
0x6c: {  	_ =	shalt  }
0x6d: {  	_ =	shalt  }
0x6e: {  	_ =	shalt  }
0x6f: {  	_ =	shalt  }
0x70: {  	_ =	shalt  }
0x71: {  	_ =	shalt  }
0x72: {  	_ =	shalt  }
0x73: {  	_ =	shalt  }
0x74: {  	_ =	shalt  }
0x75: {  	_ =	shalt  }
0x76: {  	_ =	shalt  }
0x77: {  	_ =	shalt  }
0x78: {  	_ =	shalt  }
0x79: {  	_ =	shalt  }
0x7a: {  	_ =	shalt  }
0x7b: {  	_ =	shalt  }
0x7c: {  	_ =	shalt  }
0x7d: {  	_ =	shalt  }
0x7e: {  	_ =	shalt  }
0x7f: {  	_ =	shalt  }
0x80: {  	_ =	shalt  }
0x81: {  	_ =	shalt  }
0x82: {  	_ =	shalt  }
0x83: {  	_ =	shalt  }
0x84: {  	_ =	shalt  }
0x85: {  	_ =	shalt  }
0x86: {  	_ =	shalt  }
0x87: {  	_ =	shalt  }
.Lfunc_end0:
.L_simem_size_0:
called_computation.3_lowered:
.L_overlay_start_0:
0x88: {  	s2 =	sld [smem:$0x3FD9]  }
0x89: {  	s3 =	sld [smem:$0x3FFE];
	_ =	sdelay $0x1  }
0x8a: {  	s1 =	srdreg.scid  }
0x8b: {  	s0 =	sand.u32 $0x1, s1  }
0x8c: {  	s17 =	sshll.u32 s0, $0xA;
	s2 =	sadd.s32 s3, s2  }
0x8d: {  	s2 =	sadd.s32 s2, s17  }
0x8e: {  	[smem:$0x3FC0] =	sst s2  }
0x8f: {  	_ = 	snop  }
0x90: {  	s2 =	sld [smem:$0x3FD0];
	(tm) =	ssettm $0x1  }
0x91: {  	s18 =	sld [smem:$0x3FFB];
	_ =	sdelay $0x3  }
0x92: {  	_ =	strace s18  }
0x93: {  	s3 =	sld [smem:$0x3FFC];
	_ =	sdelay $0x3  }
0x94: {  	_ =	strace s3  }
0x95: {  	s3 =	sld [smem:$0x3FFD];
	_ =	sdelay $0x3  }
0x96: {  	_ =	strace s3  }
0x97: {  	_ =	strace $0x8FFFFFFF  }
0x98: {  	s19 =	sld [smem:$0x3FDB];
	_ =	sdelay $0x1  }
0x99: {  	s4 =	simm.s32 $_scs_section_size  }
0x9a: {  	s5 =	simm.s32 $_size__tile_overlayer_lowered;
	s6 =	simm.s32 $_tile_overlayer_lowered  }
0x9b: {  	s22 =	simm.s32 $0x1BFF;
	s21 =	sshll.u32 s6, $0x1;
	s3 =	sadd.s32 s4, s19  }
0x9c: {  	s7 =	simm.s32 $0x0;
	s20 =	sshll.u32 s5, $0x1;
	s5 =	sadd.s32 s21, s3  }
0x9d: {  	[timem:s7], [sflag:s22] =	dma.local [hbm:s5], s20  }
0x9e: {  	_ =	swait.ge [sflag:s22], s20  }
0x9f: {  	s4 =	ssub.s32 $0x0, s20;
	[sflag:s22] =	ssyncset.done $0x0  }
0xa0: {  	[sflag:s22] =	ssyncadd.s32 s4;
	_ =	sdelay $0x1  }
0xa1: {  	s23 =	simm.s32 $0x1B8B  }
0xa2: {  	_ =	swait.ge [sflag:s23], $0x1  }
0xa3: {  	[sflag:s23] =	ssyncset.done $0x0  }
0xa4: {  	s25 =	simm.s32 $0x1B8E;
	s24 =	sld [smem:$0x3FFE];
	[sflag:s23] =	ssyncadd.s32 $0xFFFFFFFF  }
0xa5: {  	s26 =	simm.s32 $execute0_lowered;
	[smem:$0x3FD2] =	sst s25  }
0xa6: {  	s5 =	sshll.u32 s26, $0x1;
	_ =	strace $0x8000004F;
	[dreg:$0x1] =	wrdreg $0xFFFFFFFF  }
0xa7: {  	s28 =	simm.s32 $_size_execute0_lowered;
	s3 =	sadd.s32 s3, s5;
	[dreg:$0x0] =	wrdreg $0x0  }
0xa8: {  	s5 =	sshll.u32 s28, $0x1;
	[dreg:$0x2] =	wrdreg s3  }
0xa9: {  	[dreg:$0x3] =	wrdreg s5  }
0xaa: {  	[dreg:$0x4] =	wrdreg $0xC0  }
0xab: {  	_ =	task [dreg:s7], $0x5FFFF  }
0xac: {  	[dreg:$0x1] =	wrdreg $0xFFFFFFFF  }
0xad: {  	[dreg:$0x0] =	wrdreg $0x60  }
0xae: {  	[dreg:$0x2] =	wrdreg s24  }
0xaf: {  	[dreg:$0x3] =	wrdreg s2  }
0xb0: {  	[dreg:$0x4] =	wrdreg $0xB0000  }
0xb1: {  	[dreg:$0x5] =	wrdreg $0x9  }
0xb2: {  	_ =	task.clear_ibuf [dreg:s7], $0x6FFFF;
	_ =	strace $0x9000004F  }
0xb3: {  	s29 =	simm.s32 $0x9;
	_ =	strace $0x80000051  }
0xb4: {  	_ =	swait.ge [sflag:s29], $0x1  }
0xb5: {  	[sflag:s29] =	ssyncadd.s32 $0xFFFFFFFF  }
0xb6: {  	_ =	strace $0x90000051  }
0xb7: {  	_ =	sfence  }
0xb8: {  	s30 =	sld [smem:$0x0];
	_ =	sdelay $0x2  }
0xb9: {  	s31 =	sshll.u32 s1, $0xD;
	s1 =	sshrl.u32 s1, $0x2  }
0xba: {  	s3 =	sand.u32 $0x4000, s31;
	s1 =	sadd.s32 s1, s30  }
0xbb: {  	s0 =	sor.u32 s3, s0;
	s1 =	sshll.u32 s1, $0x11  }
0xbc: {  	s0 =	sor.u32 s1, s0  }
0xbd: {  	s0 =	sadd.s32 $0x8F2B, s0  }
0xbe: {  	[sflag:s0] =	ssyncadd.remote.s32 $0x1  }
0xbf: {  	_ =	sfence.sel $0xFFFF  }
0xc0: {  	[dreg:$0x0] =	wrdreg $0xFFFFFFFF;
	(pc) =	sbr.abs _section_cstart, $3  }
0xc1: {  	[dreg:$0x1] =	wrdreg $0xFFFFFFFF  }
0xc2: {  	_ =	task.clear_ibuf [dreg:s7], $0x2FFFF;
	_ =	strace $0x9FFFFFFF  }
0xc3: {  	(tm) =	ssettm $0x7FFFFFFF  }
tec
execute0_lowered:
.L_overlay_start_1:
0x0: {  	(tag) =	ssettag $0x1  }
0x1: {  	s6 =	rddreg [dreg:$0x0]  }
0x2: {  	s10 =	rddreg [dreg:$0x1]  }
0x3: {  	s1 =	srdreg.scid;
	s0 =	stileid.u32  }
0x4: {  	s2 =	rddreg [dreg:$0x2];
	s3 =	simm.s32 $0x0;
	s18 =	simm.s32 $0x80  }
0x5: {  	s19 =	simm.s32 $0x3000;
	s20 =	simm.s32 $0x7000;
	s21 =	simm.s32 $0x1  }
0x6: {  	s22 =	simm.s32 $0x2;
	s23 =	simm.s32 $0x1580;
	s4 =	smul.u32 $0x140, s0  }
0x7: {  	s24 =	simm.s32 $0x2D00;
	s25 =	simm.s32 $0x2D80;
	s11 =	smul.u32 $0x3000, s0  }
0x8: {  	s7 =	sand.u32 $0x1, s1;
	[smem:$0x7FF] =	sst s3;
	s29 =	smul.u32 $0x28800, s0  }
0x9: {  	s12 =	sadd.s32 $0x2800, s6;
	s14 =	smul.u32 $0x28000, s0;
	s16 =	sshll.u32 s0, $0x6  }
0xa: {  	s5 =	smul.u32 $0x2800, s7;
	_ =	strace $0x80000050;
	s26 =	ssub.s32 $0x2, s7  }
0xb: {  	s8 =	smul.u32 $0x30000, s7;
	s16 =	sor.u32 $0x1C03, s16;
	s30 =	sshrl.u32 s26, $0x1  }
0xc: {  	s31 =	sshrl.u32 s14, $0x2;
	s14 =	simm.s32 $0x3;
	s5 =	sadd.s32 s4, s5  }
0xd: {  	s4 =	sadd.s32 $0xE800, s6;
	s28 =	sadd.s32 s11, s8;
	s15 =	ssub.s32 s26, s30  }
0xe: {  	s8 =	sshrl.u32 s29, $0x2;
	s26 =	simm.s32 $0x0;
	s9 =	sshll.u32 s5, $0x4  }
0xf: {  	s5 =	sadd.s32 $0x5E800, s6;
	s11 =	sshrl.u32 s28, $0x3;
	s17 =	sadd.s32 s8, s2  }
0x10: {  	s8 =	sadd.s32 s31, s2;
	s13 =	sadd.s32 s9, s6;
	s6 =	sadd.s32 s10, s11  }
0x11: {  	s7 =	sadd.s32 s12, s11;
	s11 =	sadd.s32 $0x300, s11;
	s17 =	sshrl.u32 s17, $0x3  }
0x12: {  	s9 =	sadd.s32 $0x5FE00, s13;
	s10 =	sadd.s32 s10, s11;
	s11 =	sadd.s32 s12, s11  }
0x13: {  	s12 =	sadd.s32 $0x73E00, s13;
	s13 =	smax.u32 s15, $0x1;
	s15 =	simm.s32 $0x1800  }
.LBB2_1:
0x14: {  	[tilespmem:s3], [sflag:$0x3] =	stream.linear.gather [hbm4b:s6+s3], $0x1600, $0x38;
	[tilespmem:$0x15200] =	vst v63  }
0x15: {  	_ =	swait.ge [sflag:s14], $0x1600  }
0x16: {  	[sflag:s14] =	ssyncset.done $0x0  }
0x17: {  	[sflag:s14] =	ssyncadd.s32 $0xFFFFEA00  }
0x18: {  	[tilespmem:s15], [sflag:$0x3] =	stream.linear.gather [hbm4b:s7+s3], $0x1600, $0x38;
	[tilespmem:$0x15200] =	vst v63  }
0x19: {  	_ =	swait.ge [sflag:s14], $0x1600  }
0x1a: {  	[sflag:s14] =	ssyncset.done $0x0  }
0x1b: {  	[sflag:s14] =	ssyncadd.s32 $0xFFFFEA00  }
0x1c: {  	[spmem:s17], [sflag:s16] =	dma.local [hbm:s5], $0x1440  }
0x1d: {  	_ =	swait.ge [sflag:s14], $0x1440  }
0x1e: {  	[sflag:s14] =	ssyncset.done $0x0  }
0x1f: {  	[sflag:s14] =	ssyncadd.s32 $0xFFFFEBC0  }
0x20: {  	[bflag:$0x0] =	sbarrier.arrive $0xFFFF  }
0x21: {  	[tilespmem:s19], [sflag:$0x1] =	stream.indirect.gather [hbm4b:s4+s18], $0x80, s3, s18, $0xb8;
	[tilespmem:$0x15200] =	vst v63  }
0x22: {  	s28 =	simm.s32 $0x80  }
0x23: {  	[tilespmem:s20], [sflag:$0x2] =	stream.indirect.gather [hbm4b:s4+s18], $0x80, s28, s18, $0xb8;
	[tilespmem:$0x15200] =	vst v63  }
0x24: {  	_ =	swait.ge [sflag:s21], $0x4000  }
0x25: {  	[sflag:s21] =	ssyncset.done $0x0  }
0x26: {  	s28 =	simm.s32 $0x1800;
	[sflag:s21] =	ssyncadd.s32 $0xFFFFC000  }
0x27: {  	[spmem:s2] =	stream.indirect.scatter.add.f32 [tilespmem:s19], [sflag:$0x3], $0x80, s28, s18, $0xb8;
	[tilespmem:$0x15200] =	vst v63  }
0x28: {  	_ =	swait.ge [sflag:s14], $0x4000  }
0x29: {  	[sflag:s14] =	ssyncset.done $0x0  }
0x2a: {  	s28 =	simm.s32 $0x100;
	[sflag:s14] =	ssyncadd.s32 $0xFFFFC000  }
0x2b: {  	[tilespmem:s19], [sflag:$0x1] =	stream.indirect.gather [hbm4b:s4+s18], $0x80, s28, s18, $0xb8;
	[tilespmem:$0x15200] =	vst v63  }
0x2c: {  	_ =	swait.ge [sflag:s22], $0x4000  }
0x2d: {  	[sflag:s22] =	ssyncset.done $0x0  }
0x2e: {  	s28 =	simm.s32 $0x1880;
	[sflag:s22] =	ssyncadd.s32 $0xFFFFC000  }
0x2f: {  	[spmem:s2] =	stream.indirect.scatter.add.f32 [tilespmem:s20], [sflag:$0x3], $0x80, s28, s18, $0xb8;
	[tilespmem:$0x15200] =	vst v63  }
0x30: {  	_ =	swait.ge [sflag:s14], $0x4000  }
0x31: {  	s29 =	simm.s32 $0x800;
	s28 =	simm.s32 $0x100;
	[sflag:s14] =	ssyncset.done $0x0  }
.LBB2_2:
0x32: {  	s30 =	sadd.s32 $0x80, s28  }
0x33: {  	[sflag:s14] =	ssyncadd.s32 $0xFFFFC000;
	s31 =	smov.u32 s29;
	s1 =	sadd.s32 $0x400, s29  }
0x34: {  	[tilespmem:s20], [sflag:$0x2] =	stream.indirect.gather [hbm4b:s4+s18], $0x80, s30, s18, $0xb8;
	[tilespmem:$0x15200] =	vst v63  }
0x35: {  	p0 =	sne.s32 s29, $0x5000;
	_ =	swait.ge [sflag:s21], $0x4000  }
0x36: {  	[sflag:s21] =	ssyncset.done $0x0  }
0x37: {  	s29 =	sadd.s32 $0x1800, s28;
	[sflag:s21] =	ssyncadd.s32 $0xFFFFC000  }
0x38: {  	[spmem:s2] =	stream.indirect.scatter.add.f32 [tilespmem:s19], [sflag:$0x3], $0x80, s29, s18, $0xb8;
	[tilespmem:$0x15200] =	vst v63  }
0x39: {  	_ =	swait.ge [sflag:s14], $0x4000  }
0x3a: {  	[sflag:s14] =	ssyncset.done $0x0  }
0x3b: {  	s29 =	sadd.s32 $0x100, s28;
	[sflag:s14] =	ssyncadd.s32 $0xFFFFC000  }
0x3c: {  	[tilespmem:s19], [sflag:$0x1] =	stream.indirect.gather [hbm4b:s4+s18], $0x80, s29, s18, $0xb8;
	[tilespmem:$0x15200] =	vst v63  }
0x3d: {  	_ =	swait.ge [sflag:s22], $0x4000  }
.Ltmp0:
0x3e: {  	[sflag:s22] =	ssyncset.done $0x0;
	(pc) =	sbr.rel @p0 .LBB2_2-.Ltmp0, $4  }
0x3f: {  	s28 =	sadd.s32 $0x1880, s28;
	[sflag:s22] =	ssyncadd.s32 $0xFFFFC000  }
0x40: {  	[spmem:s2] =	stream.indirect.scatter.add.f32 [tilespmem:s20], [sflag:$0x3], $0x80, s28, s18, $0xb8;
	[tilespmem:$0x15200] =	vst v63  }
0x41: {  	_ =	swait.ge [sflag:s14], $0x4000  }
0x42: {  	s29 =	smov.u32 s1;
	s28 =	sshra.s32 s31, $0x2;
	[sflag:s14] =	ssyncset.done $0x0  }
0x43: {  	s1 =	sadd.s32 $0x80, s28;
	[sflag:s14] =	ssyncadd.s32 $0xFFFFC000  }
0x44: {  	[tilespmem:s20], [sflag:$0x2] =	stream.indirect.gather [hbm4b:s4+s18], $0x80, s1, s18, $0xb8;
	[tilespmem:$0x15200] =	vst v63  }
0x45: {  	_ =	swait.ge [sflag:s21], $0x4000  }
0x46: {  	[sflag:s21] =	ssyncset.done $0x0  }
0x47: {  	s0 =	sadd.s32 $0x1800, s28;
	[sflag:s21] =	ssyncadd.s32 $0xFFFFC000  }
0x48: {  	[spmem:s2] =	stream.indirect.scatter.add.f32 [tilespmem:s19], [sflag:$0x3], $0x80, s0, s18, $0xb8;
	[tilespmem:$0x15200] =	vst v63  }
0x49: {  	_ =	swait.ge [sflag:s14], $0x4000  }
0x4a: {  	[sflag:s14] =	ssyncset.done $0x0  }
0x4b: {  	s31 =	sadd.s32 $0x100, s28;
	[sflag:s14] =	ssyncadd.s32 $0xFFFFC000  }
0x4c: {  	[tilespmem:s19], [sflag:$0x1] =	stream.indirect.gather [hbm4b:s4+s18], $0x80, s31, s18, $0xb8;
	[tilespmem:$0x15200] =	vst v63  }
0x4d: {  	_ =	swait.ge [sflag:s22], $0x4000  }
0x4e: {  	[sflag:s22] =	ssyncset.done $0x0  }
0x4f: {  	s0 =	sadd.s32 $0x1880, s28;
	[sflag:s22] =	ssyncadd.s32 $0xFFFFC000  }
0x50: {  	[spmem:s2] =	stream.indirect.scatter.add.f32 [tilespmem:s20], [sflag:$0x3], $0x80, s0, s18, $0xb8;
	[tilespmem:$0x15200] =	vst v63  }
0x51: {  	_ =	swait.ge [sflag:s14], $0x4000  }
0x52: {  	[sflag:s14] =	ssyncset.done $0x0  }
0x53: {  	[sflag:s14] =	ssyncadd.s32 $0xFFFFC000  }
0x54: {  	[tilespmem:s20], [sflag:$0x2] =	stream.indirect.gather [hbm4b:s4+s18], $0x80, s23, s18, $0xb8;
	[tilespmem:$0x15200] =	vst v63  }
0x55: {  	_ =	swait.ge [sflag:s21], $0x4000  }
0x56: {  	[sflag:s21] =	ssyncset.done $0x0  }
0x57: {  	[sflag:s21] =	ssyncadd.s32 $0xFFFFC000  }
0x58: {  	[spmem:s2] =	stream.indirect.scatter.add.f32 [tilespmem:s19], [sflag:$0x3], $0x80, s24, s18, $0xb8;
	[tilespmem:$0x15200] =	vst v63  }
0x59: {  	_ =	swait.ge [sflag:s14], $0x4000  }
0x5a: {  	[sflag:s14] =	ssyncset.done $0x0  }
0x5b: {  	[sflag:s14] =	ssyncadd.s32 $0xFFFFC000  }
0x5c: {  	_ =	swait.ge [sflag:s22], $0x4000  }
0x5d: {  	[sflag:s22] =	ssyncset.done $0x0  }
0x5e: {  	[sflag:s22] =	ssyncadd.s32 $0xFFFFC000  }
0x5f: {  	[spmem:s2] =	stream.indirect.scatter.add.f32 [tilespmem:s20], [sflag:$0x3], $0x80, s25, s18, $0xb8;
	[tilespmem:$0x15200] =	vst v63  }
0x60: {  	_ =	swait.ge [sflag:s14], $0x4000  }
0x61: {  	[sflag:s14] =	ssyncset.done $0x0  }
0x62: {  	[sflag:s14] =	ssyncadd.s32 $0xFFFFC000  }
0x63: {  	s28 =	sshrl.u32 s8, $0x3;
	[bflag:$0x0] =	sbarrier.arrive $0xFFFF  }
0x64: {  	[hbm:s9], [sflag:s16] =	dma.local [spmem:s28], $0x1400  }
0x65: {  	_ =	swait.ge [sflag:s14], $0x1400  }
0x66: {  	[sflag:s14] =	ssyncset.done $0x0  }
0x67: {  	[sflag:s14] =	ssyncadd.s32 $0xFFFFEC00  }
0x68: {  	s31 =	simm.s32 $0x0;
	[bflag:$0x0] =	sbarrier.arrive $0xFFFF  }
0x69: {  	[tilespmem:s31], [sflag:$0x3] =	stream.linear.gather [hbm4b:s10+s31], $0x1600, $0x38;
	[tilespmem:$0x15200] =	vst v63  }
0x6a: {  	_ =	swait.ge [sflag:s14], $0x1600  }
0x6b: {  	[sflag:s14] =	ssyncset.done $0x0  }
0x6c: {  	[sflag:s14] =	ssyncadd.s32 $0xFFFFEA00  }
0x6d: {  	[tilespmem:s15], [sflag:$0x3] =	stream.linear.gather [hbm4b:s11+s31], $0x1600, $0x38;
	[tilespmem:$0x15200] =	vst v63  }
0x6e: {  	_ =	swait.ge [sflag:s14], $0x1600  }
0x6f: {  	[sflag:s14] =	ssyncset.done $0x0  }
0x70: {  	[sflag:s14] =	ssyncadd.s32 $0xFFFFEA00  }
0x71: {  	[spmem:s17], [sflag:s16] =	dma.local [hbm:s5], $0x1440  }
0x72: {  	_ =	swait.ge [sflag:s14], $0x1440  }
0x73: {  	[sflag:s14] =	ssyncset.done $0x0  }
0x74: {  	[sflag:s14] =	ssyncadd.s32 $0xFFFFEBC0  }
0x75: {  	[bflag:$0x0] =	sbarrier.arrive $0xFFFF  }
0x76: {  	[tilespmem:s19], [sflag:$0x1] =	stream.indirect.gather [hbm4b:s4+s18], $0x80, s31, s18, $0xb8;
	[tilespmem:$0x15200] =	vst v63  }
0x77: {  	s0 =	simm.s32 $0x80  }
0x78: {  	[tilespmem:s20], [sflag:$0x2] =	stream.indirect.gather [hbm4b:s4+s18], $0x80, s0, s18, $0xb8;
	[tilespmem:$0x15200] =	vst v63  }
0x79: {  	_ =	swait.ge [sflag:s21], $0x4000  }
0x7a: {  	[sflag:s21] =	ssyncset.done $0x0  }
0x7b: {  	s31 =	simm.s32 $0x1800;
	[sflag:s21] =	ssyncadd.s32 $0xFFFFC000  }
0x7c: {  	[spmem:s2] =	stream.indirect.scatter.add.f32 [tilespmem:s19], [sflag:$0x3], $0x80, s31, s18, $0xb8;
	[tilespmem:$0x15200] =	vst v63  }
0x7d: {  	_ =	swait.ge [sflag:s14], $0x4000  }
0x7e: {  	[sflag:s14] =	ssyncset.done $0x0  }
0x7f: {  	s0 =	simm.s32 $0x100;
	[sflag:s14] =	ssyncadd.s32 $0xFFFFC000  }
0x80: {  	[tilespmem:s19], [sflag:$0x1] =	stream.indirect.gather [hbm4b:s4+s18], $0x80, s0, s18, $0xb8;
	[tilespmem:$0x15200] =	vst v63  }
0x81: {  	_ =	swait.ge [sflag:s22], $0x4000  }
0x82: {  	[sflag:s22] =	ssyncset.done $0x0  }
0x83: {  	s31 =	simm.s32 $0x1880;
	[sflag:s22] =	ssyncadd.s32 $0xFFFFC000  }
0x84: {  	[spmem:s2] =	stream.indirect.scatter.add.f32 [tilespmem:s20], [sflag:$0x3], $0x80, s31, s18, $0xb8;
	[tilespmem:$0x15200] =	vst v63  }
0x85: {  	_ =	swait.ge [sflag:s14], $0x4000  }
0x86: {  	s30 =	simm.s32 $0x800;
	s29 =	simm.s32 $0x100;
	[sflag:s14] =	ssyncset.done $0x0  }
.LBB2_4:
0x87: {  	s1 =	sadd.s32 $0x80, s29  }
0x88: {  	[sflag:s14] =	ssyncadd.s32 $0xFFFFC000;
	s31 =	smov.u32 s30;
	s0 =	sadd.s32 $0x400, s30  }
0x89: {  	[tilespmem:s20], [sflag:$0x2] =	stream.indirect.gather [hbm4b:s4+s18], $0x80, s1, s18, $0xb8;
	[tilespmem:$0x15200] =	vst v63  }
0x8a: {  	p0 =	sne.s32 s30, $0x5000;
	_ =	swait.ge [sflag:s21], $0x4000  }
0x8b: {  	[sflag:s21] =	ssyncset.done $0x0  }
0x8c: {  	s1 =	sadd.s32 $0x1800, s29;
	[sflag:s21] =	ssyncadd.s32 $0xFFFFC000  }
0x8d: {  	[spmem:s2] =	stream.indirect.scatter.add.f32 [tilespmem:s19], [sflag:$0x3], $0x80, s1, s18, $0xb8;
	[tilespmem:$0x15200] =	vst v63  }
0x8e: {  	_ =	swait.ge [sflag:s14], $0x4000  }
0x8f: {  	[sflag:s14] =	ssyncset.done $0x0  }
0x90: {  	s1 =	sadd.s32 $0x100, s29;
	[sflag:s14] =	ssyncadd.s32 $0xFFFFC000  }
0x91: {  	[tilespmem:s19], [sflag:$0x1] =	stream.indirect.gather [hbm4b:s4+s18], $0x80, s1, s18, $0xb8;
	[tilespmem:$0x15200] =	vst v63  }
0x92: {  	_ =	swait.ge [sflag:s22], $0x4000  }
.Ltmp1:
0x93: {  	[sflag:s22] =	ssyncset.done $0x0;
	(pc) =	sbr.rel @p0 .LBB2_4-.Ltmp1, $4  }
0x94: {  	s1 =	sadd.s32 $0x1880, s29;
	[sflag:s22] =	ssyncadd.s32 $0xFFFFC000  }
0x95: {  	[spmem:s2] =	stream.indirect.scatter.add.f32 [tilespmem:s20], [sflag:$0x3], $0x80, s1, s18, $0xb8;
	[tilespmem:$0x15200] =	vst v63  }
0x96: {  	_ =	swait.ge [sflag:s14], $0x4000  }
0x97: {  	s30 =	smov.u32 s0;
	s29 =	sshra.s32 s31, $0x2;
	[sflag:s14] =	ssyncset.done $0x0  }
0x98: {  	s0 =	sadd.s32 $0x80, s29;
	[sflag:s14] =	ssyncadd.s32 $0xFFFFC000  }
0x99: {  	[tilespmem:s20], [sflag:$0x2] =	stream.indirect.gather [hbm4b:s4+s18], $0x80, s0, s18, $0xb8;
	[tilespmem:$0x15200] =	vst v63  }
0x9a: {  	_ =	swait.ge [sflag:s21], $0x4000  }
0x9b: {  	[sflag:s21] =	ssyncset.done $0x0  }
0x9c: {  	s1 =	sadd.s32 $0x1800, s29;
	[sflag:s21] =	ssyncadd.s32 $0xFFFFC000  }
0x9d: {  	[spmem:s2] =	stream.indirect.scatter.add.f32 [tilespmem:s19], [sflag:$0x3], $0x80, s1, s18, $0xb8;
	[tilespmem:$0x15200] =	vst v63  }
0x9e: {  	_ =	swait.ge [sflag:s14], $0x4000  }
0x9f: {  	[sflag:s14] =	ssyncset.done $0x0  }
0xa0: {  	s30 =	sadd.s32 $0x100, s29;
	[sflag:s14] =	ssyncadd.s32 $0xFFFFC000  }
0xa1: {  	[tilespmem:s19], [sflag:$0x1] =	stream.indirect.gather [hbm4b:s4+s18], $0x80, s30, s18, $0xb8;
	[tilespmem:$0x15200] =	vst v63  }
0xa2: {  	_ =	swait.ge [sflag:s22], $0x4000  }
0xa3: {  	[sflag:s22] =	ssyncset.done $0x0  }
0xa4: {  	s31 =	sadd.s32 $0x1880, s29;
	[sflag:s22] =	ssyncadd.s32 $0xFFFFC000  }
0xa5: {  	[spmem:s2] =	stream.indirect.scatter.add.f32 [tilespmem:s20], [sflag:$0x3], $0x80, s31, s18, $0xb8;
	[tilespmem:$0x15200] =	vst v63  }
0xa6: {  	_ =	swait.ge [sflag:s14], $0x4000  }
0xa7: {  	[sflag:s14] =	ssyncset.done $0x0  }
0xa8: {  	[sflag:s14] =	ssyncadd.s32 $0xFFFFC000  }
0xa9: {  	[tilespmem:s20], [sflag:$0x2] =	stream.indirect.gather [hbm4b:s4+s18], $0x80, s23, s18, $0xb8;
	[tilespmem:$0x15200] =	vst v63  }
0xaa: {  	_ =	swait.ge [sflag:s21], $0x4000  }
0xab: {  	[sflag:s21] =	ssyncset.done $0x0  }
0xac: {  	[sflag:s21] =	ssyncadd.s32 $0xFFFFC000  }
0xad: {  	[spmem:s2] =	stream.indirect.scatter.add.f32 [tilespmem:s19], [sflag:$0x3], $0x80, s24, s18, $0xb8;
	[tilespmem:$0x15200] =	vst v63  }
0xae: {  	_ =	swait.ge [sflag:s14], $0x4000  }
0xaf: {  	[sflag:s14] =	ssyncset.done $0x0  }
0xb0: {  	[sflag:s14] =	ssyncadd.s32 $0xFFFFC000  }
0xb1: {  	_ =	swait.ge [sflag:s22], $0x4000  }
0xb2: {  	[sflag:s22] =	ssyncset.done $0x0  }
0xb3: {  	[sflag:s22] =	ssyncadd.s32 $0xFFFFC000  }
0xb4: {  	[spmem:s2] =	stream.indirect.scatter.add.f32 [tilespmem:s20], [sflag:$0x3], $0x80, s25, s18, $0xb8;
	[tilespmem:$0x15200] =	vst v63  }
0xb5: {  	_ =	swait.ge [sflag:s14], $0x4000  }
0xb6: {  	[sflag:s14] =	ssyncset.done $0x0  }
0xb7: {  	s26 =	sadd.s32 $0x1, s26;
	[sflag:s14] =	ssyncadd.s32 $0xFFFFC000  }
0xb8: {  	p0 =	sne.s32 s26, s13;
	[bflag:$0x0] =	sbarrier.arrive $0xFFFF  }
0xb9: {  	[hbm:s12], [sflag:s16] =	dma.local [spmem:s28], $0x1400  }
.Ltmp2:
0xba: {  	_ =	swait.ge [sflag:s14], $0x1400;
	(pc) =	sbr.rel @p0 .LBB2_1-.Ltmp2, $3  }
0xbb: {  	[sflag:s14] =	ssyncset.done $0x0  }
0xbc: {  	[sflag:s14] =	ssyncadd.s32 $0xFFFFEC00  }
0xbd: {  	[bflag:$0x0] =	sbarrier.arrive $0xFFFF;
	_ =	sdelay $0x1  }
0xbe: {  	_ =	sfence.sel $0x180000  }
0xbf: {  	[bflag:$0x0] =	sbarrier.arrive $0xFFFF  }
0xc0: {  	_ =	strace $0x90000050  }
0xc1: {  	s0 =	stileid.u32;
	[bflag:$0x2] =	sbarrier.arrive $0xFFFF  }
0xc2: {  	p0 =	sne.s32 s0, $0x0;
	s0 =	rddreg [dreg:$0x3]  }
0xc3: {  	s0 =	sadd.s32 @!p0 $0x100000, s0  }
0xc4: {  	[sflag:s0] =	ssyncadd.tile.s32 @!p0 $0x1;
	_ =	shalt  }
.Lfunc_end2:
_tile_overlayer_lowered:
.L_overlay_start_2:
0xc5: {  	(tag) =	ssettag $0x2  }
0xc6: {  	s0 =	rddreg [dreg:$0x0];
	s2 =	stileid.u32  }
0xc7: {  	s1 =	rddreg [dreg:$0x1];
	p0 =	sne.s32 s2, $0x0  }
0xc8: {  	s3 =	rddreg [dreg:$0x2];
	[bflag:$0x3] =	sbarrier.arrive $0xFFFF;
	s2 =	simm.s32 @!p0 $0x1C03  }
0xc9: {  	[timem:s3], [sflag:s2] =	dma.local @!p0 [hbm:s0], s1  }
0xca: {  	s0 =	simm.s32 @!p0 $0x3  }
0xcb: {  	_ =	swait.ge @!p0 [sflag:s0], s1  }
0xcc: {  	s1 =	ssub.s32 @!p0 $0x0, s1;
	[sflag:s0] =	ssyncset.done @!p0 $0x0  }
0xcd: {  	[sflag:s0] =	ssyncadd.s32 @!p0 s1  }
0xce: {  	[bflag:$0x3] =	sbarrier.arrive $0xFFFF  }
0xcf: {  	_ =	shalt  }

// kernel: kernel.9.cloned.1.call-start
scs
__scs_entry_jumppad:
0x0: {  	(pc) =	sbr.rel $0x88, $3  }
0x1: {  	(tag) =	ssettag $0x0;
	lr =	simm.s32 $0x1  }
0x2: {  	[smem:$0x3F99] =	sst lr;
	_ =	strace $0xD0000000  }
0x3: {  	_ = 	snop  }
0x4: {  	_ = 	snop  }
0x5: {  	_ = 	snop  }
0x6: {  	_ = 	snop  }
0x7: {  	_ = 	snop  }
__scs_overlays_trampoline_lowered:
0x8: {  	[smem:$0x3FA8] =	sst s0  }
0x9: {  	[smem:$0x3FA9] =	sst s1  }
0xa: {  	[smem:$0x3FAA] =	sst s2  }
0xb: {  	[smem:$0x3FAB] =	sst s3  }
0xc: {  	[smem:$0x3FAC] =	sst s4  }
0xd: {  	[smem:$0x3FAD] =	sst s5  }
0xe: {  	[smem:$0x3FAE] =	sst s6  }
0xf: {  	[smem:$0x3FAF] =	sst s7  }
0x10: {  	[smem:$0x3FB0] =	sst s8  }
0x11: {  	[smem:$0x3FB1] =	sst s9;
	s0 =	simm.s32 @!p0 $0x0  }
0x12: {  	s1 =	sld [smem:$0x3F97];
	s0 =	simm.s32 @p0 $0x1  }
0x13: {  	[smem:$0x3FB2] =	sst s0;
	s0 =	simm.s32 @!p1 $0x0  }
0x14: {  	s2 =	sld [smem:$0x3F96];
	s0 =	simm.s32 @p1 $0x1  }
0x15: {  	[smem:$0x3FB3] =	sst s0;
	s0 =	simm.s32 @!p2 $0x0  }
0x16: {  	s3 =	sld [smem:$0x3FDB];
	s0 =	simm.s32 @p2 $0x1  }
0x17: {  	s4 =	simm.s32 $0x1BF5;
	[smem:$0x3FB5] =	sst s0  }
0x18: {  	s0 =	sld [smem:$0x3F98];
	_ =	swait.ge [sflag:s4], $0x0  }
0x19: {  	s7 =	sld [smem:$0x3F99]  }
0x1a: {  	s8 =	sadd.s32 $0xFFFFE003, lr  }
0x1b: {  	s9 =	sadd.s32 $0xFFFFFEF7, lr;
	s5 =	simm.s32 $0xFFFFFFFF;
	p2 =	slt.u32 s8, $0xFFFFF086  }
0x1c: {  	p1 =	slt.u32 s9, $0xF7A;
	s5 =	simm.s32 @!p2 $0x0  }
0x1d: {  	s5 =	simm.s32 @p1 $0x1;
	p0 =	seq.s32 s7, s2  }
0x1e: {  	s7 =	smul.u32 @!p0 $0xF7A, s2;
	p2 =	seq.s32 @!p0 s5, $0x0  }
0x1f: {  	s9 =	smul.u32 $0xF7A, s1;
	s8 =	simm.s32 @!p0 $0x1BF5;
	p2 =	por !p2, p0  }
0x20: {  	[sflag:s8] =	ssyncset.s32 @!p0 $0xFFFFF086;
	s6 =	sadd.s32 @!p0 s3, s7;
	s7 =	simm.s32 @!p0 $0x108  }
0x21: {  	s3 =	sadd.s32 s3, s9;
	s6 =	sadd.s32 @!p0 $0x88, s6;
	s7 =	simm.s32 @p2 $0x1082  }
0x22: {  	[simem:s7], [sflag:s8] =	dma.local @!p0 [hbm:s6], $0xF7A  }
0x23: {  	s9 =	sor.u32 $0xD0000000, s2;
	s6 =	simm.s32 $0x108;
	_ =	swait.ge @!p0 [sflag:s8], $0x0  }
0x24: {  	s3 =	sadd.s32 $0x88, s3;
	s6 =	simm.s32 @!p1 $0x1082;
	[sflag:s4] =	ssyncset.s32 $0xFFFFF086  }
0x25: {  	[simem:s6], [sflag:s4] =	dma.local [hbm:s3], $0xF7A  }
0x26: {  	[smem:$0x3F99] =	sst s1;
	(tag) =	ssettag s2;
	_ =	strace s9  }
0x27: {  	s1 =	sld [smem:$0x3FA9]  }
0x28: {  	s2 =	sld [smem:$0x3FAA]  }
0x29: {  	s4 =	sld [smem:$0x3FAC]  }
0x2a: {  	p0 =	seq.s32 s5, $0x0;
	s5 =	sld [smem:$0x3FAD]  }
0x2b: {  	s6 =	sld [smem:$0x3FAE]  }
0x2c: {  	s7 =	sld [smem:$0x3FAF]  }
0x2d: {  	s3 =	simm.s32 $0x108;
	s8 =	sld [smem:$0x3FB0]  }
0x2e: {  	s3 =	simm.s32 @!p0 $0x1082;
	s9 =	sld [smem:$0x3FB1]  }
0x2f: {  	lr =	sadd.s32 s0, s3;
	s0 =	sld [smem:$0x3FA8]  }
0x30: {  	s3 =	sld [smem:$0x3FAB]  }
0x31: {  	[smem:$0x3FB4] =	sst s10  }
0x32: {  	s10 =	sld [smem:$0x3FB2];
	_ =	sdelay $0x3  }
0x33: {  	p0 =	seq.s32 s10, $0x1;
	s10 =	sld [smem:$0x3FB4];
	_ =	sdelay $0x3  }
0x34: {  	[smem:$0x3FB4] =	sst s10  }
0x35: {  	s10 =	sld [smem:$0x3FB3];
	_ =	sdelay $0x3  }
0x36: {  	p1 =	seq.s32 s10, $0x1;
	s10 =	sld [smem:$0x3FB4];
	_ =	sdelay $0x3  }
0x37: {  	[smem:$0x3FB4] =	sst s10  }
0x38: {  	s10 =	sld [smem:$0x3FB5]  }
0x39: {  	_ = 	snop;
	(pc) =	sbr.ind lr, $3  }
0x3a: {  	_ = 	snop  }
0x3b: {  	_ = 	snop  }
0x3c: {  	p2 =	seq.s32 s10, $0x1;
	s10 =	sld [smem:$0x3FB4]  }
0x3d: {  	_ =	shalt  }
0x3e: {  	_ =	shalt  }
0x3f: {  	_ =	shalt  }
0x40: {  	_ =	shalt  }
0x41: {  	_ =	shalt  }
0x42: {  	_ =	shalt  }
0x43: {  	_ =	shalt  }
0x44: {  	_ =	shalt  }
0x45: {  	_ =	shalt  }
0x46: {  	_ =	shalt  }
0x47: {  	_ =	shalt  }
0x48: {  	_ =	shalt  }
0x49: {  	_ =	shalt  }
0x4a: {  	_ =	shalt  }
0x4b: {  	_ =	shalt  }
0x4c: {  	_ =	shalt  }
0x4d: {  	_ =	shalt  }
0x4e: {  	_ =	shalt  }
0x4f: {  	_ =	shalt  }
0x50: {  	_ =	shalt  }
0x51: {  	_ =	shalt  }
0x52: {  	_ =	shalt  }
0x53: {  	_ =	shalt  }
0x54: {  	_ =	shalt  }
0x55: {  	_ =	shalt  }
0x56: {  	_ =	shalt  }
0x57: {  	_ =	shalt  }
0x58: {  	_ =	shalt  }
0x59: {  	_ =	shalt  }
0x5a: {  	_ =	shalt  }
0x5b: {  	_ =	shalt  }
0x5c: {  	_ =	shalt  }
0x5d: {  	_ =	shalt  }
0x5e: {  	_ =	shalt  }
0x5f: {  	_ =	shalt  }
0x60: {  	_ =	shalt  }
0x61: {  	_ =	shalt  }
0x62: {  	_ =	shalt  }
0x63: {  	_ =	shalt  }
0x64: {  	_ =	shalt  }
0x65: {  	_ =	shalt  }
0x66: {  	_ =	shalt  }
0x67: {  	_ =	shalt  }
0x68: {  	_ =	shalt  }
0x69: {  	_ =	shalt  }
0x6a: {  	_ =	shalt  }
0x6b: {  	_ =	shalt  }
0x6c: {  	_ =	shalt  }
0x6d: {  	_ =	shalt  }
0x6e: {  	_ =	shalt  }
0x6f: {  	_ =	shalt  }
0x70: {  	_ =	shalt  }
0x71: {  	_ =	shalt  }
0x72: {  	_ =	shalt  }
0x73: {  	_ =	shalt  }
0x74: {  	_ =	shalt  }
0x75: {  	_ =	shalt  }
0x76: {  	_ =	shalt  }
0x77: {  	_ =	shalt  }
0x78: {  	_ =	shalt  }
0x79: {  	_ =	shalt  }
0x7a: {  	_ =	shalt  }
0x7b: {  	_ =	shalt  }
0x7c: {  	_ =	shalt  }
0x7d: {  	_ =	shalt  }
0x7e: {  	_ =	shalt  }
0x7f: {  	_ =	shalt  }
0x80: {  	_ =	shalt  }
0x81: {  	_ =	shalt  }
0x82: {  	_ =	shalt  }
0x83: {  	_ =	shalt  }
0x84: {  	_ =	shalt  }
0x85: {  	_ =	shalt  }
0x86: {  	_ =	shalt  }
0x87: {  	_ =	shalt  }
.Lfunc_end0:
.L_simem_size_0:
called_computation_lowered:
.L_overlay_start_0:
0x88: {  	s2 =	sld [smem:$0x3FD9]  }
0x89: {  	s3 =	sld [smem:$0x3FFE];
	_ =	sdelay $0x1  }
0x8a: {  	s1 =	srdreg.scid  }
0x8b: {  	s0 =	sand.u32 $0x1, s1  }
0x8c: {  	s17 =	sshll.u32 s0, $0xA;
	s2 =	sadd.s32 s3, s2  }
0x8d: {  	s2 =	sadd.s32 s2, s17  }
0x8e: {  	[smem:$0x3FC0] =	sst s2  }
0x8f: {  	_ = 	snop  }
0x90: {  	s2 =	sld [smem:$0x3FD0];
	(tm) =	ssettm $0x1  }
0x91: {  	s18 =	sld [smem:$0x3FFB];
	_ =	sdelay $0x3  }
0x92: {  	_ =	strace s18  }
0x93: {  	s3 =	sld [smem:$0x3FFC];
	_ =	sdelay $0x3  }
0x94: {  	_ =	strace s3  }
0x95: {  	s3 =	sld [smem:$0x3FFD];
	_ =	sdelay $0x3  }
0x96: {  	_ =	strace s3  }
0x97: {  	_ =	strace $0x8FFFFFFF  }
0x98: {  	s19 =	sld [smem:$0x3FDB];
	_ =	sdelay $0x1  }
0x99: {  	s4 =	simm.s32 $_scs_section_size  }
0x9a: {  	s5 =	simm.s32 $_size__tile_overlayer_lowered;
	s6 =	simm.s32 $_tile_overlayer_lowered  }
0x9b: {  	s22 =	simm.s32 $0x1BFF;
	s21 =	sshll.u32 s6, $0x1;
	s3 =	sadd.s32 s4, s19  }
0x9c: {  	s7 =	simm.s32 $0x0;
	s20 =	sshll.u32 s5, $0x1;
	s5 =	sadd.s32 s21, s3  }
0x9d: {  	[timem:s7], [sflag:s22] =	dma.local [hbm:s5], s20  }
0x9e: {  	_ =	swait.ge [sflag:s22], s20  }
0x9f: {  	s4 =	ssub.s32 $0x0, s20;
	[sflag:s22] =	ssyncset.done $0x0  }
0xa0: {  	[sflag:s22] =	ssyncadd.s32 s4;
	_ =	sdelay $0x1  }
0xa1: {  	s23 =	simm.s32 $0x1B8B  }
0xa2: {  	_ =	swait.ge [sflag:s23], $0x1  }
0xa3: {  	[sflag:s23] =	ssyncset.done $0x0  }
0xa4: {  	s25 =	simm.s32 $0x1B8E;
	s24 =	sld [smem:$0x3FFE];
	[sflag:s23] =	ssyncadd.s32 $0xFFFFFFFF  }
0xa5: {  	s26 =	simm.s32 $execute0_lowered;
	[smem:$0x3FD2] =	sst s25  }
0xa6: {  	s5 =	sshll.u32 s26, $0x1;
	_ =	strace $0x80000046;
	[dreg:$0x1] =	wrdreg $0xFFFFFFFF  }
0xa7: {  	s28 =	simm.s32 $_size_execute0_lowered;
	s3 =	sadd.s32 s3, s5;
	[dreg:$0x0] =	wrdreg $0x0  }
0xa8: {  	s5 =	sshll.u32 s28, $0x1;
	[dreg:$0x2] =	wrdreg s3  }
0xa9: {  	[dreg:$0x3] =	wrdreg s5  }
0xaa: {  	[dreg:$0x4] =	wrdreg $0xC0  }
0xab: {  	_ =	task [dreg:s7], $0x5FFFF  }
0xac: {  	[dreg:$0x1] =	wrdreg $0xFFFFFFFF  }
0xad: {  	[dreg:$0x0] =	wrdreg $0x60  }
0xae: {  	[dreg:$0x2] =	wrdreg s2  }
0xaf: {  	[dreg:$0x3] =	wrdreg s24  }
0xb0: {  	[dreg:$0x4] =	wrdreg $0xD1000  }
0xb1: {  	[dreg:$0x5] =	wrdreg $0xFD000  }
0xb2: {  	[dreg:$0x6] =	wrdreg $0x9  }
0xb3: {  	_ =	task.clear_ibuf [dreg:s7], $0x7FFFF;
	_ =	strace $0x90000046  }
0xb4: {  	s29 =	simm.s32 $0x9;
	_ =	strace $0x80000048  }
0xb5: {  	_ =	swait.ge [sflag:s29], $0x1  }
0xb6: {  	[sflag:s29] =	ssyncadd.s32 $0xFFFFFFFF  }
0xb7: {  	_ =	strace $0x90000048  }
0xb8: {  	_ =	sfence  }
0xb9: {  	s30 =	sld [smem:$0x0];
	_ =	sdelay $0x2  }
0xba: {  	s31 =	sshll.u32 s1, $0xD;
	s1 =	sshrl.u32 s1, $0x2  }
0xbb: {  	s3 =	sand.u32 $0x4000, s31;
	s1 =	sadd.s32 s1, s30  }
0xbc: {  	s0 =	sor.u32 s3, s0;
	s1 =	sshll.u32 s1, $0x11  }
0xbd: {  	s0 =	sor.u32 s1, s0  }
0xbe: {  	s0 =	sadd.s32 $0x8F2B, s0  }
0xbf: {  	[sflag:s0] =	ssyncadd.remote.s32 $0x1  }
0xc0: {  	_ =	sfence.sel $0xFFFF  }
0xc1: {  	[dreg:$0x0] =	wrdreg $0xFFFFFFFF;
	(pc) =	sbr.abs _section_cstart, $3  }
0xc2: {  	[dreg:$0x1] =	wrdreg $0xFFFFFFFF  }
0xc3: {  	_ =	task.clear_ibuf [dreg:s7], $0x2FFFF;
	_ =	strace $0x9FFFFFFF  }
0xc4: {  	(tm) =	ssettm $0x7FFFFFFF  }
0xc5: {  	_ =	shalt  }
tec
execute0_lowered:
.L_overlay_start_1:
0x0: {  	(tag) =	ssettag $0x1  }
0x1: {  	s7 =	rddreg [dreg:$0x0]  }
0x2: {  	s8 =	rddreg [dreg:$0x1]  }
0x3: {  	s1 =	rddreg [dreg:$0x2]  }
0x4: {  	s3 =	rddreg [dreg:$0x3]  }
0x5: {  	s0 =	rddreg [dreg:$0x4];
	s4 =	simm.s32 $0x0;
	s2 =	stileid.u32  }
0x6: {  	s5 =	srdreg.scid;
	s16 =	simm.s32 $0x2800;
	s17 =	simm.s32 $0x5000  }
0x7: {  	s18 =	simm.s32 $0x7800;
	s19 =	simm.s32 $0xA400;
	s20 =	simm.s32 $0x80  }
0x8: {  	s21 =	simm.s32 $0xD080;
	s22 =	simm.s32 $0xD000;
	s26 =	simm.s32 $0x0  }
0x9: {  	[smem:$0x7FF] =	sst s4;
	s9 =	smul.u32 $0x500, s2;
	s10 =	sand.u32 $0x1, s5  }
0xa: {  	s11 =	smul.u32 $0x5800, s2;
	s5 =	sadd.s32 $0x2800, s8;
	s6 =	sadd.s32 $0x2E00, s8  }
0xb: {  	s25 =	smul.u32 $0x2C00, s2;
	s23 =	sshll.u32 s2, $0x6;
	_ =	strace $0x80000047  }
0xc: {  	s13 =	sshll.u32 s10, $0x7;
	s31 =	ssub.s32 $0x2, s10;
	s24 =	smul.u32 $0x2800, s10  }
0xd: {  	s23 =	sor.u32 $0x1C01, s23;
	s12 =	sadd.s32 s9, s8;
	s11 =	sor.u32 s13, s11  }
0xe: {  	s14 =	sshrl.u32 s31, $0x1;
	s7 =	sadd.s32 s7, s9;
	s10 =	sadd.s32 s25, s1  }
0xf: {  	s11 =	sshrl.u32 s11, $0x3;
	s14 =	ssub.s32 s31, s14;
	s9 =	sadd.s32 $0x3400, s12  }
0x10: {  	v0 =	vmov s24;
	s24 =	simm.s32 $0x20;
	s15 =	sadd.s32 s11, s8;
	s8 =	sadd.s32 $0x8400, s12  }
0x11: {  	v1 =	vmov s25;
	s11 =	sadd.s32 s25, s3;
	s14 =	smax.u32 s14, $0x1;
	s25 =	simm.s32 $0x10  }
0x12: {  	s12 =	sadd.s32 $0xD400, s15;
	s13 =	sadd.s32 $0x18400, s15;
	s15 =	simm.s32 $0x1  }
.LBB2_1:
0x13: {  	[tilespmem:s4], [sflag:$0x1] =	stream.linear.gather [hbm4b:s7+s4], $0x2800, $0x38;
	[tilespmem:$0x12900] =	vst v63  }
0x14: {  	_ =	swait.ge [sflag:s15], $0x2800  }
0x15: {  	[sflag:s15] =	ssyncset.done $0x0  }
0x16: {  	[sflag:s15] =	ssyncadd.s32 $0xFFFFD800  }
0x17: {  	[tilespmem:s16], [sflag:$0x1] =	stream.linear.gather [hbm4b:s8+s4], $0x2800, $0x38;
	[tilespmem:$0x12900] =	vst v63  }
0x18: {  	_ =	swait.ge [sflag:s15], $0x2800  }
0x19: {  	[sflag:s15] =	ssyncset.done $0x0  }
0x1a: {  	[sflag:s15] =	ssyncadd.s32 $0xFFFFD800  }
0x1b: {  	[tilespmem:s17], [sflag:$0x1] =	stream.linear.gather [hbm4b:s9+s4], $0x2800, $0x38;
	[tilespmem:$0x12900] =	vst v63  }
0x1c: {  	_ =	swait.ge [sflag:s15], $0x2800  }
0x1d: {  	[sflag:s15] =	ssyncset.done $0x0  }
0x1e: {  	[sflag:s15] =	ssyncadd.s32 $0xFFFFD800  }
0x1f: {  	[tilespmem:s18], [sflag:$0x1] =	stream.linear.gather [hbm4b:s5+s4], $0x2C00, $0x38;
	[tilespmem:$0x12900] =	vst v63  }
0x20: {  	_ =	swait.ge [sflag:s15], $0x2C00  }
0x21: {  	[sflag:s15] =	ssyncset.done $0x0  }
0x22: {  	[sflag:s15] =	ssyncadd.s32 $0xFFFFD400  }
0x23: {  	[tilespmem:s19], [sflag:$0x1] =	stream.linear.gather [hbm4b:s6+s4], $0x2C00, $0x38;
	[tilespmem:$0x12900] =	vst v63  }
0x24: {  	_ =	swait.ge [sflag:s15], $0x2C00  }
0x25: {  	[sflag:s15] =	ssyncset.done $0x0  }
0x26: {  	s28 =	simm.s32 $0x0;
	s29 =	simm.s32 $0x40;
	[sflag:s15] =	ssyncadd.s32 $0xFFFFD400  }
.LBB2_2:
0x27: {  	p0 =	sne.s32 s29, $0xAFC0;
	v2 =	vld [tilespmem:s28+$0x7800];
	_ =	sdelay $0x1  }
.Ltmp0:
0x28: {  	(pc) =	sbr.rel @p0 .LBB2_2-.Ltmp0, $3  }
0x29: {  	_ =	sdelay $0x1  }
0x2a: {  	v2 =	vadd.s32 v0, v2  }
0x2b: {  	[tilespmem:s28+$0x7800] =	vst v2;
	s28 =	sshra.s32 s29, $0x2;
	s29 =	sadd.s32 $0x40, s29  }
0x2c: {  	v2 =	vld [tilespmem:s28+$0x7800];
	_ =	sdelay $0x4  }
0x2d: {  	v2 =	vadd.s32 v0, v2  }
0x2e: {  	[tilespmem:s28+$0x7800] =	vst v2  }
0x2f: {  	[spmem:s10] =	stream.linear.scatter [tilespmem:s18], [sflag:$0x1], $0x2C00, $0x38;
	[tilespmem:$0x12900] =	vst v63  }
0x30: {  	_ =	swait.ge [sflag:s15], $0x2C00  }
0x31: {  	[sflag:s15] =	ssyncset.done $0x0  }
0x32: {  	[sflag:s15] =	ssyncadd.s32 $0xFFFFD400  }
0x33: {  	[spmem:s11] =	stream.linear.scatter [tilespmem:s19], [sflag:$0x1], $0x2C00, $0x38;
	[tilespmem:$0x12900] =	vst v63  }
0x34: {  	_ =	swait.ge [sflag:s15], $0x2C00  }
0x35: {  	[sflag:s15] =	ssyncset.done $0x0  }
0x36: {  	s28 =	simm.s32 $0x0;
	[sflag:s15] =	ssyncadd.s32 $0xFFFFD400  }
0x37: {  	v2 =	vld [tilespmem:s28+$0x0];
	_ =	sdelay $0x4  }
0x38: {  	v2 =	vadd.s32 v0, v2  }
0x39: {  	[tilespmem:$0xD000] =	vst v2  }
0x3a: {  	v2 =	vld [tilespmem:s28+$0x5000];
	_ =	sdelay $0x4  }
0x3b: {  	v2 =	vadd.s32 v1, v2  }
0x3c: {  	[tilespmem:$0xD080] =	vst v2  }
0x3d: {  	v2 =	vld [tilespmem:s28+$0x10];
	_ =	sdelay $0x4  }
0x3e: {  	v2 =	vadd.s32 v0, v2  }
0x3f: {  	[tilespmem:$0xD010] =	vst v2  }
0x40: {  	v2 =	vld [tilespmem:s28+$0x5010];
	_ =	sdelay $0x4  }
0x41: {  	v2 =	vadd.s32 v1, v2  }
0x42: {  	[tilespmem:$0xD090] =	vst v2  }
0x43: {  	v2 =	vld [tilespmem:s28+$0x20];
	_ =	sdelay $0x4  }
0x44: {  	v2 =	vadd.s32 v0, v2  }
0x45: {  	[tilespmem:$0xD020] =	vst v2  }
0x46: {  	v2 =	vld [tilespmem:s28+$0x5020];
	_ =	sdelay $0x4  }
0x47: {  	v2 =	vadd.s32 v1, v2  }
0x48: {  	[tilespmem:$0xD0A0] =	vst v2  }
0x49: {  	v2 =	vld [tilespmem:s28+$0x30];
	_ =	sdelay $0x4  }
0x4a: {  	v2 =	vadd.s32 v0, v2  }
0x4b: {  	[tilespmem:$0xD030] =	vst v2  }
0x4c: {  	v2 =	vld [tilespmem:s28+$0x5030];
	_ =	sdelay $0x4  }
0x4d: {  	v2 =	vadd.s32 v1, v2  }
0x4e: {  	[tilespmem:$0xD0B0] =	vst v2  }
0x4f: {  	v2 =	vld [tilespmem:s28+$0x40];
	_ =	sdelay $0x4  }
0x50: {  	v2 =	vadd.s32 v0, v2  }
0x51: {  	[tilespmem:$0xD040] =	vst v2  }
0x52: {  	v2 =	vld [tilespmem:s28+$0x5040];
	_ =	sdelay $0x4  }
0x53: {  	v2 =	vadd.s32 v1, v2  }
0x54: {  	[tilespmem:$0xD0C0] =	vst v2  }
0x55: {  	v2 =	vld [tilespmem:s28+$0x50];
	_ =	sdelay $0x4  }
0x56: {  	v2 =	vadd.s32 v0, v2  }
0x57: {  	[tilespmem:$0xD050] =	vst v2  }
0x58: {  	v2 =	vld [tilespmem:s28+$0x5050];
	_ =	sdelay $0x4  }
0x59: {  	v2 =	vadd.s32 v1, v2  }
0x5a: {  	[tilespmem:$0xD0D0] =	vst v2  }
0x5b: {  	v2 =	vld [tilespmem:s28+$0x60];
	_ =	sdelay $0x4  }
0x5c: {  	v2 =	vadd.s32 v0, v2  }
0x5d: {  	[tilespmem:$0xD060] =	vst v2  }
0x5e: {  	v2 =	vld [tilespmem:s28+$0x5060];
	_ =	sdelay $0x4  }
0x5f: {  	v2 =	vadd.s32 v1, v2  }
0x60: {  	[tilespmem:$0xD0E0] =	vst v2  }
0x61: {  	v2 =	vld [tilespmem:s28+$0x70];
	_ =	sdelay $0x4  }
0x62: {  	v2 =	vadd.s32 v0, v2  }
0x63: {  	[tilespmem:$0xD070] =	vst v2  }
0x64: {  	v2 =	vld [tilespmem:s28+$0x5070];
	_ =	sdelay $0x4  }
0x65: {  	v2 =	vadd.s32 v1, v2  }
0x66: {  	[tilespmem:$0xD0F0] =	vst v2  }
0x67: {  	[spmem:s1] =	stream.indirect.scatter [tilespmem:s22], [sflag:$0x1], $0x1, s21, s20, $0xb8;
	[tilespmem:$0x12900] =	vst v63  }
0x68: {  	_ =	swait.ge [sflag:s15], $0x80  }
0x69: {  	[sflag:s15] =	ssyncset.done $0x0  }
0x6a: {  	s28 =	simm.s32 $0x2800;
	[sflag:s15] =	ssyncadd.s32 $0xFFFFFF80  }
0x6b: {  	[spmem:s3] =	stream.indirect.scatter [tilespmem:s28], [sflag:$0x1], $0x1, s21, s20, $0xb8;
	[tilespmem:$0x12900] =	vst v63  }
0x6c: {  	_ =	swait.ge [sflag:s15], $0x80  }
0x6d: {  	s31 =	simm.s32 $0x400;
	s28 =	simm.s32 $0x200;
	[sflag:s15] =	ssyncset.done $0x0  }
.LBB2_4:
0x6e: {  	s30 =	sshra.s32 s28, $0x2  }
0x6f: {  	[sflag:s15] =	ssyncadd.s32 $0xFFFFFF80;
	s28 =	smov.u32 s31;
	s29 =	sadd.s32 $0x200, s31  }
0x70: {  	p0 =	sne.s32 s31, $0x9E00;
	v2 =	vld [tilespmem:s30+$0x0];
	_ =	sdelay $0x4  }
0x71: {  	v2 =	vadd.s32 v0, v2  }
0x72: {  	[tilespmem:$0xD000] =	vst v2  }
0x73: {  	v2 =	vld [tilespmem:s30+$0x5000];
	_ =	sdelay $0x4  }
0x74: {  	v2 =	vadd.s32 v1, v2  }
0x75: {  	[tilespmem:$0xD080] =	vst v2  }
0x76: {  	v2 =	vld [tilespmem:s30+$0x10];
	_ =	sdelay $0x4  }
0x77: {  	v2 =	vadd.s32 v0, v2  }
0x78: {  	[tilespmem:$0xD010] =	vst v2  }
0x79: {  	v2 =	vld [tilespmem:s30+$0x5010];
	_ =	sdelay $0x4  }
0x7a: {  	v2 =	vadd.s32 v1, v2  }
0x7b: {  	[tilespmem:$0xD090] =	vst v2  }
0x7c: {  	v2 =	vld [tilespmem:s30+$0x20];
	_ =	sdelay $0x4  }
0x7d: {  	v2 =	vadd.s32 v0, v2  }
0x7e: {  	[tilespmem:$0xD020] =	vst v2  }
0x7f: {  	v2 =	vld [tilespmem:s30+$0x5020];
	_ =	sdelay $0x4  }
0x80: {  	v2 =	vadd.s32 v1, v2  }
0x81: {  	[tilespmem:$0xD0A0] =	vst v2  }
0x82: {  	v2 =	vld [tilespmem:s30+$0x30];
	_ =	sdelay $0x4  }
0x83: {  	v2 =	vadd.s32 v0, v2  }
0x84: {  	[tilespmem:$0xD030] =	vst v2  }
0x85: {  	v2 =	vld [tilespmem:s30+$0x5030];
	_ =	sdelay $0x4  }
0x86: {  	v2 =	vadd.s32 v1, v2  }
0x87: {  	[tilespmem:$0xD0B0] =	vst v2  }
0x88: {  	v2 =	vld [tilespmem:s30+$0x40];
	_ =	sdelay $0x4  }
0x89: {  	v2 =	vadd.s32 v0, v2  }
0x8a: {  	[tilespmem:$0xD040] =	vst v2  }
0x8b: {  	v2 =	vld [tilespmem:s30+$0x5040];
	_ =	sdelay $0x4  }
0x8c: {  	v2 =	vadd.s32 v1, v2  }
0x8d: {  	[tilespmem:$0xD0C0] =	vst v2  }
0x8e: {  	v2 =	vld [tilespmem:s30+$0x50];
	_ =	sdelay $0x4  }
0x8f: {  	v2 =	vadd.s32 v0, v2  }
0x90: {  	[tilespmem:$0xD050] =	vst v2  }
0x91: {  	v2 =	vld [tilespmem:s30+$0x5050];
	_ =	sdelay $0x4  }
0x92: {  	v2 =	vadd.s32 v1, v2  }
0x93: {  	[tilespmem:$0xD0D0] =	vst v2  }
0x94: {  	v2 =	vld [tilespmem:s30+$0x60];
	_ =	sdelay $0x4  }
0x95: {  	v2 =	vadd.s32 v0, v2  }
0x96: {  	[tilespmem:$0xD060] =	vst v2  }
0x97: {  	v2 =	vld [tilespmem:s30+$0x5060];
	_ =	sdelay $0x4  }
0x98: {  	v2 =	vadd.s32 v1, v2  }
0x99: {  	[tilespmem:$0xD0E0] =	vst v2  }
0x9a: {  	v2 =	vld [tilespmem:s30+$0x70];
	_ =	sdelay $0x4  }
0x9b: {  	v2 =	vadd.s32 v0, v2  }
0x9c: {  	[tilespmem:$0xD070] =	vst v2  }
0x9d: {  	v2 =	vld [tilespmem:s30+$0x5070];
	_ =	sdelay $0x4  }
0x9e: {  	v2 =	vadd.s32 v1, v2  }
0x9f: {  	[tilespmem:$0xD0F0] =	vst v2  }
0xa0: {  	[spmem:s1] =	stream.indirect.scatter [tilespmem:s22], [sflag:$0x1], $0x1, s21, s20, $0xb8;
	[tilespmem:$0x12900] =	vst v63  }
0xa1: {  	_ =	swait.ge [sflag:s15], $0x80  }
.Ltmp1:
0xa2: {  	[sflag:s15] =	ssyncset.done $0x0;
	(pc) =	sbr.rel @p0 .LBB2_4-.Ltmp1, $4  }
0xa3: {  	s30 =	sadd.s32 $0x2800, s30;
	[sflag:s15] =	ssyncadd.s32 $0xFFFFFF80  }
0xa4: {  	[spmem:s3] =	stream.indirect.scatter [tilespmem:s30], [sflag:$0x1], $0x1, s21, s20, $0xb8;
	[tilespmem:$0x12900] =	vst v63  }
0xa5: {  	_ =	swait.ge [sflag:s15], $0x80  }
0xa6: {  	s31 =	smov.u32 s29;
	[sflag:s15] =	ssyncset.done $0x0  }
0xa7: {  	s28 =	sshra.s32 s28, $0x2;
	[sflag:s15] =	ssyncadd.s32 $0xFFFFFF80  }
0xa8: {  	v2 =	vld [tilespmem:s28+$0x0];
	_ =	sdelay $0x4  }
0xa9: {  	v2 =	vadd.s32 v0, v2  }
0xaa: {  	[tilespmem:$0xD000] =	vst v2  }
0xab: {  	v2 =	vld [tilespmem:s28+$0x5000];
	_ =	sdelay $0x4  }
0xac: {  	v2 =	vadd.s32 v1, v2  }
0xad: {  	[tilespmem:$0xD080] =	vst v2  }
0xae: {  	v2 =	vld [tilespmem:s28+$0x10];
	_ =	sdelay $0x4  }
0xaf: {  	v2 =	vadd.s32 v0, v2  }
0xb0: {  	[tilespmem:$0xD010] =	vst v2  }
0xb1: {  	v2 =	vld [tilespmem:s28+$0x5010];
	_ =	sdelay $0x4  }
0xb2: {  	v2 =	vadd.s32 v1, v2  }
0xb3: {  	[tilespmem:$0xD090] =	vst v2  }
0xb4: {  	v2 =	vld [tilespmem:s28+$0x20];
	_ =	sdelay $0x4  }
0xb5: {  	v2 =	vadd.s32 v0, v2  }
0xb6: {  	[tilespmem:$0xD020] =	vst v2  }
0xb7: {  	v2 =	vld [tilespmem:s28+$0x5020];
	_ =	sdelay $0x4  }
0xb8: {  	v2 =	vadd.s32 v1, v2  }
0xb9: {  	[tilespmem:$0xD0A0] =	vst v2  }
0xba: {  	v2 =	vld [tilespmem:s28+$0x30];
	_ =	sdelay $0x4  }
0xbb: {  	v2 =	vadd.s32 v0, v2  }
0xbc: {  	[tilespmem:$0xD030] =	vst v2  }
0xbd: {  	v2 =	vld [tilespmem:s28+$0x5030];
	_ =	sdelay $0x4  }
0xbe: {  	v2 =	vadd.s32 v1, v2  }
0xbf: {  	[tilespmem:$0xD0B0] =	vst v2  }
0xc0: {  	v2 =	vld [tilespmem:s28+$0x40];
	_ =	sdelay $0x4  }
0xc1: {  	v2 =	vadd.s32 v0, v2  }
0xc2: {  	[tilespmem:$0xD040] =	vst v2  }
0xc3: {  	v2 =	vld [tilespmem:s28+$0x5040];
	_ =	sdelay $0x4  }
0xc4: {  	v2 =	vadd.s32 v1, v2  }
0xc5: {  	[tilespmem:$0xD0C0] =	vst v2  }
0xc6: {  	v2 =	vld [tilespmem:s28+$0x50];
	_ =	sdelay $0x4  }
0xc7: {  	v2 =	vadd.s32 v0, v2  }
0xc8: {  	[tilespmem:$0xD050] =	vst v2  }
0xc9: {  	v2 =	vld [tilespmem:s28+$0x5050];
	_ =	sdelay $0x4  }
0xca: {  	v2 =	vadd.s32 v1, v2  }
0xcb: {  	[tilespmem:$0xD0D0] =	vst v2  }
0xcc: {  	v2 =	vld [tilespmem:s28+$0x60];
	_ =	sdelay $0x4  }
0xcd: {  	v2 =	vadd.s32 v0, v2  }
0xce: {  	[tilespmem:$0xD060] =	vst v2  }
0xcf: {  	v2 =	vld [tilespmem:s28+$0x5060];
	_ =	sdelay $0x4  }
0xd0: {  	v2 =	vadd.s32 v1, v2  }
0xd1: {  	[tilespmem:$0xD0E0] =	vst v2  }
0xd2: {  	v2 =	vld [tilespmem:s28+$0x70];
	_ =	sdelay $0x4  }
0xd3: {  	v2 =	vadd.s32 v0, v2  }
0xd4: {  	[tilespmem:$0xD070] =	vst v2  }
0xd5: {  	v2 =	vld [tilespmem:s28+$0x5070];
	_ =	sdelay $0x4  }
0xd6: {  	v2 =	vadd.s32 v1, v2  }
0xd7: {  	[tilespmem:$0xD0F0] =	vst v2  }
0xd8: {  	[spmem:s1] =	stream.indirect.scatter [tilespmem:s22], [sflag:$0x1], $0x1, s21, s20, $0xb8;
	[tilespmem:$0x12900] =	vst v63  }
0xd9: {  	_ =	swait.ge [sflag:s15], $0x80  }
0xda: {  	[sflag:s15] =	ssyncset.done $0x0  }
0xdb: {  	s28 =	sadd.s32 $0x2800, s28;
	[sflag:s15] =	ssyncadd.s32 $0xFFFFFF80  }
0xdc: {  	[spmem:s3] =	stream.indirect.scatter [tilespmem:s28], [sflag:$0x1], $0x1, s21, s20, $0xb8;
	[tilespmem:$0x12900] =	vst v63  }
0xdd: {  	_ =	swait.ge [sflag:s15], $0x80  }
0xde: {  	[sflag:s15] =	ssyncset.done $0x0  }
0xdf: {  	s30 =	sshrl.u32 s10, $0x3;
	[sflag:s15] =	ssyncadd.s32 $0xFFFFFF80  }
0xe0: {  	[hbm:s12@s24], [sflag:s23] =	dma.strided [spmem:s30@s25], $0x580, s15, $0x10   }
0xe1: {  	s26 =	sadd.s32 $0x1, s26;
	_ =	swait.ge [sflag:s15], $0x580  }
0xe2: {  	p0 =	sne.s32 s26, s14;
	[sflag:s15] =	ssyncset.done $0x0  }
.Ltmp2:
0xe3: {  	s31 =	sshrl.u32 s11, $0x3;
	[sflag:s15] =	ssyncadd.s32 $0xFFFFFA80;
	(pc) =	sbr.rel @p0 .LBB2_1-.Ltmp2, $4  }
0xe4: {  	[hbm:s13@s24], [sflag:s23] =	dma.strided [spmem:s31@s25], $0x580, s15, $0x10   }
0xe5: {  	_ =	swait.ge [sflag:s15], $0x580  }
0xe6: {  	[sflag:s15] =	ssyncset.done $0x0  }
0xe7: {  	[sflag:s15] =	ssyncadd.s32 $0xFFFFFA80  }
0xe8: {  	_ =	sfence.sel $0x180000  }
0xe9: {  	[bflag:$0x0] =	sbarrier.arrive $0xFFFF  }
0xea: {  	p0 =	sne.s32 s2, $0x0;
	_ =	strace $0x90000047  }
0xeb: {  	s0 =	sadd.s32 @!p0 $0x100000, s0;
	[bflag:$0x2] =	sbarrier.arrive $0xFFFF  }
0xec: {  	[sflag:s0] =	ssyncadd.tile.s32 @!p0 $0x1;
	_ =	shalt  }
.Lfunc_end2:
_tile_overlayer_lowered:
.L_overlay_start_2:
0xed: {  	(tag) =	ssettag $0x2  }
0xee: {  	s0 =	rddreg [dreg:$0x0];
	s2 =	stileid.u32  }
0xef: {  	s1 =	rddreg [dreg:$0x1];
	p0 =	sne.s32 s2, $0x0  }
0xf0: {  	s3 =	rddreg [dreg:$0x2];
	[bflag:$0x3] =	sbarrier.arrive $0xFFFF;
	s2 =	simm.s32 @!p0 $0x1C01  }
0xf1: {  	[timem:s3], [sflag:s2] =	dma.local @!p0 [hbm:s0], s1  }
0xf2: {  	s0 =	simm.s32 @!p0 $0x1  }
0xf3: {  	_ =	swait.ge @!p0 [sflag:s0], s1  }
0xf4: {  	s1 =	ssub.s32 @!p0 $0x0, s1;
	[sflag:s0] =	ssyncset.done @!p0 $0x0  }
0xf5: {  	[sflag:s0] =	ssyncadd.s32 @!p0 s1  }
0xf6: {  	[bflag:$0x3] =	sbarrier.arrive $0xFFFF  }
0xf7: {  	_ =	shalt  }

</sc_bundles>
